<compile_context>
chip_gen: v7x
topology: tpu7x:2x2x1
jax: 0.10.2.dev20260603
libtpu: 0.0.44.dev20260713+nightly
codegen_flags: <defaults>
</compile_context>

<pallas_src>
import functools

import jax
import jax.numpy as jnp
from jax import lax
from jax.experimental import pallas as pl
from jax.experimental.pallas import tpu as pltpu
from jax.experimental.pallas import tpu_sc as plsc

B = 256
WENC = 4096
WDEC = 4096
MAXS = 2048
NC = 2
NS = 16
NW = NC * NS
ROWS = B // NW
BUF = WENC + 2 * MAXS
L = 16
CHUNKS = WENC // L
OSLOTS = 4
YD_BR = 32


def _frames_sc(xe, xe_lens, xt, xt_lens, prev):
    mesh = plsc.VectorSubcoreMesh(core_axis_name="c", subcore_axis_name="s")

    @functools.partial(
        pl.kernel,
        mesh=mesh,
        compiler_params=pltpu.CompilerParams(needs_layout_passes=False),
        out_type=[
            jax.ShapeDtypeStruct((B, WENC), jnp.int32),
            jax.ShapeDtypeStruct((B, WENC), jnp.int32),
        ],
        scratch_types=(
            [pltpu.VMEM((BUF,), jnp.int32) for _ in range(ROWS)]
            + [pltpu.VMEM((WENC,), jnp.int32) for _ in range(OSLOTS)]
            + [pltpu.VMEM((WENC,), jnp.int32) for _ in range(OSLOTS)]
            + [
                pltpu.VMEM((L,), jnp.int32),
                pltpu.VMEM((L,), jnp.int32),
                pltpu.SemaphoreType.DMA,
            ]
            + [pltpu.SemaphoreType.DMA for _ in range(ROWS)]
            + [pltpu.SemaphoreType.DMA for _ in range(OSLOTS)]
        ),
    )
    def k(xe_h, el_h, xt_h, tl_h, prev_h, ye_h, p_h, *scr):
        bufs = scr[:ROWS]
        yes = scr[ROWS:ROWS + OSLOTS]
        ps = scr[ROWS + OSLOTS:ROWS + 2 * OSLOTS]
        n = ROWS + 2 * OSLOTS
        el_v, tl_v, sem_lens = scr[n:n + 3]
        sem_in = scr[n + 3:n + 3 + ROWS]
        sem_out = scr[n + 3 + ROWS:]

        wid = lax.axis_index("s") * NC + lax.axis_index("c")
        base = wid * ROWS
        lanes = lax.iota(jnp.int32, L)

        lens_handles = (
            pltpu.async_copy(el_h.at[pl.ds(base, ROWS)],
                             el_v.at[pl.ds(0, ROWS)], sem_lens),
            pltpu.async_copy(tl_h.at[pl.ds(base, ROWS)],
                             tl_v.at[pl.ds(0, ROWS)], sem_lens),
        )
        in_flight = []
        for r in range(ROWS):
            buf = bufs[r]
            row = base + r
            s = sem_in[r]
            in_flight.append((
                pltpu.async_copy(prev_h.at[row], buf.at[pl.ds(0, WENC)], s),
                pltpu.async_copy(xe_h.at[row], buf.at[pl.ds(WENC, MAXS)], s),
                pltpu.async_copy(xt_h.at[row],
                                 buf.at[pl.ds(WENC + MAXS, MAXS)], s),
            ))

        for h in lens_handles:
            h.wait()
        el_vec = el_v[...]
        tl_vec = tl_v[...]

        out_flight = {}
        for r in range(ROWS):
            slot = r % OSLOTS
            row = base + r
            if r - OSLOTS in out_flight:
                for h in out_flight.pop(r - OSLOTS):
                    h.wait()
            for h in in_flight[r]:
                h.wait()

            el = el_vec[r]
            tl = tl_vec[r]
            el_lanes = el + lanes
            p_lanes = el_lanes + tl
            xt_lanes = el_lanes + WENC
            buf = bufs[r]
            yev = yes[slot]
            pv = ps[slot]

            @pl.loop(0, CHUNKS, unroll=2)
            def _(kk):
                off = pl.multiple_of(kk * L, L)
                yev[pl.ds(off, L)] = plsc.load_gather(buf, [el_lanes + off])

            @pl.loop(0, MAXS // L, unroll=2)
            def _(kk):
                off = pl.multiple_of(kk * L, L)
                v = buf[pl.ds(WENC + MAXS + off, L)]
                plsc.store_scatter(buf, [xt_lanes + off], v)

            @pl.loop(0, CHUNKS, unroll=2)
            def _(kk):
                off = pl.multiple_of(kk * L, L)
                pv[pl.ds(off, L)] = plsc.load_gather(buf, [p_lanes + off])

            out_flight[r] = (
                pltpu.async_copy(yev, ye_h.at[row], sem_out[slot]),
                pltpu.async_copy(pv, p_h.at[row], sem_out[slot]),
            )

        for r, hs in sorted(out_flight.items()):
            for h in hs:
                h.wait()

    return k(xe, xe_lens, xt, xt_lens, prev)


def _pad_tc(xd):
    def body(x_ref, o_ref):
        o_ref[:, :MAXS] = x_ref[...]
        o_ref[:, MAXS:] = jnp.zeros((YD_BR, WDEC - MAXS), jnp.int32)

    return pl.pallas_call(
        body,
        grid=(B // YD_BR,),
        in_specs=[pl.BlockSpec((YD_BR, MAXS), lambda i: (i, 0))],
        out_specs=pl.BlockSpec((YD_BR, WDEC), lambda i: (i, 0)),
        out_shape=jax.ShapeDtypeStruct((B, WDEC), jnp.int32),
    )(xd)


def kernel(xe, xe_lens, xd, xd_lens, xt, xt_lens, prev):
    el = xe_lens.astype(jnp.int32)
    dl = xd_lens.astype(jnp.int32)
    ye, p = _frames_sc(xe, el, xt, xt_lens.astype(jnp.int32), prev)
    yd = _pad_tc(xd)
    return (ye, el, yd, dl, p)

# --- scband reference (transcript-rebuilt; emitter-appended) ---
"""Pipeline reference for scband-frames-28028956574058 (READ-ONLY COPY).

The authoritative reference and input builder live on the scoring server;
editing this copy changes nothing except your own understanding.
"""

import jax, jax.numpy as jnp
import numpy as np

B = 256        # ps.dim_batch
WENC = 4096    # ps.width_enc
WDEC = 4096    # ps.width_dec
MAXS = 2048    # max ragged row length for xe/xd/xt
VOCAB = 32000


def _mask_ragged(x, lens):
    # Mimic tf.RaggedTensor.to_tensor(): positions >= row length are zero.
    col = jnp.arange(x.shape[1], dtype=jnp.int32)[None, :]
    return jnp.where(col < lens[:, None], x, 0)


def setup_inputs(seed: int = 0) -> dict:
    key = jax.random.key(seed)
    ks = jax.random.split(key, 6)
    xe = jax.random.randint(ks[0], (B, MAXS), 0, VOCAB, dtype=jnp.int32)
    xe_lens = jax.random.randint(ks[1], (B,), 0, MAXS, dtype=jnp.int32)
    xd = jax.random.randint(ks[2], (B, MAXS), 0, VOCAB, dtype=jnp.int32)
    xd_lens = jax.random.randint(ks[3], (B,), 0, MAXS, dtype=jnp.int32)
    xt = jax.random.randint(ks[4], (B, MAXS), 0, VOCAB, dtype=jnp.int32)
    xt_lens = jax.random.randint(ks[5], (B,), 0, MAXS, dtype=jnp.int32)
    xe = _mask_ragged(xe, xe_lens)
    xd = _mask_ragged(xd, xd_lens)
    xt = _mask_ragged(xt, xt_lens)
    prev = jnp.zeros((B, WENC), dtype=jnp.int32)  # add_weight initializer='zeros'
    return {
        'xe': xe, 'xe_lens': xe_lens,
        'xd': xd, 'xd_lens': xd_lens,
        'xt': xt, 'xt_lens': xt_lens,
        'prev': prev,
    }


def _calc_gather(full, lens, width):
    # Equivalent of tf.gather_nd(full, calc_idxs(lens)): per-row sliding window
    # of size `width` starting at offset lens[i].
    idx = lens[:, None].astype(jnp.int32) + jnp.arange(width, dtype=jnp.int32)[None, :]
    return jnp.take_along_axis(full, idx, axis=1)


def reference(xe, xe_lens, xd, xd_lens, xt, xt_lens, prev):
    # ye = last WENC tokens of (prev || xe)  [ragged concat + windowed gather]
    el = xe_lens.astype(jnp.int32)
    ye_full = jnp.concatenate([prev, xe], axis=1)
    ye = _calc_gather(ye_full, el, WENC)

    # yd = xd.to_tensor() padded on the right up to WDEC columns
    dl = xd_lens.astype(jnp.int32)
    c = WDEC - xd.shape[1]
    yd = jnp.pad(xd, ((0, 0), (0, c)))

    # new prev state p = last WENC tokens of (ye || xt)
    tl = xt_lens.astype(jnp.int32)
    p_full = jnp.concatenate([ye, xt], axis=1)
    p = _calc_gather(p_full, tl, WENC)

    # Original returns [ye, el, yd, dl] and assigns p to self.prev (stateful).
    # JAX is functional, so the updated state p is returned as an extra output.
    return (ye, el, yd, dl, p)

if __name__ == "__main__":
    import jax
    _d = setup_inputs()
    print(jax.jit(kernel)(*tuple(_d.values())))

</pallas_src>

<mosaic_0001>
#map = affine_map<(d0, d1) -> (0, 0)>
#map1 = affine_map<(d0, d1) -> (0)>
module attributes {stable_mosaic.version = 14 : i64} {
  func.func @k(%arg0: i32, %arg1: i32, %arg2: memref<256x2048xi32, #tpu.memory_space<hbm>>, %arg3: memref<256xi32, #tpu.memory_space<hbm>>, %arg4: memref<256x2048xi32, #tpu.memory_space<hbm>>, %arg5: memref<256xi32, #tpu.memory_space<hbm>>, %arg6: memref<256x4096xi32, #tpu.memory_space<hbm>>, %arg7: memref<256x4096xi32, #tpu.memory_space<hbm>>, %arg8: memref<256x4096xi32, #tpu.memory_space<hbm>>, %arg9: memref<8192xi32, #tpu.memory_space<vmem>>, %arg10: memref<8192xi32, #tpu.memory_space<vmem>>, %arg11: memref<8192xi32, #tpu.memory_space<vmem>>, %arg12: memref<8192xi32, #tpu.memory_space<vmem>>, %arg13: memref<8192xi32, #tpu.memory_space<vmem>>, %arg14: memref<8192xi32, #tpu.memory_space<vmem>>, %arg15: memref<8192xi32, #tpu.memory_space<vmem>>, %arg16: memref<8192xi32, #tpu.memory_space<vmem>>, %arg17: memref<4096xi32, #tpu.memory_space<vmem>>, %arg18: memref<4096xi32, #tpu.memory_space<vmem>>, %arg19: memref<4096xi32, #tpu.memory_space<vmem>>, %arg20: memref<4096xi32, #tpu.memory_space<vmem>>, %arg21: memref<4096xi32, #tpu.memory_space<vmem>>, %arg22: memref<4096xi32, #tpu.memory_space<vmem>>, %arg23: memref<4096xi32, #tpu.memory_space<vmem>>, %arg24: memref<4096xi32, #tpu.memory_space<vmem>>, %arg25: memref<16xi32, #tpu.memory_space<vmem>>, %arg26: memref<16xi32, #tpu.memory_space<vmem>>, %arg27: memref<!tpu.dma_semaphore, #tpu.memory_space<semaphore_mem>>, %arg28: memref<!tpu.dma_semaphore, #tpu.memory_space<semaphore_mem>>, %arg29: memref<!tpu.dma_semaphore, #tpu.memory_space<semaphore_mem>>, %arg30: memref<!tpu.dma_semaphore, #tpu.memory_space<semaphore_mem>>, %arg31: memref<!tpu.dma_semaphore, #tpu.memory_space<semaphore_mem>>, %arg32: memref<!tpu.dma_semaphore, #tpu.memory_space<semaphore_mem>>, %arg33: memref<!tpu.dma_semaphore, #tpu.memory_space<semaphore_mem>>, %arg34: memref<!tpu.dma_semaphore, #tpu.memory_space<semaphore_mem>>, %arg35: memref<!tpu.dma_semaphore, #tpu.memory_space<semaphore_mem>>, %arg36: memref<!tpu.dma_semaphore, #tpu.memory_space<semaphore_mem>>, %arg37: memref<!tpu.dma_semaphore, #tpu.memory_space<semaphore_mem>>, %arg38: memref<!tpu.dma_semaphore, #tpu.memory_space<semaphore_mem>>, %arg39: memref<!tpu.dma_semaphore, #tpu.memory_space<semaphore_mem>>) attributes {dimension_semantics = [#tpu.dimension_semantics<core_parallel>, #tpu.dimension_semantics<subcore_parallel>], iteration_bounds = array<i64: 2, 16>, scalar_prefetch = 0 : i64, scratch_operands = 31 : i64, tpu.core_type = #tpu.core_type<sc_vector_subcore>, window_params = [{transform_indices = #map}, {transform_indices = #map1}, {transform_indices = #map}, {transform_indices = #map1}, {transform_indices = #map}, {transform_indices = #map}, {transform_indices = #map}]} {
    %mul3A = arith.constant 2 : i32
    %mul3A_0 = arith.muli %arg1, %mul3A : i32
    %add3A = arith.addi %mul3A_0, %arg0 : i32
    %mul3A_1 = arith.constant 8 : i32
    %mul3A_2 = arith.muli %add3A, %mul3A_1 : i32
    %iota3A = tpu.iota {dimensions = array<i32: 0>} : vector<16xi32>
    %dma_start3A = arith.constant 0 : i32
    %dma_start3A_3 = tpu.memref_slice %arg25[%dma_start3A] : memref<16xi32, #tpu.memory_space<vmem>> -> memref<8xi32, #tpu.memory_space<vmem>>
    %dma_start3A_4 = tpu.memref_slice %arg3[%mul3A_2] : memref<256xi32, #tpu.memory_space<hbm>> -> memref<8xi32, #tpu.memory_space<hbm>>
    %dma_start3A_5 = arith.constant 0 : i32
    %dma_start3A_6 = tpu.memref_slice %arg25[%dma_start3A_5] : memref<16xi32, #tpu.memory_space<vmem>> -> memref<8xi32, #tpu.memory_space<vmem>>
    %dma_start3A_7 = tpu.memref_slice %arg3[%mul3A_2] : memref<256xi32, #tpu.memory_space<hbm>> -> memref<8xi32, #tpu.memory_space<hbm>>
    tpu.enqueue_dma source(%dma_start3A_7 : memref<8xi32, #tpu.memory_space<hbm>>) target(%dma_start3A_6 : memref<8xi32, #tpu.memory_space<vmem>>) target_semaphore(%arg27 : memref<!tpu.dma_semaphore, #tpu.memory_space<semaphore_mem>>)
    %dma_start3A_8 = arith.constant 0 : i32
    %dma_start3A_9 = tpu.memref_slice %arg26[%dma_start3A_8] : memref<16xi32, #tpu.memory_space<vmem>> -> memref<8xi32, #tpu.memory_space<vmem>>
    %dma_start3A_10 = tpu.memref_slice %arg5[%mul3A_2] : memref<256xi32, #tpu.memory_space<hbm>> -> memref<8xi32, #tpu.memory_space<hbm>>
    %dma_start3A_11 = arith.constant 0 : i32
    %dma_start3A_12 = tpu.memref_slice %arg26[%dma_start3A_11] : memref<16xi32, #tpu.memory_space<vmem>> -> memref<8xi32, #tpu.memory_space<vmem>>
    %dma_start3A_13 = tpu.memref_slice %arg5[%mul3A_2] : memref<256xi32, #tpu.memory_space<hbm>> -> memref<8xi32, #tpu.memory_space<hbm>>
    tpu.enqueue_dma source(%dma_start3A_13 : memref<8xi32, #tpu.memory_space<hbm>>) target(%dma_start3A_12 : memref<8xi32, #tpu.memory_space<vmem>>) target_semaphore(%arg27 : memref<!tpu.dma_semaphore, #tpu.memory_space<semaphore_mem>>)
    %add3A_14 = arith.constant 0 : i32
    %add3A_15 = arith.addi %mul3A_2, %add3A_14 : i32
    %dma_start3A_16 = arith.constant 0 : i32
    %dma_start3A_17 = tpu.memref_slice %arg9[%dma_start3A_16] : memref<8192xi32, #tpu.memory_space<vmem>> -> memref<4096xi32, #tpu.memory_space<vmem>>
    %dma_start3A_18 = arith.constant 0 : i32
    %dma_start3A_19 = tpu.memref_slice %arg6[%add3A_15, %dma_start3A_18] : memref<256x4096xi32, #tpu.memory_space<hbm>> -> memref<1x4096xi32, #tpu.memory_space<hbm>>
    %dma_start3A_20 = tpu.memref_squeeze %dma_start3A_19 : memref<1x4096xi32, #tpu.memory_space<hbm>> -> memref<4096xi32, #tpu.memory_space<hbm>>
    %dma_start3A_21 = arith.constant 0 : i32
    %dma_start3A_22 = tpu.memref_slice %arg9[%dma_start3A_21] : memref<8192xi32, #tpu.memory_space<vmem>> -> memref<4096xi32, #tpu.memory_space<vmem>>
    %dma_start3A_23 = arith.constant 0 : i32
    %dma_start3A_24 = tpu.memref_slice %arg6[%add3A_15, %dma_start3A_23] : memref<256x4096xi32, #tpu.memory_space<hbm>> -> memref<1x4096xi32, #tpu.memory_space<hbm>>
    %dma_start3A_25 = tpu.memref_squeeze %dma_start3A_24 : memref<1x4096xi32, #tpu.memory_space<hbm>> -> memref<4096xi32, #tpu.memory_space<hbm>>
    tpu.enqueue_dma source(%dma_start3A_25 : memref<4096xi32, #tpu.memory_space<hbm>>) target(%dma_start3A_22 : memref<4096xi32, #tpu.memory_space<vmem>>) target_semaphore(%arg28 : memref<!tpu.dma_semaphore, #tpu.memory_space<semaphore_mem>>)
    %dma_start3A_26 = arith.constant 4096 : i32
    %dma_start3A_27 = tpu.memref_slice %arg9[%dma_start3A_26] : memref<8192xi32, #tpu.memory_space<vmem>> -> memref<2048xi32, #tpu.memory_space<vmem>>
    %dma_start3A_28 = arith.constant 0 : i32
    %dma_start3A_29 = tpu.memref_slice %arg2[%add3A_15, %dma_start3A_28] : memref<256x2048xi32, #tpu.memory_space<hbm>> -> memref<1x2048xi32, #tpu.memory_space<hbm>>
    %dma_start3A_30 = tpu.memref_squeeze %dma_start3A_29 : memref<1x2048xi32, #tpu.memory_space<hbm>> -> memref<2048xi32, #tpu.memory_space<hbm>>
    %dma_start3A_31 = arith.constant 4096 : i32
    %dma_start3A_32 = tpu.memref_slice %arg9[%dma_start3A_31] : memref<8192xi32, #tpu.memory_space<vmem>> -> memref<2048xi32, #tpu.memory_space<vmem>>
    %dma_start3A_33 = arith.constant 0 : i32
    %dma_start3A_34 = tpu.memref_slice %arg2[%add3A_15, %dma_start3A_33] : memref<256x2048xi32, #tpu.memory_space<hbm>> -> memref<1x2048xi32, #tpu.memory_space<hbm>>
    %dma_start3A_35 = tpu.memref_squeeze %dma_start3A_34 : memref<1x2048xi32, #tpu.memory_space<hbm>> -> memref<2048xi32, #tpu.memory_space<hbm>>
    tpu.enqueue_dma source(%dma_start3A_35 : memref<2048xi32, #tpu.memory_space<hbm>>) target(%dma_start3A_32 : memref<2048xi32, #tpu.memory_space<vmem>>) target_semaphore(%arg28 : memref<!tpu.dma_semaphore, #tpu.memory_space<semaphore_mem>>)
    %dma_start3A_36 = arith.constant 6144 : i32
    %dma_start3A_37 = tpu.memref_slice %arg9[%dma_start3A_36] : memref<8192xi32, #tpu.memory_space<vmem>> -> memref<2048xi32, #tpu.memory_space<vmem>>
    %dma_start3A_38 = arith.constant 0 : i32
    %dma_start3A_39 = tpu.memref_slice %arg4[%add3A_15, %dma_start3A_38] : memref<256x2048xi32, #tpu.memory_space<hbm>> -> memref<1x2048xi32, #tpu.memory_space<hbm>>
    %dma_start3A_40 = tpu.memref_squeeze %dma_start3A_39 : memref<1x2048xi32, #tpu.memory_space<hbm>> -> memref<2048xi32, #tpu.memory_space<hbm>>
    %dma_start3A_41 = arith.constant 6144 : i32
    %dma_start3A_42 = tpu.memref_slice %arg9[%dma_start3A_41] : memref<8192xi32, #tpu.memory_space<vmem>> -> memref<2048xi32, #tpu.memory_space<vmem>>
    %dma_start3A_43 = arith.constant 0 : i32
    %dma_start3A_44 = tpu.memref_slice %arg4[%add3A_15, %dma_start3A_43] : memref<256x2048xi32, #tpu.memory_space<hbm>> -> memref<1x2048xi32, #tpu.memory_space<hbm>>
    %dma_start3A_45 = tpu.memref_squeeze %dma_start3A_44 : memref<1x2048xi32, #tpu.memory_space<hbm>> -> memref<2048xi32, #tpu.memory_space<hbm>>
    tpu.enqueue_dma source(%dma_start3A_45 : memref<2048xi32, #tpu.memory_space<hbm>>) target(%dma_start3A_42 : memref<2048xi32, #tpu.memory_space<vmem>>) target_semaphore(%arg28 : memref<!tpu.dma_semaphore, #tpu.memory_space<semaphore_mem>>)
    %add3A_46 = arith.constant 1 : i32
    %add3A_47 = arith.addi %mul3A_2, %add3A_46 : i32
    %dma_start3A_48 = arith.constant 0 : i32
    %dma_start3A_49 = tpu.memref_slice %arg10[%dma_start3A_48] : memref<8192xi32, #tpu.memory_space<vmem>> -> memref<4096xi32, #tpu.memory_space<vmem>>
    %dma_start3A_50 = arith.constant 0 : i32
    %dma_start3A_51 = tpu.memref_slice %arg6[%add3A_47, %dma_start3A_50] : memref<256x4096xi32, #tpu.memory_space<hbm>> -> memref<1x4096xi32, #tpu.memory_space<hbm>>
    %dma_start3A_52 = tpu.memref_squeeze %dma_start3A_51 : memref<1x4096xi32, #tpu.memory_space<hbm>> -> memref<4096xi32, #tpu.memory_space<hbm>>
    %dma_start3A_53 = arith.constant 0 : i32
    %dma_start3A_54 = tpu.memref_slice %arg10[%dma_start3A_53] : memref<8192xi32, #tpu.memory_space<vmem>> -> memref<4096xi32, #tpu.memory_space<vmem>>
    %dma_start3A_55 = arith.constant 0 : i32
    %dma_start3A_56 = tpu.memref_slice %arg6[%add3A_47, %dma_start3A_55] : memref<256x4096xi32, #tpu.memory_space<hbm>> -> memref<1x4096xi32, #tpu.memory_space<hbm>>
    %dma_start3A_57 = tpu.memref_squeeze %dma_start3A_56 : memref<1x4096xi32, #tpu.memory_space<hbm>> -> memref<4096xi32, #tpu.memory_space<hbm>>
    tpu.enqueue_dma source(%dma_start3A_57 : memref<4096xi32, #tpu.memory_space<hbm>>) target(%dma_start3A_54 : memref<4096xi32, #tpu.memory_space<vmem>>) target_semaphore(%arg29 : memref<!tpu.dma_semaphore, #tpu.memory_space<semaphore_mem>>)
    %dma_start3A_58 = arith.constant 4096 : i32
    %dma_start3A_59 = tpu.memref_slice %arg10[%dma_start3A_58] : memref<8192xi32, #tpu.memory_space<vmem>> -> memref<2048xi32, #tpu.memory_space<vmem>>
    %dma_start3A_60 = arith.constant 0 : i32
    %dma_start3A_61 = tpu.memref_slice %arg2[%add3A_47, %dma_start3A_60] : memref<256x2048xi32, #tpu.memory_space<hbm>> -> memref<1x2048xi32, #tpu.memory_space<hbm>>
    %dma_start3A_62 = tpu.memref_squeeze %dma_start3A_61 : memref<1x2048xi32, #tpu.memory_space<hbm>> -> memref<2048xi32, #tpu.memory_space<hbm>>
    %dma_start3A_63 = arith.constant 4096 : i32
    %dma_start3A_64 = tpu.memref_slice %arg10[%dma_start3A_63] : memref<8192xi32, #tpu.memory_space<vmem>> -> memref<2048xi32, #tpu.memory_space<vmem>>
    %dma_start3A_65 = arith.constant 0 : i32
    %dma_start3A_66 = tpu.memref_slice %arg2[%add3A_47, %dma_start3A_65] : memref<256x2048xi32, #tpu.memory_space<hbm>> -> memref<1x2048xi32, #tpu.memory_space<hbm>>
    %dma_start3A_67 = tpu.memref_squeeze %dma_start3A_66 : memref<1x2048xi32, #tpu.memory_space<hbm>> -> memref<2048xi32, #tpu.memory_space<hbm>>
    tpu.enqueue_dma source(%dma_start3A_67 : memref<2048xi32, #tpu.memory_space<hbm>>) target(%dma_start3A_64 : memref<2048xi32, #tpu.memory_space<vmem>>) target_semaphore(%arg29 : memref<!tpu.dma_semaphore, #tpu.memory_space<semaphore_mem>>)
    %dma_start3A_68 = arith.constant 6144 : i32
    %dma_start3A_69 = tpu.memref_slice %arg10[%dma_start3A_68] : memref<8192xi32, #tpu.memory_space<vmem>> -> memref<2048xi32, #tpu.memory_space<vmem>>
    %dma_start3A_70 = arith.constant 0 : i32
    %dma_start3A_71 = tpu.memref_slice %arg4[%add3A_47, %dma_start3A_70] : memref<256x2048xi32, #tpu.memory_space<hbm>> -> memref<1x2048xi32, #tpu.memory_space<hbm>>
    %dma_start3A_72 = tpu.memref_squeeze %dma_start3A_71 : memref<1x2048xi32, #tpu.memory_space<hbm>> -> memref<2048xi32, #tpu.memory_space<hbm>>
    %dma_start3A_73 = arith.constant 6144 : i32
    %dma_start3A_74 = tpu.memref_slice %arg10[%dma_start3A_73] : memref<8192xi32, #tpu.memory_space<vmem>> -> memref<2048xi32, #tpu.memory_space<vmem>>
    %dma_start3A_75 = arith.constant 0 : i32
    %dma_start3A_76 = tpu.memref_slice %arg4[%add3A_47, %dma_start3A_75] : memref<256x2048xi32, #tpu.memory_space<hbm>> -> memref<1x2048xi32, #tpu.memory_space<hbm>>
    %dma_start3A_77 = tpu.memref_squeeze %dma_start3A_76 : memref<1x2048xi32, #tpu.memory_space<hbm>> -> memref<2048xi32, #tpu.memory_space<hbm>>
    tpu.enqueue_dma source(%dma_start3A_77 : memref<2048xi32, #tpu.memory_space<hbm>>) target(%dma_start3A_74 : memref<2048xi32, #tpu.memory_space<vmem>>) target_semaphore(%arg29 : memref<!tpu.dma_semaphore, #tpu.memory_space<semaphore_mem>>)
    %add3A_78 = arith.constant 2 : i32
    %add3A_79 = arith.addi %mul3A_2, %add3A_78 : i32
    %dma_start3A_80 = arith.constant 0 : i32
    %dma_start3A_81 = tpu.memref_slice %arg11[%dma_start3A_80] : memref<8192xi32, #tpu.memory_space<vmem>> -> memref<4096xi32, #tpu.memory_space<vmem>>
    %dma_start3A_82 = arith.constant 0 : i32
    %dma_start3A_83 = tpu.memref_slice %arg6[%add3A_79, %dma_start3A_82] : memref<256x4096xi32, #tpu.memory_space<hbm>> -> memref<1x4096xi32, #tpu.memory_space<hbm>>
    %dma_start3A_84 = tpu.memref_squeeze %dma_start3A_83 : memref<1x4096xi32, #tpu.memory_space<hbm>> -> memref<4096xi32, #tpu.memory_space<hbm>>
    %dma_start3A_85 = arith.constant 0 : i32
    %dma_start3A_86 = tpu.memref_slice %arg11[%dma_start3A_85] : memref<8192xi32, #tpu.memory_space<vmem>> -> memref<4096xi32, #tpu.memory_space<vmem>>
    %dma_start3A_87 = arith.constant 0 : i32
    %dma_start3A_88 = tpu.memref_slice %arg6[%add3A_79, %dma_start3A_87] : memref<256x4096xi32, #tpu.memory_space<hbm>> -> memref<1x4096xi32, #tpu.memory_space<hbm>>
    %dma_start3A_89 = tpu.memref_squeeze %dma_start3A_88 : memref<1x4096xi32, #tpu.memory_space<hbm>> -> memref<4096xi32, #tpu.memory_space<hbm>>
    tpu.enqueue_dma source(%dma_start3A_89 : memref<4096xi32, #tpu.memory_space<hbm>>) target(%dma_start3A_86 : memref<4096xi32, #tpu.memory_space<vmem>>) target_semaphore(%arg30 : memref<!tpu.dma_semaphore, #tpu.memory_space<semaphore_mem>>)
    %dma_start3A_90 = arith.constant 4096 : i32
    %dma_start3A_91 = tpu.memref_slice %arg11[%dma_start3A_90] : memref<8192xi32, #tpu.memory_space<vmem>> -> memref<2048xi32, #tpu.memory_space<vmem>>
    %dma_start3A_92 = arith.constant 0 : i32
    %dma_start3A_93 = tpu.memref_slice %arg2[%add3A_79, %dma_start3A_92] : memref<256x2048xi32, #tpu.memory_space<hbm>> -> memref<1x2048xi32, #tpu.memory_space<hbm>>
    %dma_start3A_94 = tpu.memref_squeeze %dma_start3A_93 : memref<1x2048xi32, #tpu.memory_space<hbm>> -> memref<2048xi32, #tpu.memory_space<hbm>>
    %dma_start3A_95 = arith.constant 4096 : i32
    %dma_start3A_96 = tpu.memref_slice %arg11[%dma_start3A_95] : memref<8192xi32, #tpu.memory_space<vmem>> -> memref<2048xi32, #tpu.memory_space<vmem>>
    %dma_start3A_97 = arith.constant 0 : i32
    %dma_start3A_98 = tpu.memref_slice %arg2[%add3A_79, %dma_start3A_97] : memref<256x2048xi32, #tpu.memory_space<hbm>> -> memref<1x2048xi32, #tpu.memory_space<hbm>>
    %dma_start3A_99 = tpu.memref_squeeze %dma_start3A_98 : memref<1x2048xi32, #tpu.memory_space<hbm>> -> memref<2048xi32, #tpu.memory_space<hbm>>
    tpu.enqueue_dma source(%dma_start3A_99 : memref<2048xi32, #tpu.memory_space<hbm>>) target(%dma_start3A_96 : memref<2048xi32, #tpu.memory_space<vmem>>) target_semaphore(%arg30 : memref<!tpu.dma_semaphore, #tpu.memory_space<semaphore_mem>>)
    %dma_start3A_100 = arith.constant 6144 : i32
    %dma_start3A_101 = tpu.memref_slice %arg11[%dma_start3A_100] : memref<8192xi32, #tpu.memory_space<vmem>> -> memref<2048xi32, #tpu.memory_space<vmem>>
    %dma_start3A_102 = arith.constant 0 : i32
    %dma_start3A_103 = tpu.memref_slice %arg4[%add3A_79, %dma_start3A_102] : memref<256x2048xi32, #tpu.memory_space<hbm>> -> memref<1x2048xi32, #tpu.memory_space<hbm>>
    %dma_start3A_104 = tpu.memref_squeeze %dma_start3A_103 : memref<1x2048xi32, #tpu.memory_space<hbm>> -> memref<2048xi32, #tpu.memory_space<hbm>>
    %dma_start3A_105 = arith.constant 6144 : i32
    %dma_start3A_106 = tpu.memref_slice %arg11[%dma_start3A_105] : memref<8192xi32, #tpu.memory_space<vmem>> -> memref<2048xi32, #tpu.memory_space<vmem>>
    %dma_start3A_107 = arith.constant 0 : i32
    %dma_start3A_108 = tpu.memref_slice %arg4[%add3A_79, %dma_start3A_107] : memref<256x2048xi32, #tpu.memory_space<hbm>> -> memref<1x2048xi32, #tpu.memory_space<hbm>>
    %dma_start3A_109 = tpu.memref_squeeze %dma_start3A_108 : memref<1x2048xi32, #tpu.memory_space<hbm>> -> memref<2048xi32, #tpu.memory_space<hbm>>
    tpu.enqueue_dma source(%dma_start3A_109 : memref<2048xi32, #tpu.memory_space<hbm>>) target(%dma_start3A_106 : memref<2048xi32, #tpu.memory_space<vmem>>) target_semaphore(%arg30 : memref<!tpu.dma_semaphore, #tpu.memory_space<semaphore_mem>>)
    %add3A_110 = arith.constant 3 : i32
    %add3A_111 = arith.addi %mul3A_2, %add3A_110 : i32
    %dma_start3A_112 = arith.constant 0 : i32
    %dma_start3A_113 = tpu.memref_slice %arg12[%dma_start3A_112] : memref<8192xi32, #tpu.memory_space<vmem>> -> memref<4096xi32, #tpu.memory_space<vmem>>
    %dma_start3A_114 = arith.constant 0 : i32
    %dma_start3A_115 = tpu.memref_slice %arg6[%add3A_111, %dma_start3A_114] : memref<256x4096xi32, #tpu.memory_space<hbm>> -> memref<1x4096xi32, #tpu.memory_space<hbm>>
    %dma_start3A_116 = tpu.memref_squeeze %dma_start3A_115 : memref<1x4096xi32, #tpu.memory_space<hbm>> -> memref<4096xi32, #tpu.memory_space<hbm>>
    %dma_start3A_117 = arith.constant 0 : i32
    %dma_start3A_118 = tpu.memref_slice %arg12[%dma_start3A_117] : memref<8192xi32, #tpu.memory_space<vmem>> -> memref<4096xi32, #tpu.memory_space<vmem>>
    %dma_start3A_119 = arith.constant 0 : i32
    %dma_start3A_120 = tpu.memref_slice %arg6[%add3A_111, %dma_start3A_119] : memref<256x4096xi32, #tpu.memory_space<hbm>> -> memref<1x4096xi32, #tpu.memory_space<hbm>>
    %dma_start3A_121 = tpu.memref_squeeze %dma_start3A_120 : memref<1x4096xi32, #tpu.memory_space<hbm>> -> memref<4096xi32, #tpu.memory_space<hbm>>
    tpu.enqueue_dma source(%dma_start3A_121 : memref<4096xi32, #tpu.memory_space<hbm>>) target(%dma_start3A_118 : memref<4096xi32, #tpu.memory_space<vmem>>) target_semaphore(%arg31 : memref<!tpu.dma_semaphore, #tpu.memory_space<semaphore_mem>>)
    %dma_start3A_122 = arith.constant 4096 : i32
    %dma_start3A_123 = tpu.memref_slice %arg12[%dma_start3A_122] : memref<8192xi32, #tpu.memory_space<vmem>> -> memref<2048xi32, #tpu.memory_space<vmem>>
    %dma_start3A_124 = arith.constant 0 : i32
    %dma_start3A_125 = tpu.memref_slice %arg2[%add3A_111, %dma_start3A_124] : memref<256x2048xi32, #tpu.memory_space<hbm>> -> memref<1x2048xi32, #tpu.memory_space<hbm>>
    %dma_start3A_126 = tpu.memref_squeeze %dma_start3A_125 : memref<1x2048xi32, #tpu.memory_space<hbm>> -> memref<2048xi32, #tpu.memory_space<hbm>>
    %dma_start3A_127 = arith.constant 4096 : i32
    %dma_start3A_128 = tpu.memref_slice %arg12[%dma_start3A_127] : memref<8192xi32, #tpu.memory_space<vmem>> -> memref<2048xi32, #tpu.memory_space<vmem>>
    %dma_start3A_129 = arith.constant 0 : i32
    %dma_start3A_130 = tpu.memref_slice %arg2[%add3A_111, %dma_start3A_129] : memref<256x2048xi32, #tpu.memory_space<hbm>> -> memref<1x2048xi32, #tpu.memory_space<hbm>>
    %dma_start3A_131 = tpu.memref_squeeze %dma_start3A_130 : memref<1x2048xi32, #tpu.memory_space<hbm>> -> memref<2048xi32, #tpu.memory_space<hbm>>
    tpu.enqueue_dma source(%dma_start3A_131 : memref<2048xi32, #tpu.memory_space<hbm>>) target(%dma_start3A_128 : memref<2048xi32, #tpu.memory_space<vmem>>) target_semaphore(%arg31 : memref<!tpu.dma_semaphore, #tpu.memory_space<semaphore_mem>>)
    %dma_start3A_132 = arith.constant 6144 : i32
    %dma_start3A_133 = tpu.memref_slice %arg12[%dma_start3A_132] : memref<8192xi32, #tpu.memory_space<vmem>> -> memref<2048xi32, #tpu.memory_space<vmem>>
    %dma_start3A_134 = arith.constant 0 : i32
    %dma_start3A_135 = tpu.memref_slice %arg4[%add3A_111, %dma_start3A_134] : memref<256x2048xi32, #tpu.memory_space<hbm>> -> memref<1x2048xi32, #tpu.memory_space<hbm>>
    %dma_start3A_136 = tpu.memref_squeeze %dma_start3A_135 : memref<1x2048xi32, #tpu.memory_space<hbm>> -> memref<2048xi32, #tpu.memory_space<hbm>>
    %dma_start3A_137 = arith.constant 6144 : i32
    %dma_start3A_138 = tpu.memref_slice %arg12[%dma_start3A_137] : memref<8192xi32, #tpu.memory_space<vmem>> -> memref<2048xi32, #tpu.memory_space<vmem>>
    %dma_start3A_139 = arith.constant 0 : i32
    %dma_start3A_140 = tpu.memref_slice %arg4[%add3A_111, %dma_start3A_139] : memref<256x2048xi32, #tpu.memory_space<hbm>> -> memref<1x2048xi32, #tpu.memory_space<hbm>>
    %dma_start3A_141 = tpu.memref_squeeze %dma_start3A_140 : memref<1x2048xi32, #tpu.memory_space<hbm>> -> memref<2048xi32, #tpu.memory_space<hbm>>
    tpu.enqueue_dma source(%dma_start3A_141 : memref<2048xi32, #tpu.memory_space<hbm>>) target(%dma_start3A_138 : memref<2048xi32, #tpu.memory_space<vmem>>) target_semaphore(%arg31 : memref<!tpu.dma_semaphore, #tpu.memory_space<semaphore_mem>>)
    %add3A_142 = arith.constant 4 : i32
    %add3A_143 = arith.addi %mul3A_2, %add3A_142 : i32
    %dma_start3A_144 = arith.constant 0 : i32
    %dma_start3A_145 = tpu.memref_slice %arg13[%dma_start3A_144] : memref<8192xi32, #tpu.memory_space<vmem>> -> memref<4096xi32, #tpu.memory_space<vmem>>
    %dma_start3A_146 = arith.constant 0 : i32
    %dma_start3A_147 = tpu.memref_slice %arg6[%add3A_143, %dma_start3A_146] : memref<256x4096xi32, #tpu.memory_space<hbm>> -> memref<1x4096xi32, #tpu.memory_space<hbm>>
    %dma_start3A_148 = tpu.memref_squeeze %dma_start3A_147 : memref<1x4096xi32, #tpu.memory_space<hbm>> -> memref<4096xi32, #tpu.memory_space<hbm>>
    %dma_start3A_149 = arith.constant 0 : i32
    %dma_start3A_150 = tpu.memref_slice %arg13[%dma_start3A_149] : memref<8192xi32, #tpu.memory_space<vmem>> -> memref<4096xi32, #tpu.memory_space<vmem>>
    %dma_start3A_151 = arith.constant 0 : i32
    %dma_start3A_152 = tpu.memref_slice %arg6[%add3A_143, %dma_start3A_151] : memref<256x4096xi32, #tpu.memory_space<hbm>> -> memref<1x4096xi32, #tpu.memory_space<hbm>>
    %dma_start3A_153 = tpu.memref_squeeze %dma_start3A_152 : memref<1x4096xi32, #tpu.memory_space<hbm>> -> memref<4096xi32, #tpu.memory_space<hbm>>
    tpu.enqueue_dma source(%dma_start3A_153 : memref<4096xi32, #tpu.memory_space<hbm>>) target(%dma_start3A_150 : memref<4096xi32, #tpu.memory_space<vmem>>) target_semaphore(%arg32 : memref<!tpu.dma_semaphore, #tpu.memory_space<semaphore_mem>>)
    %dma_start3A_154 = arith.constant 4096 : i32
    %dma_start3A_155 = tpu.memref_slice %arg13[%dma_start3A_154] : memref<8192xi32, #tpu.memory_space<vmem>> -> memref<2048xi32, #tpu.memory_space<vmem>>
    %dma_start3A_156 = arith.constant 0 : i32
    %dma_start3A_157 = tpu.memref_slice %arg2[%add3A_143, %dma_start3A_156] : memref<256x2048xi32, #tpu.memory_space<hbm>> -> memref<1x2048xi32, #tpu.memory_space<hbm>>
    %dma_start3A_158 = tpu.memref_squeeze %dma_start3A_157 : memref<1x2048xi32, #tpu.memory_space<hbm>> -> memref<2048xi32, #tpu.memory_space<hbm>>
    %dma_start3A_159 = arith.constant 4096 : i32
    %dma_start3A_160 = tpu.memref_slice %arg13[%dma_start3A_159] : memref<8192xi32, #tpu.memory_space<vmem>> -> memref<2048xi32, #tpu.memory_space<vmem>>
    %dma_start3A_161 = arith.constant 0 : i32
    %dma_start3A_162 = tpu.memref_slice %arg2[%add3A_143, %dma_start3A_161] : memref<256x2048xi32, #tpu.memory_space<hbm>> -> memref<1x2048xi32, #tpu.memory_space<hbm>>
    %dma_start3A_163 = tpu.memref_squeeze %dma_start3A_162 : memref<1x2048xi32, #tpu.memory_space<hbm>> -> memref<2048xi32, #tpu.memory_space<hbm>>
    tpu.enqueue_dma source(%dma_start3A_163 : memref<2048xi32, #tpu.memory_space<hbm>>) target(%dma_start3A_160 : memref<2048xi32, #tpu.memory_space<vmem>>) target_semaphore(%arg32 : memref<!tpu.dma_semaphore, #tpu.memory_space<semaphore_mem>>)
    %dma_start3A_164 = arith.constant 6144 : i32
    %dma_start3A_165 = tpu.memref_slice %arg13[%dma_start3A_164] : memref<8192xi32, #tpu.memory_space<vmem>> -> memref<2048xi32, #tpu.memory_space<vmem>>
    %dma_start3A_166 = arith.constant 0 : i32
    %dma_start3A_167 = tpu.memref_slice %arg4[%add3A_143, %dma_start3A_166] : memref<256x2048xi32, #tpu.memory_space<hbm>> -> memref<1x2048xi32, #tpu.memory_space<hbm>>
    %dma_start3A_168 = tpu.memref_squeeze %dma_start3A_167 : memref<1x2048xi32, #tpu.memory_space<hbm>> -> memref<2048xi32, #tpu.memory_space<hbm>>
    %dma_start3A_169 = arith.constant 6144 : i32
    %dma_start3A_170 = tpu.memref_slice %arg13[%dma_start3A_169] : memref<8192xi32, #tpu.memory_space<vmem>> -> memref<2048xi32, #tpu.memory_space<vmem>>
    %dma_start3A_171 = arith.constant 0 : i32
    %dma_start3A_172 = tpu.memref_slice %arg4[%add3A_143, %dma_start3A_171] : memref<256x2048xi32, #tpu.memory_space<hbm>> -> memref<1x2048xi32, #tpu.memory_space<hbm>>
    %dma_start3A_173 = tpu.memref_squeeze %dma_start3A_172 : memref<1x2048xi32, #tpu.memory_space<hbm>> -> memref<2048xi32, #tpu.memory_space<hbm>>
    tpu.enqueue_dma source(%dma_start3A_173 : memref<2048xi32, #tpu.memory_space<hbm>>) target(%dma_start3A_170 : memref<2048xi32, #tpu.memory_space<vmem>>) target_semaphore(%arg32 : memref<!tpu.dma_semaphore, #tpu.memory_space<semaphore_mem>>)
    %add3A_174 = arith.constant 5 : i32
    %add3A_175 = arith.addi %mul3A_2, %add3A_174 : i32
    %dma_start3A_176 = arith.constant 0 : i32
    %dma_start3A_177 = tpu.memref_slice %arg14[%dma_start3A_176] : memref<8192xi32, #tpu.memory_space<vmem>> -> memref<4096xi32, #tpu.memory_space<vmem>>
    %dma_start3A_178 = arith.constant 0 : i32
    %dma_start3A_179 = tpu.memref_slice %arg6[%add3A_175, %dma_start3A_178] : memref<256x4096xi32, #tpu.memory_space<hbm>> -> memref<1x4096xi32, #tpu.memory_space<hbm>>
    %dma_start3A_180 = tpu.memref_squeeze %dma_start3A_179 : memref<1x4096xi32, #tpu.memory_space<hbm>> -> memref<4096xi32, #tpu.memory_space<hbm>>
    %dma_start3A_181 = arith.constant 0 : i32
    %dma_start3A_182 = tpu.memref_slice %arg14[%dma_start3A_181] : memref<8192xi32, #tpu.memory_space<vmem>> -> memref<4096xi32, #tpu.memory_space<vmem>>
    %dma_start3A_183 = arith.constant 0 : i32
    %dma_start3A_184 = tpu.memref_slice %arg6[%add3A_175, %dma_start3A_183] : memref<256x4096xi32, #tpu.memory_space<hbm>> -> memref<1x4096xi32, #tpu.memory_space<hbm>>
    %dma_start3A_185 = tpu.memref_squeeze %dma_start3A_184 : memref<1x4096xi32, #tpu.memory_space<hbm>> -> memref<4096xi32, #tpu.memory_space<hbm>>
    tpu.enqueue_dma source(%dma_start3A_185 : memref<4096xi32, #tpu.memory_space<hbm>>) target(%dma_start3A_182 : memref<4096xi32, #tpu.memory_space<vmem>>) target_semaphore(%arg33 : memref<!tpu.dma_semaphore, #tpu.memory_space<semaphore_mem>>)
    %dma_start3A_186 = arith.constant 4096 : i32
    %dma_start3A_187 = tpu.memref_slice %arg14[%dma_start3A_186] : memref<8192xi32, #tpu.memory_space<vmem>> -> memref<2048xi32, #tpu.memory_space<vmem>>
    %dma_start3A_188 = arith.constant 0 : i32
    %dma_start3A_189 = tpu.memref_slice %arg2[%add3A_175, %dma_start3A_188] : memref<256x2048xi32, #tpu.memory_space<hbm>> -> memref<1x2048xi32, #tpu.memory_space<hbm>>
    %dma_start3A_190 = tpu.memref_squeeze %dma_start3A_189 : memref<1x2048xi32, #tpu.memory_space<hbm>> -> memref<2048xi32, #tpu.memory_space<hbm>>
    %dma_start3A_191 = arith.constant 4096 : i32
    %dma_start3A_192 = tpu.memref_slice %arg14[%dma_start3A_191] : memref<8192xi32, #tpu.memory_space<vmem>> -> memref<2048xi32, #tpu.memory_space<vmem>>
    %dma_start3A_193 = arith.constant 0 : i32
    %dma_start3A_194 = tpu.memref_slice %arg2[%add3A_175, %dma_start3A_193] : memref<256x2048xi32, #tpu.memory_space<hbm>> -> memref<1x2048xi32, #tpu.memory_space<hbm>>
    %dma_start3A_195 = tpu.memref_squeeze %dma_start3A_194 : memref<1x2048xi32, #tpu.memory_space<hbm>> -> memref<2048xi32, #tpu.memory_space<hbm>>
    tpu.enqueue_dma source(%dma_start3A_195 : memref<2048xi32, #tpu.memory_space<hbm>>) target(%dma_start3A_192 : memref<2048xi32, #tpu.memory_space<vmem>>) target_semaphore(%arg33 : memref<!tpu.dma_semaphore, #tpu.memory_space<semaphore_mem>>)
    %dma_start3A_196 = arith.constant 6144 : i32
    %dma_start3A_197 = tpu.memref_slice %arg14[%dma_start3A_196] : memref<8192xi32, #tpu.memory_space<vmem>> -> memref<2048xi32, #tpu.memory_space<vmem>>
    %dma_start3A_198 = arith.constant 0 : i32
    %dma_start3A_199 = tpu.memref_slice %arg4[%add3A_175, %dma_start3A_198] : memref<256x2048xi32, #tpu.memory_space<hbm>> -> memref<1x2048xi32, #tpu.memory_space<hbm>>
    %dma_start3A_200 = tpu.memref_squeeze %dma_start3A_199 : memref<1x2048xi32, #tpu.memory_space<hbm>> -> memref<2048xi32, #tpu.memory_space<hbm>>
    %dma_start3A_201 = arith.constant 6144 : i32
    %dma_start3A_202 = tpu.memref_slice %arg14[%dma_start3A_201] : memref<8192xi32, #tpu.memory_space<vmem>> -> memref<2048xi32, #tpu.memory_space<vmem>>
    %dma_start3A_203 = arith.constant 0 : i32
    %dma_start3A_204 = tpu.memref_slice %arg4[%add3A_175, %dma_start3A_203] : memref<256x2048xi32, #tpu.memory_space<hbm>> -> memref<1x2048xi32, #tpu.memory_space<hbm>>
    %dma_start3A_205 = tpu.memref_squeeze %dma_start3A_204 : memref<1x2048xi32, #tpu.memory_space<hbm>> -> memref<2048xi32, #tpu.memory_space<hbm>>
    tpu.enqueue_dma source(%dma_start3A_205 : memref<2048xi32, #tpu.memory_space<hbm>>) target(%dma_start3A_202 : memref<2048xi32, #tpu.memory_space<vmem>>) target_semaphore(%arg33 : memref<!tpu.dma_semaphore, #tpu.memory_space<semaphore_mem>>)
    %add3A_206 = arith.constant 6 : i32
    %add3A_207 = arith.addi %mul3A_2, %add3A_206 : i32
    %dma_start3A_208 = arith.constant 0 : i32
    %dma_start3A_209 = tpu.memref_slice %arg15[%dma_start3A_208] : memref<8192xi32, #tpu.memory_space<vmem>> -> memref<4096xi32, #tpu.memory_space<vmem>>
    %dma_start3A_210 = arith.constant 0 : i32
    %dma_start3A_211 = tpu.memref_slice %arg6[%add3A_207, %dma_start3A_210] : memref<256x4096xi32, #tpu.memory_space<hbm>> -> memref<1x4096xi32, #tpu.memory_space<hbm>>
    %dma_start3A_212 = tpu.memref_squeeze %dma_start3A_211 : memref<1x4096xi32, #tpu.memory_space<hbm>> -> memref<4096xi32, #tpu.memory_space<hbm>>
    %dma_start3A_213 = arith.constant 0 : i32
    %dma_start3A_214 = tpu.memref_slice %arg15[%dma_start3A_213] : memref<8192xi32, #tpu.memory_space<vmem>> -> memref<4096xi32, #tpu.memory_space<vmem>>
    %dma_start3A_215 = arith.constant 0 : i32
    %dma_start3A_216 = tpu.memref_slice %arg6[%add3A_207, %dma_start3A_215] : memref<256x4096xi32, #tpu.memory_space<hbm>> -> memref<1x4096xi32, #tpu.memory_space<hbm>>
    %dma_start3A_217 = tpu.memref_squeeze %dma_start3A_216 : memref<1x4096xi32, #tpu.memory_space<hbm>> -> memref<4096xi32, #tpu.memory_space<hbm>>
    tpu.enqueue_dma source(%dma_start3A_217 : memref<4096xi32, #tpu.memory_space<hbm>>) target(%dma_start3A_214 : memref<4096xi32, #tpu.memory_space<vmem>>) target_semaphore(%arg34 : memref<!tpu.dma_semaphore, #tpu.memory_space<semaphore_mem>>)
    %dma_start3A_218 = arith.constant 4096 : i32
    %dma_start3A_219 = tpu.memref_slice %arg15[%dma_start3A_218] : memref<8192xi32, #tpu.memory_space<vmem>> -> memref<2048xi32, #tpu.memory_space<vmem>>
    %dma_start3A_220 = arith.constant 0 : i32
    %dma_start3A_221 = tpu.memref_slice %arg2[%add3A_207, %dma_start3A_220] : memref<256x2048xi32, #tpu.memory_space<hbm>> -> memref<1x2048xi32, #tpu.memory_space<hbm>>
    %dma_start3A_222 = tpu.memref_squeeze %dma_start3A_221 : memref<1x2048xi32, #tpu.memory_space<hbm>> -> memref<2048xi32, #tpu.memory_space<hbm>>
    %dma_start3A_223 = arith.constant 4096 : i32
    %dma_start3A_224 = tpu.memref_slice %arg15[%dma_start3A_223] : memref<8192xi32, #tpu.memory_space<vmem>> -> memref<2048xi32, #tpu.memory_space<vmem>>
    %dma_start3A_225 = arith.constant 0 : i32
    %dma_start3A_226 = tpu.memref_slice %arg2[%add3A_207, %dma_start3A_225] : memref<256x2048xi32, #tpu.memory_space<hbm>> -> memref<1x2048xi32, #tpu.memory_space<hbm>>
    %dma_start3A_227 = tpu.memref_squeeze %dma_start3A_226 : memref<1x2048xi32, #tpu.memory_space<hbm>> -> memref<2048xi32, #tpu.memory_space<hbm>>
    tpu.enqueue_dma source(%dma_start3A_227 : memref<2048xi32, #tpu.memory_space<hbm>>) target(%dma_start3A_224 : memref<2048xi32, #tpu.memory_space<vmem>>) target_semaphore(%arg34 : memref<!tpu.dma_semaphore, #tpu.memory_space<semaphore_mem>>)
    %dma_start3A_228 = arith.constant 6144 : i32
    %dma_start3A_229 = tpu.memref_slice %arg15[%dma_start3A_228] : memref<8192xi32, #tpu.memory_space<vmem>> -> memref<2048xi32, #tpu.memory_space<vmem>>
    %dma_start3A_230 = arith.constant 0 : i32
    %dma_start3A_231 = tpu.memref_slice %arg4[%add3A_207, %dma_start3A_230] : memref<256x2048xi32, #tpu.memory_space<hbm>> -> memref<1x2048xi32, #tpu.memory_space<hbm>>
    %dma_start3A_232 = tpu.memref_squeeze %dma_start3A_231 : memref<1x2048xi32, #tpu.memory_space<hbm>> -> memref<2048xi32, #tpu.memory_space<hbm>>
    %dma_start3A_233 = arith.constant 6144 : i32
    %dma_start3A_234 = tpu.memref_slice %arg15[%dma_start3A_233] : memref<8192xi32, #tpu.memory_space<vmem>> -> memref<2048xi32, #tpu.memory_space<vmem>>
    %dma_start3A_235 = arith.constant 0 : i32
    %dma_start3A_236 = tpu.memref_slice %arg4[%add3A_207, %dma_start3A_235] : memref<256x2048xi32, #tpu.memory_space<hbm>> -> memref<1x2048xi32, #tpu.memory_space<hbm>>
    %dma_start3A_237 = tpu.memref_squeeze %dma_start3A_236 : memref<1x2048xi32, #tpu.memory_space<hbm>> -> memref<2048xi32, #tpu.memory_space<hbm>>
    tpu.enqueue_dma source(%dma_start3A_237 : memref<2048xi32, #tpu.memory_space<hbm>>) target(%dma_start3A_234 : memref<2048xi32, #tpu.memory_space<vmem>>) target_semaphore(%arg34 : memref<!tpu.dma_semaphore, #tpu.memory_space<semaphore_mem>>)
    %add3A_238 = arith.constant 7 : i32
    %add3A_239 = arith.addi %mul3A_2, %add3A_238 : i32
    %dma_start3A_240 = arith.constant 0 : i32
    %dma_start3A_241 = tpu.memref_slice %arg16[%dma_start3A_240] : memref<8192xi32, #tpu.memory_space<vmem>> -> memref<4096xi32, #tpu.memory_space<vmem>>
    %dma_start3A_242 = arith.constant 0 : i32
    %dma_start3A_243 = tpu.memref_slice %arg6[%add3A_239, %dma_start3A_242] : memref<256x4096xi32, #tpu.memory_space<hbm>> -> memref<1x4096xi32, #tpu.memory_space<hbm>>
    %dma_start3A_244 = tpu.memref_squeeze %dma_start3A_243 : memref<1x4096xi32, #tpu.memory_space<hbm>> -> memref<4096xi32, #tpu.memory_space<hbm>>
    %dma_start3A_245 = arith.constant 0 : i32
    %dma_start3A_246 = tpu.memref_slice %arg16[%dma_start3A_245] : memref<8192xi32, #tpu.memory_space<vmem>> -> memref<4096xi32, #tpu.memory_space<vmem>>
    %dma_start3A_247 = arith.constant 0 : i32
    %dma_start3A_248 = tpu.memref_slice %arg6[%add3A_239, %dma_start3A_247] : memref<256x4096xi32, #tpu.memory_space<hbm>> -> memref<1x4096xi32, #tpu.memory_space<hbm>>
    %dma_start3A_249 = tpu.memref_squeeze %dma_start3A_248 : memref<1x4096xi32, #tpu.memory_space<hbm>> -> memref<4096xi32, #tpu.memory_space<hbm>>
    tpu.enqueue_dma source(%dma_start3A_249 : memref<4096xi32, #tpu.memory_space<hbm>>) target(%dma_start3A_246 : memref<4096xi32, #tpu.memory_space<vmem>>) target_semaphore(%arg35 : memref<!tpu.dma_semaphore, #tpu.memory_space<semaphore_mem>>)
    %dma_start3A_250 = arith.constant 4096 : i32
    %dma_start3A_251 = tpu.memref_slice %arg16[%dma_start3A_250] : memref<8192xi32, #tpu.memory_space<vmem>> -> memref<2048xi32, #tpu.memory_space<vmem>>
    %dma_start3A_252 = arith.constant 0 : i32
    %dma_start3A_253 = tpu.memref_slice %arg2[%add3A_239, %dma_start3A_252] : memref<256x2048xi32, #tpu.memory_space<hbm>> -> memref<1x2048xi32, #tpu.memory_space<hbm>>
    %dma_start3A_254 = tpu.memref_squeeze %dma_start3A_253 : memref<1x2048xi32, #tpu.memory_space<hbm>> -> memref<2048xi32, #tpu.memory_space<hbm>>
    %dma_start3A_255 = arith.constant 4096 : i32
    %dma_start3A_256 = tpu.memref_slice %arg16[%dma_start3A_255] : memref<8192xi32, #tpu.memory_space<vmem>> -> memref<2048xi32, #tpu.memory_space<vmem>>
    %dma_start3A_257 = arith.constant 0 : i32
    %dma_start3A_258 = tpu.memref_slice %arg2[%add3A_239, %dma_start3A_257] : memref<256x2048xi32, #tpu.memory_space<hbm>> -> memref<1x2048xi32, #tpu.memory_space<hbm>>
    %dma_start3A_259 = tpu.memref_squeeze %dma_start3A_258 : memref<1x2048xi32, #tpu.memory_space<hbm>> -> memref<2048xi32, #tpu.memory_space<hbm>>
    tpu.enqueue_dma source(%dma_start3A_259 : memref<2048xi32, #tpu.memory_space<hbm>>) target(%dma_start3A_256 : memref<2048xi32, #tpu.memory_space<vmem>>) target_semaphore(%arg35 : memref<!tpu.dma_semaphore, #tpu.memory_space<semaphore_mem>>)
    %dma_start3A_260 = arith.constant 6144 : i32
    %dma_start3A_261 = tpu.memref_slice %arg16[%dma_start3A_260] : memref<8192xi32, #tpu.memory_space<vmem>> -> memref<2048xi32, #tpu.memory_space<vmem>>
    %dma_start3A_262 = arith.constant 0 : i32
    %dma_start3A_263 = tpu.memref_slice %arg4[%add3A_239, %dma_start3A_262] : memref<256x2048xi32, #tpu.memory_space<hbm>> -> memref<1x2048xi32, #tpu.memory_space<hbm>>
    %dma_start3A_264 = tpu.memref_squeeze %dma_start3A_263 : memref<1x2048xi32, #tpu.memory_space<hbm>> -> memref<2048xi32, #tpu.memory_space<hbm>>
    %dma_start3A_265 = arith.constant 6144 : i32
    %dma_start3A_266 = tpu.memref_slice %arg16[%dma_start3A_265] : memref<8192xi32, #tpu.memory_space<vmem>> -> memref<2048xi32, #tpu.memory_space<vmem>>
    %dma_start3A_267 = arith.constant 0 : i32
    %dma_start3A_268 = tpu.memref_slice %arg4[%add3A_239, %dma_start3A_267] : memref<256x2048xi32, #tpu.memory_space<hbm>> -> memref<1x2048xi32, #tpu.memory_space<hbm>>
    %dma_start3A_269 = tpu.memref_squeeze %dma_start3A_268 : memref<1x2048xi32, #tpu.memory_space<hbm>> -> memref<2048xi32, #tpu.memory_space<hbm>>
    tpu.enqueue_dma source(%dma_start3A_269 : memref<2048xi32, #tpu.memory_space<hbm>>) target(%dma_start3A_266 : memref<2048xi32, #tpu.memory_space<vmem>>) target_semaphore(%arg35 : memref<!tpu.dma_semaphore, #tpu.memory_space<semaphore_mem>>)
    %dma_wait3A = arith.constant 0 : i32
    %dma_wait3A_270 = tpu.memref_slice %arg25[%dma_wait3A] : memref<16xi32, #tpu.memory_space<vmem>> -> memref<8xi32, #tpu.memory_space<vmem>>
    %dma_wait3A_271 = tpu.memref_slice %arg3[%mul3A_2] : memref<256xi32, #tpu.memory_space<hbm>> -> memref<8xi32, #tpu.memory_space<hbm>>
    %dma_wait3A_272 = arith.constant 0 : i32
    %dma_wait3A_273 = tpu.memref_slice %arg25[%dma_wait3A_272] : memref<16xi32, #tpu.memory_space<vmem>> -> memref<8xi32, #tpu.memory_space<vmem>>
    %dma_wait3A_274 = tpu.memref_slice %arg3[%mul3A_2] : memref<256xi32, #tpu.memory_space<hbm>> -> memref<8xi32, #tpu.memory_space<hbm>>
    tpu.wait_dma2 semaphore(%arg27 : memref<!tpu.dma_semaphore, #tpu.memory_space<semaphore_mem>>) src(%dma_wait3A_274 : memref<8xi32, #tpu.memory_space<hbm>>) dst(%dma_wait3A_273 : memref<8xi32, #tpu.memory_space<vmem>>)
    %dma_wait3A_275 = arith.constant 0 : i32
    %dma_wait3A_276 = tpu.memref_slice %arg26[%dma_wait3A_275] : memref<16xi32, #tpu.memory_space<vmem>> -> memref<8xi32, #tpu.memory_space<vmem>>
    %dma_wait3A_277 = tpu.memref_slice %arg5[%mul3A_2] : memref<256xi32, #tpu.memory_space<hbm>> -> memref<8xi32, #tpu.memory_space<hbm>>
    %dma_wait3A_278 = arith.constant 0 : i32
    %dma_wait3A_279 = tpu.memref_slice %arg26[%dma_wait3A_278] : memref<16xi32, #tpu.memory_space<vmem>> -> memref<8xi32, #tpu.memory_space<vmem>>
    %dma_wait3A_280 = tpu.memref_slice %arg5[%mul3A_2] : memref<256xi32, #tpu.memory_space<hbm>> -> memref<8xi32, #tpu.memory_space<hbm>>
    tpu.wait_dma2 semaphore(%arg27 : memref<!tpu.dma_semaphore, #tpu.memory_space<semaphore_mem>>) src(%dma_wait3A_280 : memref<8xi32, #tpu.memory_space<hbm>>) dst(%dma_wait3A_279 : memref<8xi32, #tpu.memory_space<vmem>>)
    %get3A = arith.constant 0 : index
    %get3A_281 = tpu.vector_load %arg25[%get3A] {strides = array<i32>} : memref<16xi32, #tpu.memory_space<vmem>>, vector<16xi32>,
    %get3A_282 = arith.constant 0 : index
    %get3A_283 = tpu.vector_load %arg26[%get3A_282] {strides = array<i32>} : memref<16xi32, #tpu.memory_space<vmem>>, vector<16xi32>,
    %add3A_284 = arith.constant 0 : i32
    %add3A_285 = arith.addi %mul3A_2, %add3A_284 : i32
    %dma_wait3A_286 = arith.constant 0 : i32
    %dma_wait3A_287 = tpu.memref_slice %arg9[%dma_wait3A_286] : memref<8192xi32, #tpu.memory_space<vmem>> -> memref<4096xi32, #tpu.memory_space<vmem>>
    %dma_wait3A_288 = arith.constant 0 : i32
    %dma_wait3A_289 = tpu.memref_slice %arg6[%add3A_15, %dma_wait3A_288] : memref<256x4096xi32, #tpu.memory_space<hbm>> -> memref<1x4096xi32, #tpu.memory_space<hbm>>
    %dma_wait3A_290 = tpu.memref_squeeze %dma_wait3A_289 : memref<1x4096xi32, #tpu.memory_space<hbm>> -> memref<4096xi32, #tpu.memory_space<hbm>>
    %dma_wait3A_291 = arith.constant 0 : i32
    %dma_wait3A_292 = tpu.memref_slice %arg9[%dma_wait3A_291] : memref<8192xi32, #tpu.memory_space<vmem>> -> memref<4096xi32, #tpu.memory_space<vmem>>
    %dma_wait3A_293 = arith.constant 0 : i32
    %dma_wait3A_294 = tpu.memref_slice %arg6[%add3A_15, %dma_wait3A_293] : memref<256x4096xi32, #tpu.memory_space<hbm>> -> memref<1x4096xi32, #tpu.memory_space<hbm>>
    %dma_wait3A_295 = tpu.memref_squeeze %dma_wait3A_294 : memref<1x4096xi32, #tpu.memory_space<hbm>> -> memref<4096xi32, #tpu.memory_space<hbm>>
    tpu.wait_dma2 semaphore(%arg28 : memref<!tpu.dma_semaphore, #tpu.memory_space<semaphore_mem>>) src(%dma_wait3A_295 : memref<4096xi32, #tpu.memory_space<hbm>>) dst(%dma_wait3A_292 : memref<4096xi32, #tpu.memory_space<vmem>>)
    %dma_wait3A_296 = arith.constant 4096 : i32
    %dma_wait3A_297 = tpu.memref_slice %arg9[%dma_wait3A_296] : memref<8192xi32, #tpu.memory_space<vmem>> -> memref<2048xi32, #tpu.memory_space<vmem>>
    %dma_wait3A_298 = arith.constant 0 : i32
    %dma_wait3A_299 = tpu.memref_slice %arg2[%add3A_15, %dma_wait3A_298] : memref<256x2048xi32, #tpu.memory_space<hbm>> -> memref<1x2048xi32, #tpu.memory_space<hbm>>
    %dma_wait3A_300 = tpu.memref_squeeze %dma_wait3A_299 : memref<1x2048xi32, #tpu.memory_space<hbm>> -> memref<2048xi32, #tpu.memory_space<hbm>>
    %dma_wait3A_301 = arith.constant 4096 : i32
    %dma_wait3A_302 = tpu.memref_slice %arg9[%dma_wait3A_301] : memref<8192xi32, #tpu.memory_space<vmem>> -> memref<2048xi32, #tpu.memory_space<vmem>>
    %dma_wait3A_303 = arith.constant 0 : i32
    %dma_wait3A_304 = tpu.memref_slice %arg2[%add3A_15, %dma_wait3A_303] : memref<256x2048xi32, #tpu.memory_space<hbm>> -> memref<1x2048xi32, #tpu.memory_space<hbm>>
    %dma_wait3A_305 = tpu.memref_squeeze %dma_wait3A_304 : memref<1x2048xi32, #tpu.memory_space<hbm>> -> memref<2048xi32, #tpu.memory_space<hbm>>
    tpu.wait_dma2 semaphore(%arg28 : memref<!tpu.dma_semaphore, #tpu.memory_space<semaphore_mem>>) src(%dma_wait3A_305 : memref<2048xi32, #tpu.memory_space<hbm>>) dst(%dma_wait3A_302 : memref<2048xi32, #tpu.memory_space<vmem>>)
    %dma_wait3A_306 = arith.constant 6144 : i32
    %dma_wait3A_307 = tpu.memref_slice %arg9[%dma_wait3A_306] : memref<8192xi32, #tpu.memory_space<vmem>> -> memref<2048xi32, #tpu.memory_space<vmem>>
    %dma_wait3A_308 = arith.constant 0 : i32
    %dma_wait3A_309 = tpu.memref_slice %arg4[%add3A_15, %dma_wait3A_308] : memref<256x2048xi32, #tpu.memory_space<hbm>> -> memref<1x2048xi32, #tpu.memory_space<hbm>>
    %dma_wait3A_310 = tpu.memref_squeeze %dma_wait3A_309 : memref<1x2048xi32, #tpu.memory_space<hbm>> -> memref<2048xi32, #tpu.memory_space<hbm>>
    %dma_wait3A_311 = arith.constant 6144 : i32
    %dma_wait3A_312 = tpu.memref_slice %arg9[%dma_wait3A_311] : memref<8192xi32, #tpu.memory_space<vmem>> -> memref<2048xi32, #tpu.memory_space<vmem>>
    %dma_wait3A_313 = arith.constant 0 : i32
    %dma_wait3A_314 = tpu.memref_slice %arg4[%add3A_15, %dma_wait3A_313] : memref<256x2048xi32, #tpu.memory_space<hbm>> -> memref<1x2048xi32, #tpu.memory_space<hbm>>
    %dma_wait3A_315 = tpu.memref_squeeze %dma_wait3A_314 : memref<1x2048xi32, #tpu.memory_space<hbm>> -> memref<2048xi32, #tpu.memory_space<hbm>>
    tpu.wait_dma2 semaphore(%arg28 : memref<!tpu.dma_semaphore, #tpu.memory_space<semaphore_mem>>) src(%dma_wait3A_315 : memref<2048xi32, #tpu.memory_space<hbm>>) dst(%dma_wait3A_312 : memref<2048xi32, #tpu.memory_space<vmem>>)
    %slice3A = vector.extract_strided_slice %get3A_281 {offsets = [0], sizes = [1], strides = [1]} : vector<16xi32> to vector<1xi32>
    %squeeze3A = vector.extract %slice3A[0] : i32 from vector<1xi32>
    %slice3A_316 = vector.extract_strided_slice %get3A_283 {offsets = [0], sizes = [1], strides = [1]} : vector<16xi32> to vector<1xi32>
    %squeeze3A_317 = vector.extract %slice3A_316[0] : i32 from vector<1xi32>
    %add3A_318 = vector.broadcast %squeeze3A : i32 to vector<16xi32>
    %add3A_319 = arith.addi %add3A_318, %iota3A : vector<16xi32>
    %add3A_320 = vector.broadcast %squeeze3A_317 : i32 to vector<16xi32>
    %add3A_321 = arith.addi %add3A_319, %add3A_320 : vector<16xi32>
    %add3A_322 = arith.constant 4096 : i32
    %add3A_323 = vector.broadcast %add3A_322 : i32 to vector<16xi32>
    %add3A_324 = arith.addi %add3A_319, %add3A_323 : vector<16xi32>
    %scan3A = arith.constant 0 : i32
    %scan3A_325 = arith.constant 256 : i32
    %scan3A_326 = arith.addi %scan3A, %scan3A_325 : i32
    %scan3A_327 = arith.constant 2 : i32
    scf.for %scan3A_937 = %scan3A to %scan3A_326 step %scan3A_327  : i32 {
      %mul3A_938 = arith.constant 1 : i32
      %mul3A_939 = arith.muli %scan3A_937, %mul3A_938 : i32
      %add3A_940 = arith.constant 0 : i32
      %add3A_941 = arith.addi %add3A_940, %mul3A_939 : i32
      %mul3A_942 = arith.constant 16 : i32
      %mul3A_943 = arith.muli %add3A_941, %mul3A_942 : i32
      %multiple_of3A = tpu.assume_multiple %mul3A_943, 16 : i32
      %add3A_944 = vector.broadcast %multiple_of3A : i32 to vector<16xi32>
      %add3A_945 = arith.addi %add3A_319, %add3A_944 : vector<16xi32>
      %gather3A = tpu.vector_load_idx %arg9[%add3A_945] : memref<8192xi32, #tpu.memory_space<vmem>>[vector<16xi32>], vector<16xi32>,
      %swap3A = arith.index_cast %multiple_of3A : i32 to index
      %swap3A_946 = tpu.vector_load %arg17[%swap3A] {strides = array<i32>} : memref<4096xi32, #tpu.memory_space<vmem>>, vector<16xi32>,
      tpu.vector_store %arg17[%swap3A], %gather3A {strides = array<i32>} : memref<4096xi32, #tpu.memory_space<vmem>>, vector<16xi32>,
      %scan3A_947 = arith.constant 1 : i32
      %scan3A_948 = arith.addi %scan3A_937, %scan3A_947 : i32
      %mul3A_949 = arith.constant 1 : i32
      %mul3A_950 = arith.muli %scan3A_948, %mul3A_949 : i32
      %add3A_951 = arith.constant 0 : i32
      %add3A_952 = arith.addi %add3A_951, %mul3A_950 : i32
      %mul3A_953 = arith.constant 16 : i32
      %mul3A_954 = arith.muli %add3A_952, %mul3A_953 : i32
      %multiple_of3A_955 = tpu.assume_multiple %mul3A_954, 16 : i32
      %add3A_956 = vector.broadcast %multiple_of3A_955 : i32 to vector<16xi32>
      %add3A_957 = arith.addi %add3A_319, %add3A_956 : vector<16xi32>
      %gather3A_958 = tpu.vector_load_idx %arg9[%add3A_957] : memref<8192xi32, #tpu.memory_space<vmem>>[vector<16xi32>], vector<16xi32>,
      %swap3A_959 = arith.index_cast %multiple_of3A_955 : i32 to index
      %swap3A_960 = tpu.vector_load %arg17[%swap3A_959] {strides = array<i32>} : memref<4096xi32, #tpu.memory_space<vmem>>, vector<16xi32>,
      tpu.vector_store %arg17[%swap3A_959], %gather3A_958 {strides = array<i32>} : memref<4096xi32, #tpu.memory_space<vmem>>, vector<16xi32>,
    }
    %scan3A_328 = arith.constant 256 : i32
    %scan3A_329 = arith.constant 0 : i32
    %scan3A_330 = arith.constant 128 : i32
    %scan3A_331 = arith.addi %scan3A_329, %scan3A_330 : i32
    %scan3A_332 = arith.constant 2 : i32
    scf.for %scan3A_937 = %scan3A_329 to %scan3A_331 step %scan3A_332  : i32 {
      %mul3A_938 = arith.constant 1 : i32
      %mul3A_939 = arith.muli %scan3A_937, %mul3A_938 : i32
      %add3A_940 = arith.constant 0 : i32
      %add3A_941 = arith.addi %add3A_940, %mul3A_939 : i32
      %mul3A_942 = arith.constant 16 : i32
      %mul3A_943 = arith.muli %add3A_941, %mul3A_942 : i32
      %multiple_of3A = tpu.assume_multiple %mul3A_943, 16 : i32
      %add3A_944 = arith.constant 6144 : i32
      %add3A_945 = arith.addi %add3A_944, %multiple_of3A : i32
      %get3A_946 = arith.index_cast %add3A_945 : i32 to index
      %get3A_947 = tpu.vector_load %arg9[%get3A_946] {strides = array<i32>} : memref<8192xi32, #tpu.memory_space<vmem>>, vector<16xi32>,
      %add3A_948 = vector.broadcast %multiple_of3A : i32 to vector<16xi32>
      %add3A_949 = arith.addi %add3A_324, %add3A_948 : vector<16xi32>
      tpu.vector_store_idx %arg9[%add3A_949], %get3A_947 : memref<8192xi32, #tpu.memory_space<vmem>>[vector<16xi32>], vector<16xi32>,
      %scan3A_950 = arith.constant 1 : i32
      %scan3A_951 = arith.addi %scan3A_937, %scan3A_950 : i32
      %mul3A_952 = arith.constant 1 : i32
      %mul3A_953 = arith.muli %scan3A_951, %mul3A_952 : i32
      %add3A_954 = arith.constant 0 : i32
      %add3A_955 = arith.addi %add3A_954, %mul3A_953 : i32
      %mul3A_956 = arith.constant 16 : i32
      %mul3A_957 = arith.muli %add3A_955, %mul3A_956 : i32
      %multiple_of3A_958 = tpu.assume_multiple %mul3A_957, 16 : i32
      %add3A_959 = arith.constant 6144 : i32
      %add3A_960 = arith.addi %add3A_959, %multiple_of3A_958 : i32
      %get3A_961 = arith.index_cast %add3A_960 : i32 to index
      %get3A_962 = tpu.vector_load %arg9[%get3A_961] {strides = array<i32>} : memref<8192xi32, #tpu.memory_space<vmem>>, vector<16xi32>,
      %add3A_963 = vector.broadcast %multiple_of3A_958 : i32 to vector<16xi32>
      %add3A_964 = arith.addi %add3A_324, %add3A_963 : vector<16xi32>
      tpu.vector_store_idx %arg9[%add3A_964], %get3A_962 : memref<8192xi32, #tpu.memory_space<vmem>>[vector<16xi32>], vector<16xi32>,
    }
    %scan3A_333 = arith.constant 128 : i32
    %scan3A_334 = arith.constant 0 : i32
    %scan3A_335 = arith.constant 256 : i32
    %scan3A_336 = arith.addi %scan3A_334, %scan3A_335 : i32
    %scan3A_337 = arith.constant 2 : i32
    scf.for %scan3A_937 = %scan3A_334 to %scan3A_336 step %scan3A_337  : i32 {
      %mul3A_938 = arith.constant 1 : i32
      %mul3A_939 = arith.muli %scan3A_937, %mul3A_938 : i32
      %add3A_940 = arith.constant 0 : i32
      %add3A_941 = arith.addi %add3A_940, %mul3A_939 : i32
      %mul3A_942 = arith.constant 16 : i32
      %mul3A_943 = arith.muli %add3A_941, %mul3A_942 : i32
      %multiple_of3A = tpu.assume_multiple %mul3A_943, 16 : i32
      %add3A_944 = vector.broadcast %multiple_of3A : i32 to vector<16xi32>
      %add3A_945 = arith.addi %add3A_321, %add3A_944 : vector<16xi32>
      %gather3A = tpu.vector_load_idx %arg9[%add3A_945] : memref<8192xi32, #tpu.memory_space<vmem>>[vector<16xi32>], vector<16xi32>,
      %swap3A = arith.index_cast %multiple_of3A : i32 to index
      %swap3A_946 = tpu.vector_load %arg21[%swap3A] {strides = array<i32>} : memref<4096xi32, #tpu.memory_space<vmem>>, vector<16xi32>,
      tpu.vector_store %arg21[%swap3A], %gather3A {strides = array<i32>} : memref<4096xi32, #tpu.memory_space<vmem>>, vector<16xi32>,
      %scan3A_947 = arith.constant 1 : i32
      %scan3A_948 = arith.addi %scan3A_937, %scan3A_947 : i32
      %mul3A_949 = arith.constant 1 : i32
      %mul3A_950 = arith.muli %scan3A_948, %mul3A_949 : i32
      %add3A_951 = arith.constant 0 : i32
      %add3A_952 = arith.addi %add3A_951, %mul3A_950 : i32
      %mul3A_953 = arith.constant 16 : i32
      %mul3A_954 = arith.muli %add3A_952, %mul3A_953 : i32
      %multiple_of3A_955 = tpu.assume_multiple %mul3A_954, 16 : i32
      %add3A_956 = vector.broadcast %multiple_of3A_955 : i32 to vector<16xi32>
      %add3A_957 = arith.addi %add3A_321, %add3A_956 : vector<16xi32>
      %gather3A_958 = tpu.vector_load_idx %arg9[%add3A_957] : memref<8192xi32, #tpu.memory_space<vmem>>[vector<16xi32>], vector<16xi32>,
      %swap3A_959 = arith.index_cast %multiple_of3A_955 : i32 to index
      %swap3A_960 = tpu.vector_load %arg21[%swap3A_959] {strides = array<i32>} : memref<4096xi32, #tpu.memory_space<vmem>>, vector<16xi32>,
      tpu.vector_store %arg21[%swap3A_959], %gather3A_958 {strides = array<i32>} : memref<4096xi32, #tpu.memory_space<vmem>>, vector<16xi32>,
    }
    %scan3A_338 = arith.constant 256 : i32
    %dma_start3A_339 = arith.constant 0 : i32
    %dma_start3A_340 = tpu.memref_slice %arg7[%add3A_285, %dma_start3A_339] : memref<256x4096xi32, #tpu.memory_space<hbm>> -> memref<1x4096xi32, #tpu.memory_space<hbm>>
    %dma_start3A_341 = tpu.memref_squeeze %dma_start3A_340 : memref<1x4096xi32, #tpu.memory_space<hbm>> -> memref<4096xi32, #tpu.memory_space<hbm>>
    %dma_start3A_342 = arith.constant 0 : i32
    %dma_start3A_343 = tpu.memref_slice %arg7[%add3A_285, %dma_start3A_342] : memref<256x4096xi32, #tpu.memory_space<hbm>> -> memref<1x4096xi32, #tpu.memory_space<hbm>>
    %dma_start3A_344 = tpu.memref_squeeze %dma_start3A_343 : memref<1x4096xi32, #tpu.memory_space<hbm>> -> memref<4096xi32, #tpu.memory_space<hbm>>
    tpu.enqueue_dma source(%arg17 : memref<4096xi32, #tpu.memory_space<vmem>>) target(%dma_start3A_344 : memref<4096xi32, #tpu.memory_space<hbm>>) target_semaphore(%arg36 : memref<!tpu.dma_semaphore, #tpu.memory_space<semaphore_mem>>)
    %dma_start3A_345 = arith.constant 0 : i32
    %dma_start3A_346 = tpu.memref_slice %arg8[%add3A_285, %dma_start3A_345] : memref<256x4096xi32, #tpu.memory_space<hbm>> -> memref<1x4096xi32, #tpu.memory_space<hbm>>
    %dma_start3A_347 = tpu.memref_squeeze %dma_start3A_346 : memref<1x4096xi32, #tpu.memory_space<hbm>> -> memref<4096xi32, #tpu.memory_space<hbm>>
    %dma_start3A_348 = arith.constant 0 : i32
    %dma_start3A_349 = tpu.memref_slice %arg8[%add3A_285, %dma_start3A_348] : memref<256x4096xi32, #tpu.memory_space<hbm>> -> memref<1x4096xi32, #tpu.memory_space<hbm>>
    %dma_start3A_350 = tpu.memref_squeeze %dma_start3A_349 : memref<1x4096xi32, #tpu.memory_space<hbm>> -> memref<4096xi32, #tpu.memory_space<hbm>>
    tpu.enqueue_dma source(%arg21 : memref<4096xi32, #tpu.memory_space<vmem>>) target(%dma_start3A_350 : memref<4096xi32, #tpu.memory_space<hbm>>) target_semaphore(%arg36 : memref<!tpu.dma_semaphore, #tpu.memory_space<semaphore_mem>>)
    %add3A_351 = arith.constant 1 : i32
    %add3A_352 = arith.addi %mul3A_2, %add3A_351 : i32
    %dma_wait3A_353 = arith.constant 0 : i32
    %dma_wait3A_354 = tpu.memref_slice %arg10[%dma_wait3A_353] : memref<8192xi32, #tpu.memory_space<vmem>> -> memref<4096xi32, #tpu.memory_space<vmem>>
    %dma_wait3A_355 = arith.constant 0 : i32
    %dma_wait3A_356 = tpu.memref_slice %arg6[%add3A_47, %dma_wait3A_355] : memref<256x4096xi32, #tpu.memory_space<hbm>> -> memref<1x4096xi32, #tpu.memory_space<hbm>>
    %dma_wait3A_357 = tpu.memref_squeeze %dma_wait3A_356 : memref<1x4096xi32, #tpu.memory_space<hbm>> -> memref<4096xi32, #tpu.memory_space<hbm>>
    %dma_wait3A_358 = arith.constant 0 : i32
    %dma_wait3A_359 = tpu.memref_slice %arg10[%dma_wait3A_358] : memref<8192xi32, #tpu.memory_space<vmem>> -> memref<4096xi32, #tpu.memory_space<vmem>>
    %dma_wait3A_360 = arith.constant 0 : i32
    %dma_wait3A_361 = tpu.memref_slice %arg6[%add3A_47, %dma_wait3A_360] : memref<256x4096xi32, #tpu.memory_space<hbm>> -> memref<1x4096xi32, #tpu.memory_space<hbm>>
    %dma_wait3A_362 = tpu.memref_squeeze %dma_wait3A_361 : memref<1x4096xi32, #tpu.memory_space<hbm>> -> memref<4096xi32, #tpu.memory_space<hbm>>
    tpu.wait_dma2 semaphore(%arg29 : memref<!tpu.dma_semaphore, #tpu.memory_space<semaphore_mem>>) src(%dma_wait3A_362 : memref<4096xi32, #tpu.memory_space<hbm>>) dst(%dma_wait3A_359 : memref<4096xi32, #tpu.memory_space<vmem>>)
    %dma_wait3A_363 = arith.constant 4096 : i32
    %dma_wait3A_364 = tpu.memref_slice %arg10[%dma_wait3A_363] : memref<8192xi32, #tpu.memory_space<vmem>> -> memref<2048xi32, #tpu.memory_space<vmem>>
    %dma_wait3A_365 = arith.constant 0 : i32
    %dma_wait3A_366 = tpu.memref_slice %arg2[%add3A_47, %dma_wait3A_365] : memref<256x2048xi32, #tpu.memory_space<hbm>> -> memref<1x2048xi32, #tpu.memory_space<hbm>>
    %dma_wait3A_367 = tpu.memref_squeeze %dma_wait3A_366 : memref<1x2048xi32, #tpu.memory_space<hbm>> -> memref<2048xi32, #tpu.memory_space<hbm>>
    %dma_wait3A_368 = arith.constant 4096 : i32
    %dma_wait3A_369 = tpu.memref_slice %arg10[%dma_wait3A_368] : memref<8192xi32, #tpu.memory_space<vmem>> -> memref<2048xi32, #tpu.memory_space<vmem>>
    %dma_wait3A_370 = arith.constant 0 : i32
    %dma_wait3A_371 = tpu.memref_slice %arg2[%add3A_47, %dma_wait3A_370] : memref<256x2048xi32, #tpu.memory_space<hbm>> -> memref<1x2048xi32, #tpu.memory_space<hbm>>
    %dma_wait3A_372 = tpu.memref_squeeze %dma_wait3A_371 : memref<1x2048xi32, #tpu.memory_space<hbm>> -> memref<2048xi32, #tpu.memory_space<hbm>>
    tpu.wait_dma2 semaphore(%arg29 : memref<!tpu.dma_semaphore, #tpu.memory_space<semaphore_mem>>) src(%dma_wait3A_372 : memref<2048xi32, #tpu.memory_space<hbm>>) dst(%dma_wait3A_369 : memref<2048xi32, #tpu.memory_space<vmem>>)
    %dma_wait3A_373 = arith.constant 6144 : i32
    %dma_wait3A_374 = tpu.memref_slice %arg10[%dma_wait3A_373] : memref<8192xi32, #tpu.memory_space<vmem>> -> memref<2048xi32, #tpu.memory_space<vmem>>
    %dma_wait3A_375 = arith.constant 0 : i32
    %dma_wait3A_376 = tpu.memref_slice %arg4[%add3A_47, %dma_wait3A_375] : memref<256x2048xi32, #tpu.memory_space<hbm>> -> memref<1x2048xi32, #tpu.memory_space<hbm>>
    %dma_wait3A_377 = tpu.memref_squeeze %dma_wait3A_376 : memref<1x2048xi32, #tpu.memory_space<hbm>> -> memref<2048xi32, #tpu.memory_space<hbm>>
    %dma_wait3A_378 = arith.constant 6144 : i32
    %dma_wait3A_379 = tpu.memref_slice %arg10[%dma_wait3A_378] : memref<8192xi32, #tpu.memory_space<vmem>> -> memref<2048xi32, #tpu.memory_space<vmem>>
    %dma_wait3A_380 = arith.constant 0 : i32
    %dma_wait3A_381 = tpu.memref_slice %arg4[%add3A_47, %dma_wait3A_380] : memref<256x2048xi32, #tpu.memory_space<hbm>> -> memref<1x2048xi32, #tpu.memory_space<hbm>>
    %dma_wait3A_382 = tpu.memref_squeeze %dma_wait3A_381 : memref<1x2048xi32, #tpu.memory_space<hbm>> -> memref<2048xi32, #tpu.memory_space<hbm>>
    tpu.wait_dma2 semaphore(%arg29 : memref<!tpu.dma_semaphore, #tpu.memory_space<semaphore_mem>>) src(%dma_wait3A_382 : memref<2048xi32, #tpu.memory_space<hbm>>) dst(%dma_wait3A_379 : memref<2048xi32, #tpu.memory_space<vmem>>)
    %slice3A_383 = vector.extract_strided_slice %get3A_281 {offsets = [1], sizes = [1], strides = [1]} : vector<16xi32> to vector<1xi32>
    %squeeze3A_384 = vector.extract %slice3A_383[0] : i32 from vector<1xi32>
    %slice3A_385 = vector.extract_strided_slice %get3A_283 {offsets = [1], sizes = [1], strides = [1]} : vector<16xi32> to vector<1xi32>
    %squeeze3A_386 = vector.extract %slice3A_385[0] : i32 from vector<1xi32>
    %add3A_387 = vector.broadcast %squeeze3A_384 : i32 to vector<16xi32>
    %add3A_388 = arith.addi %add3A_387, %iota3A : vector<16xi32>
    %add3A_389 = vector.broadcast %squeeze3A_386 : i32 to vector<16xi32>
    %add3A_390 = arith.addi %add3A_388, %add3A_389 : vector<16xi32>
    %add3A_391 = arith.constant 4096 : i32
    %add3A_392 = vector.broadcast %add3A_391 : i32 to vector<16xi32>
    %add3A_393 = arith.addi %add3A_388, %add3A_392 : vector<16xi32>
    %scan3A_394 = arith.constant 0 : i32
    %scan3A_395 = arith.constant 256 : i32
    %scan3A_396 = arith.addi %scan3A_394, %scan3A_395 : i32
    %scan3A_397 = arith.constant 2 : i32
    scf.for %scan3A_937 = %scan3A_394 to %scan3A_396 step %scan3A_397  : i32 {
      %mul3A_938 = arith.constant 1 : i32
      %mul3A_939 = arith.muli %scan3A_937, %mul3A_938 : i32
      %add3A_940 = arith.constant 0 : i32
      %add3A_941 = arith.addi %add3A_940, %mul3A_939 : i32
      %mul3A_942 = arith.constant 16 : i32
      %mul3A_943 = arith.muli %add3A_941, %mul3A_942 : i32
      %multiple_of3A = tpu.assume_multiple %mul3A_943, 16 : i32
      %add3A_944 = vector.broadcast %multiple_of3A : i32 to vector<16xi32>
      %add3A_945 = arith.addi %add3A_388, %add3A_944 : vector<16xi32>
      %gather3A = tpu.vector_load_idx %arg10[%add3A_945] : memref<8192xi32, #tpu.memory_space<vmem>>[vector<16xi32>], vector<16xi32>,
      %swap3A = arith.index_cast %multiple_of3A : i32 to index
      %swap3A_946 = tpu.vector_load %arg18[%swap3A] {strides = array<i32>} : memref<4096xi32, #tpu.memory_space<vmem>>, vector<16xi32>,
      tpu.vector_store %arg18[%swap3A], %gather3A {strides = array<i32>} : memref<4096xi32, #tpu.memory_space<vmem>>, vector<16xi32>,
      %scan3A_947 = arith.constant 1 : i32
      %scan3A_948 = arith.addi %scan3A_937, %scan3A_947 : i32
      %mul3A_949 = arith.constant 1 : i32
      %mul3A_950 = arith.muli %scan3A_948, %mul3A_949 : i32
      %add3A_951 = arith.constant 0 : i32
      %add3A_952 = arith.addi %add3A_951, %mul3A_950 : i32
      %mul3A_953 = arith.constant 16 : i32
      %mul3A_954 = arith.muli %add3A_952, %mul3A_953 : i32
      %multiple_of3A_955 = tpu.assume_multiple %mul3A_954, 16 : i32
      %add3A_956 = vector.broadcast %multiple_of3A_955 : i32 to vector<16xi32>
      %add3A_957 = arith.addi %add3A_388, %add3A_956 : vector<16xi32>
      %gather3A_958 = tpu.vector_load_idx %arg10[%add3A_957] : memref<8192xi32, #tpu.memory_space<vmem>>[vector<16xi32>], vector<16xi32>,
      %swap3A_959 = arith.index_cast %multiple_of3A_955 : i32 to index
      %swap3A_960 = tpu.vector_load %arg18[%swap3A_959] {strides = array<i32>} : memref<4096xi32, #tpu.memory_space<vmem>>, vector<16xi32>,
      tpu.vector_store %arg18[%swap3A_959], %gather3A_958 {strides = array<i32>} : memref<4096xi32, #tpu.memory_space<vmem>>, vector<16xi32>,
    }
    %scan3A_398 = arith.constant 256 : i32
    %scan3A_399 = arith.constant 0 : i32
    %scan3A_400 = arith.constant 128 : i32
    %scan3A_401 = arith.addi %scan3A_399, %scan3A_400 : i32
    %scan3A_402 = arith.constant 2 : i32
    scf.for %scan3A_937 = %scan3A_399 to %scan3A_401 step %scan3A_402  : i32 {
      %mul3A_938 = arith.constant 1 : i32
      %mul3A_939 = arith.muli %scan3A_937, %mul3A_938 : i32
      %add3A_940 = arith.constant 0 : i32
      %add3A_941 = arith.addi %add3A_940, %mul3A_939 : i32
      %mul3A_942 = arith.constant 16 : i32
      %mul3A_943 = arith.muli %add3A_941, %mul3A_942 : i32
      %multiple_of3A = tpu.assume_multiple %mul3A_943, 16 : i32
      %add3A_944 = arith.constant 6144 : i32
      %add3A_945 = arith.addi %add3A_944, %multiple_of3A : i32
      %get3A_946 = arith.index_cast %add3A_945 : i32 to index
      %get3A_947 = tpu.vector_load %arg10[%get3A_946] {strides = array<i32>} : memref<8192xi32, #tpu.memory_space<vmem>>, vector<16xi32>,
      %add3A_948 = vector.broadcast %multiple_of3A : i32 to vector<16xi32>
      %add3A_949 = arith.addi %add3A_393, %add3A_948 : vector<16xi32>
      tpu.vector_store_idx %arg10[%add3A_949], %get3A_947 : memref<8192xi32, #tpu.memory_space<vmem>>[vector<16xi32>], vector<16xi32>,
      %scan3A_950 = arith.constant 1 : i32
      %scan3A_951 = arith.addi %scan3A_937, %scan3A_950 : i32
      %mul3A_952 = arith.constant 1 : i32
      %mul3A_953 = arith.muli %scan3A_951, %mul3A_952 : i32
      %add3A_954 = arith.constant 0 : i32
      %add3A_955 = arith.addi %add3A_954, %mul3A_953 : i32
      %mul3A_956 = arith.constant 16 : i32
      %mul3A_957 = arith.muli %add3A_955, %mul3A_956 : i32
      %multiple_of3A_958 = tpu.assume_multiple %mul3A_957, 16 : i32
      %add3A_959 = arith.constant 6144 : i32
      %add3A_960 = arith.addi %add3A_959, %multiple_of3A_958 : i32
      %get3A_961 = arith.index_cast %add3A_960 : i32 to index
      %get3A_962 = tpu.vector_load %arg10[%get3A_961] {strides = array<i32>} : memref<8192xi32, #tpu.memory_space<vmem>>, vector<16xi32>,
      %add3A_963 = vector.broadcast %multiple_of3A_958 : i32 to vector<16xi32>
      %add3A_964 = arith.addi %add3A_393, %add3A_963 : vector<16xi32>
      tpu.vector_store_idx %arg10[%add3A_964], %get3A_962 : memref<8192xi32, #tpu.memory_space<vmem>>[vector<16xi32>], vector<16xi32>,
    }
    %scan3A_403 = arith.constant 128 : i32
    %scan3A_404 = arith.constant 0 : i32
    %scan3A_405 = arith.constant 256 : i32
    %scan3A_406 = arith.addi %scan3A_404, %scan3A_405 : i32
    %scan3A_407 = arith.constant 2 : i32
    scf.for %scan3A_937 = %scan3A_404 to %scan3A_406 step %scan3A_407  : i32 {
      %mul3A_938 = arith.constant 1 : i32
      %mul3A_939 = arith.muli %scan3A_937, %mul3A_938 : i32
      %add3A_940 = arith.constant 0 : i32
      %add3A_941 = arith.addi %add3A_940, %mul3A_939 : i32
      %mul3A_942 = arith.constant 16 : i32
      %mul3A_943 = arith.muli %add3A_941, %mul3A_942 : i32
      %multiple_of3A = tpu.assume_multiple %mul3A_943, 16 : i32
      %add3A_944 = vector.broadcast %multiple_of3A : i32 to vector<16xi32>
      %add3A_945 = arith.addi %add3A_390, %add3A_944 : vector<16xi32>
      %gather3A = tpu.vector_load_idx %arg10[%add3A_945] : memref<8192xi32, #tpu.memory_space<vmem>>[vector<16xi32>], vector<16xi32>,
      %swap3A = arith.index_cast %multiple_of3A : i32 to index
      %swap3A_946 = tpu.vector_load %arg22[%swap3A] {strides = array<i32>} : memref<4096xi32, #tpu.memory_space<vmem>>, vector<16xi32>,
      tpu.vector_store %arg22[%swap3A], %gather3A {strides = array<i32>} : memref<4096xi32, #tpu.memory_space<vmem>>, vector<16xi32>,
      %scan3A_947 = arith.constant 1 : i32
      %scan3A_948 = arith.addi %scan3A_937, %scan3A_947 : i32
      %mul3A_949 = arith.constant 1 : i32
      %mul3A_950 = arith.muli %scan3A_948, %mul3A_949 : i32
      %add3A_951 = arith.constant 0 : i32
      %add3A_952 = arith.addi %add3A_951, %mul3A_950 : i32
      %mul3A_953 = arith.constant 16 : i32
      %mul3A_954 = arith.muli %add3A_952, %mul3A_953 : i32
      %multiple_of3A_955 = tpu.assume_multiple %mul3A_954, 16 : i32
      %add3A_956 = vector.broadcast %multiple_of3A_955 : i32 to vector<16xi32>
      %add3A_957 = arith.addi %add3A_390, %add3A_956 : vector<16xi32>
      %gather3A_958 = tpu.vector_load_idx %arg10[%add3A_957] : memref<8192xi32, #tpu.memory_space<vmem>>[vector<16xi32>], vector<16xi32>,
      %swap3A_959 = arith.index_cast %multiple_of3A_955 : i32 to index
      %swap3A_960 = tpu.vector_load %arg22[%swap3A_959] {strides = array<i32>} : memref<4096xi32, #tpu.memory_space<vmem>>, vector<16xi32>,
      tpu.vector_store %arg22[%swap3A_959], %gather3A_958 {strides = array<i32>} : memref<4096xi32, #tpu.memory_space<vmem>>, vector<16xi32>,
    }
    %scan3A_408 = arith.constant 256 : i32
    %dma_start3A_409 = arith.constant 0 : i32
    %dma_start3A_410 = tpu.memref_slice %arg7[%add3A_352, %dma_start3A_409] : memref<256x4096xi32, #tpu.memory_space<hbm>> -> memref<1x4096xi32, #tpu.memory_space<hbm>>
    %dma_start3A_411 = tpu.memref_squeeze %dma_start3A_410 : memref<1x4096xi32, #tpu.memory_space<hbm>> -> memref<4096xi32, #tpu.memory_space<hbm>>
    %dma_start3A_412 = arith.constant 0 : i32
    %dma_start3A_413 = tpu.memref_slice %arg7[%add3A_352, %dma_start3A_412] : memref<256x4096xi32, #tpu.memory_space<hbm>> -> memref<1x4096xi32, #tpu.memory_space<hbm>>
    %dma_start3A_414 = tpu.memref_squeeze %dma_start3A_413 : memref<1x4096xi32, #tpu.memory_space<hbm>> -> memref<4096xi32, #tpu.memory_space<hbm>>
    tpu.enqueue_dma source(%arg18 : memref<4096xi32, #tpu.memory_space<vmem>>) target(%dma_start3A_414 : memref<4096xi32, #tpu.memory_space<hbm>>) target_semaphore(%arg37 : memref<!tpu.dma_semaphore, #tpu.memory_space<semaphore_mem>>)
    %dma_start3A_415 = arith.constant 0 : i32
    %dma_start3A_416 = tpu.memref_slice %arg8[%add3A_352, %dma_start3A_415] : memref<256x4096xi32, #tpu.memory_space<hbm>> -> memref<1x4096xi32, #tpu.memory_space<hbm>>
    %dma_start3A_417 = tpu.memref_squeeze %dma_start3A_416 : memref<1x4096xi32, #tpu.memory_space<hbm>> -> memref<4096xi32, #tpu.memory_space<hbm>>
    %dma_start3A_418 = arith.constant 0 : i32
    %dma_start3A_419 = tpu.memref_slice %arg8[%add3A_352, %dma_start3A_418] : memref<256x4096xi32, #tpu.memory_space<hbm>> -> memref<1x4096xi32, #tpu.memory_space<hbm>>
    %dma_start3A_420 = tpu.memref_squeeze %dma_start3A_419 : memref<1x4096xi32, #tpu.memory_space<hbm>> -> memref<4096xi32, #tpu.memory_space<hbm>>
    tpu.enqueue_dma source(%arg22 : memref<4096xi32, #tpu.memory_space<vmem>>) target(%dma_start3A_420 : memref<4096xi32, #tpu.memory_space<hbm>>) target_semaphore(%arg37 : memref<!tpu.dma_semaphore, #tpu.memory_space<semaphore_mem>>)
    %add3A_421 = arith.constant 2 : i32
    %add3A_422 = arith.addi %mul3A_2, %add3A_421 : i32
    %dma_wait3A_423 = arith.constant 0 : i32
    %dma_wait3A_424 = tpu.memref_slice %arg11[%dma_wait3A_423] : memref<8192xi32, #tpu.memory_space<vmem>> -> memref<4096xi32, #tpu.memory_space<vmem>>
    %dma_wait3A_425 = arith.constant 0 : i32
    %dma_wait3A_426 = tpu.memref_slice %arg6[%add3A_79, %dma_wait3A_425] : memref<256x4096xi32, #tpu.memory_space<hbm>> -> memref<1x4096xi32, #tpu.memory_space<hbm>>
    %dma_wait3A_427 = tpu.memref_squeeze %dma_wait3A_426 : memref<1x4096xi32, #tpu.memory_space<hbm>> -> memref<4096xi32, #tpu.memory_space<hbm>>
    %dma_wait3A_428 = arith.constant 0 : i32
    %dma_wait3A_429 = tpu.memref_slice %arg11[%dma_wait3A_428] : memref<8192xi32, #tpu.memory_space<vmem>> -> memref<4096xi32, #tpu.memory_space<vmem>>
    %dma_wait3A_430 = arith.constant 0 : i32
    %dma_wait3A_431 = tpu.memref_slice %arg6[%add3A_79, %dma_wait3A_430] : memref<256x4096xi32, #tpu.memory_space<hbm>> -> memref<1x4096xi32, #tpu.memory_space<hbm>>
    %dma_wait3A_432 = tpu.memref_squeeze %dma_wait3A_431 : memref<1x4096xi32, #tpu.memory_space<hbm>> -> memref<4096xi32, #tpu.memory_space<hbm>>
    tpu.wait_dma2 semaphore(%arg30 : memref<!tpu.dma_semaphore, #tpu.memory_space<semaphore_mem>>) src(%dma_wait3A_432 : memref<4096xi32, #tpu.memory_space<hbm>>) dst(%dma_wait3A_429 : memref<4096xi32, #tpu.memory_space<vmem>>)
    %dma_wait3A_433 = arith.constant 4096 : i32
    %dma_wait3A_434 = tpu.memref_slice %arg11[%dma_wait3A_433] : memref<8192xi32, #tpu.memory_space<vmem>> -> memref<2048xi32, #tpu.memory_space<vmem>>
    %dma_wait3A_435 = arith.constant 0 : i32
    %dma_wait3A_436 = tpu.memref_slice %arg2[%add3A_79, %dma_wait3A_435] : memref<256x2048xi32, #tpu.memory_space<hbm>> -> memref<1x2048xi32, #tpu.memory_space<hbm>>
    %dma_wait3A_437 = tpu.memref_squeeze %dma_wait3A_436 : memref<1x2048xi32, #tpu.memory_space<hbm>> -> memref<2048xi32, #tpu.memory_space<hbm>>
    %dma_wait3A_438 = arith.constant 4096 : i32
    %dma_wait3A_439 = tpu.memref_slice %arg11[%dma_wait3A_438] : memref<8192xi32, #tpu.memory_space<vmem>> -> memref<2048xi32, #tpu.memory_space<vmem>>
    %dma_wait3A_440 = arith.constant 0 : i32
    %dma_wait3A_441 = tpu.memref_slice %arg2[%add3A_79, %dma_wait3A_440] : memref<256x2048xi32, #tpu.memory_space<hbm>> -> memref<1x2048xi32, #tpu.memory_space<hbm>>
    %dma_wait3A_442 = tpu.memref_squeeze %dma_wait3A_441 : memref<1x2048xi32, #tpu.memory_space<hbm>> -> memref<2048xi32, #tpu.memory_space<hbm>>
    tpu.wait_dma2 semaphore(%arg30 : memref<!tpu.dma_semaphore, #tpu.memory_space<semaphore_mem>>) src(%dma_wait3A_442 : memref<2048xi32, #tpu.memory_space<hbm>>) dst(%dma_wait3A_439 : memref<2048xi32, #tpu.memory_space<vmem>>)
    %dma_wait3A_443 = arith.constant 6144 : i32
    %dma_wait3A_444 = tpu.memref_slice %arg11[%dma_wait3A_443] : memref<8192xi32, #tpu.memory_space<vmem>> -> memref<2048xi32, #tpu.memory_space<vmem>>
    %dma_wait3A_445 = arith.constant 0 : i32
    %dma_wait3A_446 = tpu.memref_slice %arg4[%add3A_79, %dma_wait3A_445] : memref<256x2048xi32, #tpu.memory_space<hbm>> -> memref<1x2048xi32, #tpu.memory_space<hbm>>
    %dma_wait3A_447 = tpu.memref_squeeze %dma_wait3A_446 : memref<1x2048xi32, #tpu.memory_space<hbm>> -> memref<2048xi32, #tpu.memory_space<hbm>>
    %dma_wait3A_448 = arith.constant 6144 : i32
    %dma_wait3A_449 = tpu.memref_slice %arg11[%dma_wait3A_448] : memref<8192xi32, #tpu.memory_space<vmem>> -> memref<2048xi32, #tpu.memory_space<vmem>>
    %dma_wait3A_450 = arith.constant 0 : i32
    %dma_wait3A_451 = tpu.memref_slice %arg4[%add3A_79, %dma_wait3A_450] : memref<256x2048xi32, #tpu.memory_space<hbm>> -> memref<1x2048xi32, #tpu.memory_space<hbm>>
    %dma_wait3A_452 = tpu.memref_squeeze %dma_wait3A_451 : memref<1x2048xi32, #tpu.memory_space<hbm>> -> memref<2048xi32, #tpu.memory_space<hbm>>
    tpu.wait_dma2 semaphore(%arg30 : memref<!tpu.dma_semaphore, #tpu.memory_space<semaphore_mem>>) src(%dma_wait3A_452 : memref<2048xi32, #tpu.memory_space<hbm>>) dst(%dma_wait3A_449 : memref<2048xi32, #tpu.memory_space<vmem>>)
    %slice3A_453 = vector.extract_strided_slice %get3A_281 {offsets = [2], sizes = [1], strides = [1]} : vector<16xi32> to vector<1xi32>
    %squeeze3A_454 = vector.extract %slice3A_453[0] : i32 from vector<1xi32>
    %slice3A_455 = vector.extract_strided_slice %get3A_283 {offsets = [2], sizes = [1], strides = [1]} : vector<16xi32> to vector<1xi32>
    %squeeze3A_456 = vector.extract %slice3A_455[0] : i32 from vector<1xi32>
    %add3A_457 = vector.broadcast %squeeze3A_454 : i32 to vector<16xi32>
    %add3A_458 = arith.addi %add3A_457, %iota3A : vector<16xi32>
    %add3A_459 = vector.broadcast %squeeze3A_456 : i32 to vector<16xi32>
    %add3A_460 = arith.addi %add3A_458, %add3A_459 : vector<16xi32>
    %add3A_461 = arith.constant 4096 : i32
    %add3A_462 = vector.broadcast %add3A_461 : i32 to vector<16xi32>
    %add3A_463 = arith.addi %add3A_458, %add3A_462 : vector<16xi32>
    %scan3A_464 = arith.constant 0 : i32
    %scan3A_465 = arith.constant 256 : i32
    %scan3A_466 = arith.addi %scan3A_464, %scan3A_465 : i32
    %scan3A_467 = arith.constant 2 : i32
    scf.for %scan3A_937 = %scan3A_464 to %scan3A_466 step %scan3A_467  : i32 {
      %mul3A_938 = arith.constant 1 : i32
      %mul3A_939 = arith.muli %scan3A_937, %mul3A_938 : i32
      %add3A_940 = arith.constant 0 : i32
      %add3A_941 = arith.addi %add3A_940, %mul3A_939 : i32
      %mul3A_942 = arith.constant 16 : i32
      %mul3A_943 = arith.muli %add3A_941, %mul3A_942 : i32
      %multiple_of3A = tpu.assume_multiple %mul3A_943, 16 : i32
      %add3A_944 = vector.broadcast %multiple_of3A : i32 to vector<16xi32>
      %add3A_945 = arith.addi %add3A_458, %add3A_944 : vector<16xi32>
      %gather3A = tpu.vector_load_idx %arg11[%add3A_945] : memref<8192xi32, #tpu.memory_space<vmem>>[vector<16xi32>], vector<16xi32>,
      %swap3A = arith.index_cast %multiple_of3A : i32 to index
      %swap3A_946 = tpu.vector_load %arg19[%swap3A] {strides = array<i32>} : memref<4096xi32, #tpu.memory_space<vmem>>, vector<16xi32>,
      tpu.vector_store %arg19[%swap3A], %gather3A {strides = array<i32>} : memref<4096xi32, #tpu.memory_space<vmem>>, vector<16xi32>,
      %scan3A_947 = arith.constant 1 : i32
      %scan3A_948 = arith.addi %scan3A_937, %scan3A_947 : i32
      %mul3A_949 = arith.constant 1 : i32
      %mul3A_950 = arith.muli %scan3A_948, %mul3A_949 : i32
      %add3A_951 = arith.constant 0 : i32
      %add3A_952 = arith.addi %add3A_951, %mul3A_950 : i32
      %mul3A_953 = arith.constant 16 : i32
      %mul3A_954 = arith.muli %add3A_952, %mul3A_953 : i32
      %multiple_of3A_955 = tpu.assume_multiple %mul3A_954, 16 : i32
      %add3A_956 = vector.broadcast %multiple_of3A_955 : i32 to vector<16xi32>
      %add3A_957 = arith.addi %add3A_458, %add3A_956 : vector<16xi32>
      %gather3A_958 = tpu.vector_load_idx %arg11[%add3A_957] : memref<8192xi32, #tpu.memory_space<vmem>>[vector<16xi32>], vector<16xi32>,
      %swap3A_959 = arith.index_cast %multiple_of3A_955 : i32 to index
      %swap3A_960 = tpu.vector_load %arg19[%swap3A_959] {strides = array<i32>} : memref<4096xi32, #tpu.memory_space<vmem>>, vector<16xi32>,
      tpu.vector_store %arg19[%swap3A_959], %gather3A_958 {strides = array<i32>} : memref<4096xi32, #tpu.memory_space<vmem>>, vector<16xi32>,
    }
    %scan3A_468 = arith.constant 256 : i32
    %scan3A_469 = arith.constant 0 : i32
    %scan3A_470 = arith.constant 128 : i32
    %scan3A_471 = arith.addi %scan3A_469, %scan3A_470 : i32
    %scan3A_472 = arith.constant 2 : i32
    scf.for %scan3A_937 = %scan3A_469 to %scan3A_471 step %scan3A_472  : i32 {
      %mul3A_938 = arith.constant 1 : i32
      %mul3A_939 = arith.muli %scan3A_937, %mul3A_938 : i32
      %add3A_940 = arith.constant 0 : i32
      %add3A_941 = arith.addi %add3A_940, %mul3A_939 : i32
      %mul3A_942 = arith.constant 16 : i32
      %mul3A_943 = arith.muli %add3A_941, %mul3A_942 : i32
      %multiple_of3A = tpu.assume_multiple %mul3A_943, 16 : i32
      %add3A_944 = arith.constant 6144 : i32
      %add3A_945 = arith.addi %add3A_944, %multiple_of3A : i32
      %get3A_946 = arith.index_cast %add3A_945 : i32 to index
      %get3A_947 = tpu.vector_load %arg11[%get3A_946] {strides = array<i32>} : memref<8192xi32, #tpu.memory_space<vmem>>, vector<16xi32>,
      %add3A_948 = vector.broadcast %multiple_of3A : i32 to vector<16xi32>
      %add3A_949 = arith.addi %add3A_463, %add3A_948 : vector<16xi32>
      tpu.vector_store_idx %arg11[%add3A_949], %get3A_947 : memref<8192xi32, #tpu.memory_space<vmem>>[vector<16xi32>], vector<16xi32>,
      %scan3A_950 = arith.constant 1 : i32
      %scan3A_951 = arith.addi %scan3A_937, %scan3A_950 : i32
      %mul3A_952 = arith.constant 1 : i32
      %mul3A_953 = arith.muli %scan3A_951, %mul3A_952 : i32
      %add3A_954 = arith.constant 0 : i32
      %add3A_955 = arith.addi %add3A_954, %mul3A_953 : i32
      %mul3A_956 = arith.constant 16 : i32
      %mul3A_957 = arith.muli %add3A_955, %mul3A_956 : i32
      %multiple_of3A_958 = tpu.assume_multiple %mul3A_957, 16 : i32
      %add3A_959 = arith.constant 6144 : i32
      %add3A_960 = arith.addi %add3A_959, %multiple_of3A_958 : i32
      %get3A_961 = arith.index_cast %add3A_960 : i32 to index
      %get3A_962 = tpu.vector_load %arg11[%get3A_961] {strides = array<i32>} : memref<8192xi32, #tpu.memory_space<vmem>>, vector<16xi32>,
      %add3A_963 = vector.broadcast %multiple_of3A_958 : i32 to vector<16xi32>
      %add3A_964 = arith.addi %add3A_463, %add3A_963 : vector<16xi32>
      tpu.vector_store_idx %arg11[%add3A_964], %get3A_962 : memref<8192xi32, #tpu.memory_space<vmem>>[vector<16xi32>], vector<16xi32>,
    }
    %scan3A_473 = arith.constant 128 : i32
    %scan3A_474 = arith.constant 0 : i32
    %scan3A_475 = arith.constant 256 : i32
    %scan3A_476 = arith.addi %scan3A_474, %scan3A_475 : i32
    %scan3A_477 = arith.constant 2 : i32
    scf.for %scan3A_937 = %scan3A_474 to %scan3A_476 step %scan3A_477  : i32 {
      %mul3A_938 = arith.constant 1 : i32
      %mul3A_939 = arith.muli %scan3A_937, %mul3A_938 : i32
      %add3A_940 = arith.constant 0 : i32
      %add3A_941 = arith.addi %add3A_940, %mul3A_939 : i32
      %mul3A_942 = arith.constant 16 : i32
      %mul3A_943 = arith.muli %add3A_941, %mul3A_942 : i32
      %multiple_of3A = tpu.assume_multiple %mul3A_943, 16 : i32
      %add3A_944 = vector.broadcast %multiple_of3A : i32 to vector<16xi32>
      %add3A_945 = arith.addi %add3A_460, %add3A_944 : vector<16xi32>
      %gather3A = tpu.vector_load_idx %arg11[%add3A_945] : memref<8192xi32, #tpu.memory_space<vmem>>[vector<16xi32>], vector<16xi32>,
      %swap3A = arith.index_cast %multiple_of3A : i32 to index
      %swap3A_946 = tpu.vector_load %arg23[%swap3A] {strides = array<i32>} : memref<4096xi32, #tpu.memory_space<vmem>>, vector<16xi32>,
      tpu.vector_store %arg23[%swap3A], %gather3A {strides = array<i32>} : memref<4096xi32, #tpu.memory_space<vmem>>, vector<16xi32>,
      %scan3A_947 = arith.constant 1 : i32
      %scan3A_948 = arith.addi %scan3A_937, %scan3A_947 : i32
      %mul3A_949 = arith.constant 1 : i32
      %mul3A_950 = arith.muli %scan3A_948, %mul3A_949 : i32
      %add3A_951 = arith.constant 0 : i32
      %add3A_952 = arith.addi %add3A_951, %mul3A_950 : i32
      %mul3A_953 = arith.constant 16 : i32
      %mul3A_954 = arith.muli %add3A_952, %mul3A_953 : i32
      %multiple_of3A_955 = tpu.assume_multiple %mul3A_954, 16 : i32
      %add3A_956 = vector.broadcast %multiple_of3A_955 : i32 to vector<16xi32>
      %add3A_957 = arith.addi %add3A_460, %add3A_956 : vector<16xi32>
      %gather3A_958 = tpu.vector_load_idx %arg11[%add3A_957] : memref<8192xi32, #tpu.memory_space<vmem>>[vector<16xi32>], vector<16xi32>,
      %swap3A_959 = arith.index_cast %multiple_of3A_955 : i32 to index
      %swap3A_960 = tpu.vector_load %arg23[%swap3A_959] {strides = array<i32>} : memref<4096xi32, #tpu.memory_space<vmem>>, vector<16xi32>,
      tpu.vector_store %arg23[%swap3A_959], %gather3A_958 {strides = array<i32>} : memref<4096xi32, #tpu.memory_space<vmem>>, vector<16xi32>,
    }
    %scan3A_478 = arith.constant 256 : i32
    %dma_start3A_479 = arith.constant 0 : i32
    %dma_start3A_480 = tpu.memref_slice %arg7[%add3A_422, %dma_start3A_479] : memref<256x4096xi32, #tpu.memory_space<hbm>> -> memref<1x4096xi32, #tpu.memory_space<hbm>>
    %dma_start3A_481 = tpu.memref_squeeze %dma_start3A_480 : memref<1x4096xi32, #tpu.memory_space<hbm>> -> memref<4096xi32, #tpu.memory_space<hbm>>
    %dma_start3A_482 = arith.constant 0 : i32
    %dma_start3A_483 = tpu.memref_slice %arg7[%add3A_422, %dma_start3A_482] : memref<256x4096xi32, #tpu.memory_space<hbm>> -> memref<1x4096xi32, #tpu.memory_space<hbm>>
    %dma_start3A_484 = tpu.memref_squeeze %dma_start3A_483 : memref<1x4096xi32, #tpu.memory_space<hbm>> -> memref<4096xi32, #tpu.memory_space<hbm>>
    tpu.enqueue_dma source(%arg19 : memref<4096xi32, #tpu.memory_space<vmem>>) target(%dma_start3A_484 : memref<4096xi32, #tpu.memory_space<hbm>>) target_semaphore(%arg38 : memref<!tpu.dma_semaphore, #tpu.memory_space<semaphore_mem>>)
    %dma_start3A_485 = arith.constant 0 : i32
    %dma_start3A_486 = tpu.memref_slice %arg8[%add3A_422, %dma_start3A_485] : memref<256x4096xi32, #tpu.memory_space<hbm>> -> memref<1x4096xi32, #tpu.memory_space<hbm>>
    %dma_start3A_487 = tpu.memref_squeeze %dma_start3A_486 : memref<1x4096xi32, #tpu.memory_space<hbm>> -> memref<4096xi32, #tpu.memory_space<hbm>>
    %dma_start3A_488 = arith.constant 0 : i32
    %dma_start3A_489 = tpu.memref_slice %arg8[%add3A_422, %dma_start3A_488] : memref<256x4096xi32, #tpu.memory_space<hbm>> -> memref<1x4096xi32, #tpu.memory_space<hbm>>
    %dma_start3A_490 = tpu.memref_squeeze %dma_start3A_489 : memref<1x4096xi32, #tpu.memory_space<hbm>> -> memref<4096xi32, #tpu.memory_space<hbm>>
    tpu.enqueue_dma source(%arg23 : memref<4096xi32, #tpu.memory_space<vmem>>) target(%dma_start3A_490 : memref<4096xi32, #tpu.memory_space<hbm>>) target_semaphore(%arg38 : memref<!tpu.dma_semaphore, #tpu.memory_space<semaphore_mem>>)
    %add3A_491 = arith.constant 3 : i32
    %add3A_492 = arith.addi %mul3A_2, %add3A_491 : i32
    %dma_wait3A_493 = arith.constant 0 : i32
    %dma_wait3A_494 = tpu.memref_slice %arg12[%dma_wait3A_493] : memref<8192xi32, #tpu.memory_space<vmem>> -> memref<4096xi32, #tpu.memory_space<vmem>>
    %dma_wait3A_495 = arith.constant 0 : i32
    %dma_wait3A_496 = tpu.memref_slice %arg6[%add3A_111, %dma_wait3A_495] : memref<256x4096xi32, #tpu.memory_space<hbm>> -> memref<1x4096xi32, #tpu.memory_space<hbm>>
    %dma_wait3A_497 = tpu.memref_squeeze %dma_wait3A_496 : memref<1x4096xi32, #tpu.memory_space<hbm>> -> memref<4096xi32, #tpu.memory_space<hbm>>
    %dma_wait3A_498 = arith.constant 0 : i32
    %dma_wait3A_499 = tpu.memref_slice %arg12[%dma_wait3A_498] : memref<8192xi32, #tpu.memory_space<vmem>> -> memref<4096xi32, #tpu.memory_space<vmem>>
    %dma_wait3A_500 = arith.constant 0 : i32
    %dma_wait3A_501 = tpu.memref_slice %arg6[%add3A_111, %dma_wait3A_500] : memref<256x4096xi32, #tpu.memory_space<hbm>> -> memref<1x4096xi32, #tpu.memory_space<hbm>>
    %dma_wait3A_502 = tpu.memref_squeeze %dma_wait3A_501 : memref<1x4096xi32, #tpu.memory_space<hbm>> -> memref<4096xi32, #tpu.memory_space<hbm>>
    tpu.wait_dma2 semaphore(%arg31 : memref<!tpu.dma_semaphore, #tpu.memory_space<semaphore_mem>>) src(%dma_wait3A_502 : memref<4096xi32, #tpu.memory_space<hbm>>) dst(%dma_wait3A_499 : memref<4096xi32, #tpu.memory_space<vmem>>)
    %dma_wait3A_503 = arith.constant 4096 : i32
    %dma_wait3A_504 = tpu.memref_slice %arg12[%dma_wait3A_503] : memref<8192xi32, #tpu.memory_space<vmem>> -> memref<2048xi32, #tpu.memory_space<vmem>>
    %dma_wait3A_505 = arith.constant 0 : i32
    %dma_wait3A_506 = tpu.memref_slice %arg2[%add3A_111, %dma_wait3A_505] : memref<256x2048xi32, #tpu.memory_space<hbm>> -> memref<1x2048xi32, #tpu.memory_space<hbm>>
    %dma_wait3A_507 = tpu.memref_squeeze %dma_wait3A_506 : memref<1x2048xi32, #tpu.memory_space<hbm>> -> memref<2048xi32, #tpu.memory_space<hbm>>
    %dma_wait3A_508 = arith.constant 4096 : i32
    %dma_wait3A_509 = tpu.memref_slice %arg12[%dma_wait3A_508] : memref<8192xi32, #tpu.memory_space<vmem>> -> memref<2048xi32, #tpu.memory_space<vmem>>
    %dma_wait3A_510 = arith.constant 0 : i32
    %dma_wait3A_511 = tpu.memref_slice %arg2[%add3A_111, %dma_wait3A_510] : memref<256x2048xi32, #tpu.memory_space<hbm>> -> memref<1x2048xi32, #tpu.memory_space<hbm>>
    %dma_wait3A_512 = tpu.memref_squeeze %dma_wait3A_511 : memref<1x2048xi32, #tpu.memory_space<hbm>> -> memref<2048xi32, #tpu.memory_space<hbm>>
    tpu.wait_dma2 semaphore(%arg31 : memref<!tpu.dma_semaphore, #tpu.memory_space<semaphore_mem>>) src(%dma_wait3A_512 : memref<2048xi32, #tpu.memory_space<hbm>>) dst(%dma_wait3A_509 : memref<2048xi32, #tpu.memory_space<vmem>>)
    %dma_wait3A_513 = arith.constant 6144 : i32
    %dma_wait3A_514 = tpu.memref_slice %arg12[%dma_wait3A_513] : memref<8192xi32, #tpu.memory_space<vmem>> -> memref<2048xi32, #tpu.memory_space<vmem>>
    %dma_wait3A_515 = arith.constant 0 : i32
    %dma_wait3A_516 = tpu.memref_slice %arg4[%add3A_111, %dma_wait3A_515] : memref<256x2048xi32, #tpu.memory_space<hbm>> -> memref<1x2048xi32, #tpu.memory_space<hbm>>
    %dma_wait3A_517 = tpu.memref_squeeze %dma_wait3A_516 : memref<1x2048xi32, #tpu.memory_space<hbm>> -> memref<2048xi32, #tpu.memory_space<hbm>>
    %dma_wait3A_518 = arith.constant 6144 : i32
    %dma_wait3A_519 = tpu.memref_slice %arg12[%dma_wait3A_518] : memref<8192xi32, #tpu.memory_space<vmem>> -> memref<2048xi32, #tpu.memory_space<vmem>>
    %dma_wait3A_520 = arith.constant 0 : i32
    %dma_wait3A_521 = tpu.memref_slice %arg4[%add3A_111, %dma_wait3A_520] : memref<256x2048xi32, #tpu.memory_space<hbm>> -> memref<1x2048xi32, #tpu.memory_space<hbm>>
    %dma_wait3A_522 = tpu.memref_squeeze %dma_wait3A_521 : memref<1x2048xi32, #tpu.memory_space<hbm>> -> memref<2048xi32, #tpu.memory_space<hbm>>
    tpu.wait_dma2 semaphore(%arg31 : memref<!tpu.dma_semaphore, #tpu.memory_space<semaphore_mem>>) src(%dma_wait3A_522 : memref<2048xi32, #tpu.memory_space<hbm>>) dst(%dma_wait3A_519 : memref<2048xi32, #tpu.memory_space<vmem>>)
    %slice3A_523 = vector.extract_strided_slice %get3A_281 {offsets = [3], sizes = [1], strides = [1]} : vector<16xi32> to vector<1xi32>
    %squeeze3A_524 = vector.extract %slice3A_523[0] : i32 from vector<1xi32>
    %slice3A_525 = vector.extract_strided_slice %get3A_283 {offsets = [3], sizes = [1], strides = [1]} : vector<16xi32> to vector<1xi32>
    %squeeze3A_526 = vector.extract %slice3A_525[0] : i32 from vector<1xi32>
    %add3A_527 = vector.broadcast %squeeze3A_524 : i32 to vector<16xi32>
    %add3A_528 = arith.addi %add3A_527, %iota3A : vector<16xi32>
    %add3A_529 = vector.broadcast %squeeze3A_526 : i32 to vector<16xi32>
    %add3A_530 = arith.addi %add3A_528, %add3A_529 : vector<16xi32>
    %add3A_531 = arith.constant 4096 : i32
    %add3A_532 = vector.broadcast %add3A_531 : i32 to vector<16xi32>
    %add3A_533 = arith.addi %add3A_528, %add3A_532 : vector<16xi32>
    %scan3A_534 = arith.constant 0 : i32
    %scan3A_535 = arith.constant 256 : i32
    %scan3A_536 = arith.addi %scan3A_534, %scan3A_535 : i32
    %scan3A_537 = arith.constant 2 : i32
    scf.for %scan3A_937 = %scan3A_534 to %scan3A_536 step %scan3A_537  : i32 {
      %mul3A_938 = arith.constant 1 : i32
      %mul3A_939 = arith.muli %scan3A_937, %mul3A_938 : i32
      %add3A_940 = arith.constant 0 : i32
      %add3A_941 = arith.addi %add3A_940, %mul3A_939 : i32
      %mul3A_942 = arith.constant 16 : i32
      %mul3A_943 = arith.muli %add3A_941, %mul3A_942 : i32
      %multiple_of3A = tpu.assume_multiple %mul3A_943, 16 : i32
      %add3A_944 = vector.broadcast %multiple_of3A : i32 to vector<16xi32>
      %add3A_945 = arith.addi %add3A_528, %add3A_944 : vector<16xi32>
      %gather3A = tpu.vector_load_idx %arg12[%add3A_945] : memref<8192xi32, #tpu.memory_space<vmem>>[vector<16xi32>], vector<16xi32>,
      %swap3A = arith.index_cast %multiple_of3A : i32 to index
      %swap3A_946 = tpu.vector_load %arg20[%swap3A] {strides = array<i32>} : memref<4096xi32, #tpu.memory_space<vmem>>, vector<16xi32>,
      tpu.vector_store %arg20[%swap3A], %gather3A {strides = array<i32>} : memref<4096xi32, #tpu.memory_space<vmem>>, vector<16xi32>,
      %scan3A_947 = arith.constant 1 : i32
      %scan3A_948 = arith.addi %scan3A_937, %scan3A_947 : i32
      %mul3A_949 = arith.constant 1 : i32
      %mul3A_950 = arith.muli %scan3A_948, %mul3A_949 : i32
      %add3A_951 = arith.constant 0 : i32
      %add3A_952 = arith.addi %add3A_951, %mul3A_950 : i32
      %mul3A_953 = arith.constant 16 : i32
      %mul3A_954 = arith.muli %add3A_952, %mul3A_953 : i32
      %multiple_of3A_955 = tpu.assume_multiple %mul3A_954, 16 : i32
      %add3A_956 = vector.broadcast %multiple_of3A_955 : i32 to vector<16xi32>
      %add3A_957 = arith.addi %add3A_528, %add3A_956 : vector<16xi32>
      %gather3A_958 = tpu.vector_load_idx %arg12[%add3A_957] : memref<8192xi32, #tpu.memory_space<vmem>>[vector<16xi32>], vector<16xi32>,
      %swap3A_959 = arith.index_cast %multiple_of3A_955 : i32 to index
      %swap3A_960 = tpu.vector_load %arg20[%swap3A_959] {strides = array<i32>} : memref<4096xi32, #tpu.memory_space<vmem>>, vector<16xi32>,
      tpu.vector_store %arg20[%swap3A_959], %gather3A_958 {strides = array<i32>} : memref<4096xi32, #tpu.memory_space<vmem>>, vector<16xi32>,
    }
    %scan3A_538 = arith.constant 256 : i32
    %scan3A_539 = arith.constant 0 : i32
    %scan3A_540 = arith.constant 128 : i32
    %scan3A_541 = arith.addi %scan3A_539, %scan3A_540 : i32
    %scan3A_542 = arith.constant 2 : i32
    scf.for %scan3A_937 = %scan3A_539 to %scan3A_541 step %scan3A_542  : i32 {
      %mul3A_938 = arith.constant 1 : i32
      %mul3A_939 = arith.muli %scan3A_937, %mul3A_938 : i32
      %add3A_940 = arith.constant 0 : i32
      %add3A_941 = arith.addi %add3A_940, %mul3A_939 : i32
      %mul3A_942 = arith.constant 16 : i32
      %mul3A_943 = arith.muli %add3A_941, %mul3A_942 : i32
      %multiple_of3A = tpu.assume_multiple %mul3A_943, 16 : i32
      %add3A_944 = arith.constant 6144 : i32
      %add3A_945 = arith.addi %add3A_944, %multiple_of3A : i32
      %get3A_946 = arith.index_cast %add3A_945 : i32 to index
      %get3A_947 = tpu.vector_load %arg12[%get3A_946] {strides = array<i32>} : memref<8192xi32, #tpu.memory_space<vmem>>, vector<16xi32>,
      %add3A_948 = vector.broadcast %multiple_of3A : i32 to vector<16xi32>
      %add3A_949 = arith.addi %add3A_533, %add3A_948 : vector<16xi32>
      tpu.vector_store_idx %arg12[%add3A_949], %get3A_947 : memref<8192xi32, #tpu.memory_space<vmem>>[vector<16xi32>], vector<16xi32>,
      %scan3A_950 = arith.constant 1 : i32
      %scan3A_951 = arith.addi %scan3A_937, %scan3A_950 : i32
      %mul3A_952 = arith.constant 1 : i32
      %mul3A_953 = arith.muli %scan3A_951, %mul3A_952 : i32
      %add3A_954 = arith.constant 0 : i32
      %add3A_955 = arith.addi %add3A_954, %mul3A_953 : i32
      %mul3A_956 = arith.constant 16 : i32
      %mul3A_957 = arith.muli %add3A_955, %mul3A_956 : i32
      %multiple_of3A_958 = tpu.assume_multiple %mul3A_957, 16 : i32
      %add3A_959 = arith.constant 6144 : i32
      %add3A_960 = arith.addi %add3A_959, %multiple_of3A_958 : i32
      %get3A_961 = arith.index_cast %add3A_960 : i32 to index
      %get3A_962 = tpu.vector_load %arg12[%get3A_961] {strides = array<i32>} : memref<8192xi32, #tpu.memory_space<vmem>>, vector<16xi32>,
      %add3A_963 = vector.broadcast %multiple_of3A_958 : i32 to vector<16xi32>
      %add3A_964 = arith.addi %add3A_533, %add3A_963 : vector<16xi32>
      tpu.vector_store_idx %arg12[%add3A_964], %get3A_962 : memref<8192xi32, #tpu.memory_space<vmem>>[vector<16xi32>], vector<16xi32>,
    }
    %scan3A_543 = arith.constant 128 : i32
    %scan3A_544 = arith.constant 0 : i32
    %scan3A_545 = arith.constant 256 : i32
    %scan3A_546 = arith.addi %scan3A_544, %scan3A_545 : i32
    %scan3A_547 = arith.constant 2 : i32
    scf.for %scan3A_937 = %scan3A_544 to %scan3A_546 step %scan3A_547  : i32 {
      %mul3A_938 = arith.constant 1 : i32
      %mul3A_939 = arith.muli %scan3A_937, %mul3A_938 : i32
      %add3A_940 = arith.constant 0 : i32
      %add3A_941 = arith.addi %add3A_940, %mul3A_939 : i32
      %mul3A_942 = arith.constant 16 : i32
      %mul3A_943 = arith.muli %add3A_941, %mul3A_942 : i32
      %multiple_of3A = tpu.assume_multiple %mul3A_943, 16 : i32
      %add3A_944 = vector.broadcast %multiple_of3A : i32 to vector<16xi32>
      %add3A_945 = arith.addi %add3A_530, %add3A_944 : vector<16xi32>
      %gather3A = tpu.vector_load_idx %arg12[%add3A_945] : memref<8192xi32, #tpu.memory_space<vmem>>[vector<16xi32>], vector<16xi32>,
      %swap3A = arith.index_cast %multiple_of3A : i32 to index
      %swap3A_946 = tpu.vector_load %arg24[%swap3A] {strides = array<i32>} : memref<4096xi32, #tpu.memory_space<vmem>>, vector<16xi32>,
      tpu.vector_store %arg24[%swap3A], %gather3A {strides = array<i32>} : memref<4096xi32, #tpu.memory_space<vmem>>, vector<16xi32>,
      %scan3A_947 = arith.constant 1 : i32
      %scan3A_948 = arith.addi %scan3A_937, %scan3A_947 : i32
      %mul3A_949 = arith.constant 1 : i32
      %mul3A_950 = arith.muli %scan3A_948, %mul3A_949 : i32
      %add3A_951 = arith.constant 0 : i32
      %add3A_952 = arith.addi %add3A_951, %mul3A_950 : i32
      %mul3A_953 = arith.constant 16 : i32
      %mul3A_954 = arith.muli %add3A_952, %mul3A_953 : i32
      %multiple_of3A_955 = tpu.assume_multiple %mul3A_954, 16 : i32
      %add3A_956 = vector.broadcast %multiple_of3A_955 : i32 to vector<16xi32>
      %add3A_957 = arith.addi %add3A_530, %add3A_956 : vector<16xi32>
      %gather3A_958 = tpu.vector_load_idx %arg12[%add3A_957] : memref<8192xi32, #tpu.memory_space<vmem>>[vector<16xi32>], vector<16xi32>,
      %swap3A_959 = arith.index_cast %multiple_of3A_955 : i32 to index
      %swap3A_960 = tpu.vector_load %arg24[%swap3A_959] {strides = array<i32>} : memref<4096xi32, #tpu.memory_space<vmem>>, vector<16xi32>,
      tpu.vector_store %arg24[%swap3A_959], %gather3A_958 {strides = array<i32>} : memref<4096xi32, #tpu.memory_space<vmem>>, vector<16xi32>,
    }
    %scan3A_548 = arith.constant 256 : i32
    %dma_start3A_549 = arith.constant 0 : i32
    %dma_start3A_550 = tpu.memref_slice %arg7[%add3A_492, %dma_start3A_549] : memref<256x4096xi32, #tpu.memory_space<hbm>> -> memref<1x4096xi32, #tpu.memory_space<hbm>>
    %dma_start3A_551 = tpu.memref_squeeze %dma_start3A_550 : memref<1x4096xi32, #tpu.memory_space<hbm>> -> memref<4096xi32, #tpu.memory_space<hbm>>
    %dma_start3A_552 = arith.constant 0 : i32
    %dma_start3A_553 = tpu.memref_slice %arg7[%add3A_492, %dma_start3A_552] : memref<256x4096xi32, #tpu.memory_space<hbm>> -> memref<1x4096xi32, #tpu.memory_space<hbm>>
    %dma_start3A_554 = tpu.memref_squeeze %dma_start3A_553 : memref<1x4096xi32, #tpu.memory_space<hbm>> -> memref<4096xi32, #tpu.memory_space<hbm>>
    tpu.enqueue_dma source(%arg20 : memref<4096xi32, #tpu.memory_space<vmem>>) target(%dma_start3A_554 : memref<4096xi32, #tpu.memory_space<hbm>>) target_semaphore(%arg39 : memref<!tpu.dma_semaphore, #tpu.memory_space<semaphore_mem>>)
    %dma_start3A_555 = arith.constant 0 : i32
    %dma_start3A_556 = tpu.memref_slice %arg8[%add3A_492, %dma_start3A_555] : memref<256x4096xi32, #tpu.memory_space<hbm>> -> memref<1x4096xi32, #tpu.memory_space<hbm>>
    %dma_start3A_557 = tpu.memref_squeeze %dma_start3A_556 : memref<1x4096xi32, #tpu.memory_space<hbm>> -> memref<4096xi32, #tpu.memory_space<hbm>>
    %dma_start3A_558 = arith.constant 0 : i32
    %dma_start3A_559 = tpu.memref_slice %arg8[%add3A_492, %dma_start3A_558] : memref<256x4096xi32, #tpu.memory_space<hbm>> -> memref<1x4096xi32, #tpu.memory_space<hbm>>
    %dma_start3A_560 = tpu.memref_squeeze %dma_start3A_559 : memref<1x4096xi32, #tpu.memory_space<hbm>> -> memref<4096xi32, #tpu.memory_space<hbm>>
    tpu.enqueue_dma source(%arg24 : memref<4096xi32, #tpu.memory_space<vmem>>) target(%dma_start3A_560 : memref<4096xi32, #tpu.memory_space<hbm>>) target_semaphore(%arg39 : memref<!tpu.dma_semaphore, #tpu.memory_space<semaphore_mem>>)
    %add3A_561 = arith.constant 4 : i32
    %add3A_562 = arith.addi %mul3A_2, %add3A_561 : i32
    %dma_wait3A_563 = arith.constant 0 : i32
    %dma_wait3A_564 = tpu.memref_slice %arg7[%add3A_285, %dma_wait3A_563] : memref<256x4096xi32, #tpu.memory_space<hbm>> -> memref<1x4096xi32, #tpu.memory_space<hbm>>
    %dma_wait3A_565 = tpu.memref_squeeze %dma_wait3A_564 : memref<1x4096xi32, #tpu.memory_space<hbm>> -> memref<4096xi32, #tpu.memory_space<hbm>>
    %dma_wait3A_566 = arith.constant 0 : i32
    %dma_wait3A_567 = tpu.memref_slice %arg7[%add3A_285, %dma_wait3A_566] : memref<256x4096xi32, #tpu.memory_space<hbm>> -> memref<1x4096xi32, #tpu.memory_space<hbm>>
    %dma_wait3A_568 = tpu.memref_squeeze %dma_wait3A_567 : memref<1x4096xi32, #tpu.memory_space<hbm>> -> memref<4096xi32, #tpu.memory_space<hbm>>
    tpu.wait_dma2 semaphore(%arg36 : memref<!tpu.dma_semaphore, #tpu.memory_space<semaphore_mem>>) src(%arg17 : memref<4096xi32, #tpu.memory_space<vmem>>) dst(%dma_wait3A_568 : memref<4096xi32, #tpu.memory_space<hbm>>)
    %dma_wait3A_569 = arith.constant 0 : i32
    %dma_wait3A_570 = tpu.memref_slice %arg8[%add3A_285, %dma_wait3A_569] : memref<256x4096xi32, #tpu.memory_space<hbm>> -> memref<1x4096xi32, #tpu.memory_space<hbm>>
    %dma_wait3A_571 = tpu.memref_squeeze %dma_wait3A_570 : memref<1x4096xi32, #tpu.memory_space<hbm>> -> memref<4096xi32, #tpu.memory_space<hbm>>
    %dma_wait3A_572 = arith.constant 0 : i32
    %dma_wait3A_573 = tpu.memref_slice %arg8[%add3A_285, %dma_wait3A_572] : memref<256x4096xi32, #tpu.memory_space<hbm>> -> memref<1x4096xi32, #tpu.memory_space<hbm>>
    %dma_wait3A_574 = tpu.memref_squeeze %dma_wait3A_573 : memref<1x4096xi32, #tpu.memory_space<hbm>> -> memref<4096xi32, #tpu.memory_space<hbm>>
    tpu.wait_dma2 semaphore(%arg36 : memref<!tpu.dma_semaphore, #tpu.memory_space<semaphore_mem>>) src(%arg21 : memref<4096xi32, #tpu.memory_space<vmem>>) dst(%dma_wait3A_574 : memref<4096xi32, #tpu.memory_space<hbm>>)
    %dma_wait3A_575 = arith.constant 0 : i32
    %dma_wait3A_576 = tpu.memref_slice %arg13[%dma_wait3A_575] : memref<8192xi32, #tpu.memory_space<vmem>> -> memref<4096xi32, #tpu.memory_space<vmem>>
    %dma_wait3A_577 = arith.constant 0 : i32
    %dma_wait3A_578 = tpu.memref_slice %arg6[%add3A_143, %dma_wait3A_577] : memref<256x4096xi32, #tpu.memory_space<hbm>> -> memref<1x4096xi32, #tpu.memory_space<hbm>>
    %dma_wait3A_579 = tpu.memref_squeeze %dma_wait3A_578 : memref<1x4096xi32, #tpu.memory_space<hbm>> -> memref<4096xi32, #tpu.memory_space<hbm>>
    %dma_wait3A_580 = arith.constant 0 : i32
    %dma_wait3A_581 = tpu.memref_slice %arg13[%dma_wait3A_580] : memref<8192xi32, #tpu.memory_space<vmem>> -> memref<4096xi32, #tpu.memory_space<vmem>>
    %dma_wait3A_582 = arith.constant 0 : i32
    %dma_wait3A_583 = tpu.memref_slice %arg6[%add3A_143, %dma_wait3A_582] : memref<256x4096xi32, #tpu.memory_space<hbm>> -> memref<1x4096xi32, #tpu.memory_space<hbm>>
    %dma_wait3A_584 = tpu.memref_squeeze %dma_wait3A_583 : memref<1x4096xi32, #tpu.memory_space<hbm>> -> memref<4096xi32, #tpu.memory_space<hbm>>
    tpu.wait_dma2 semaphore(%arg32 : memref<!tpu.dma_semaphore, #tpu.memory_space<semaphore_mem>>) src(%dma_wait3A_584 : memref<4096xi32, #tpu.memory_space<hbm>>) dst(%dma_wait3A_581 : memref<4096xi32, #tpu.memory_space<vmem>>)
    %dma_wait3A_585 = arith.constant 4096 : i32
    %dma_wait3A_586 = tpu.memref_slice %arg13[%dma_wait3A_585] : memref<8192xi32, #tpu.memory_space<vmem>> -> memref<2048xi32, #tpu.memory_space<vmem>>
    %dma_wait3A_587 = arith.constant 0 : i32
    %dma_wait3A_588 = tpu.memref_slice %arg2[%add3A_143, %dma_wait3A_587] : memref<256x2048xi32, #tpu.memory_space<hbm>> -> memref<1x2048xi32, #tpu.memory_space<hbm>>
    %dma_wait3A_589 = tpu.memref_squeeze %dma_wait3A_588 : memref<1x2048xi32, #tpu.memory_space<hbm>> -> memref<2048xi32, #tpu.memory_space<hbm>>
    %dma_wait3A_590 = arith.constant 4096 : i32
    %dma_wait3A_591 = tpu.memref_slice %arg13[%dma_wait3A_590] : memref<8192xi32, #tpu.memory_space<vmem>> -> memref<2048xi32, #tpu.memory_space<vmem>>
    %dma_wait3A_592 = arith.constant 0 : i32
    %dma_wait3A_593 = tpu.memref_slice %arg2[%add3A_143, %dma_wait3A_592] : memref<256x2048xi32, #tpu.memory_space<hbm>> -> memref<1x2048xi32, #tpu.memory_space<hbm>>
    %dma_wait3A_594 = tpu.memref_squeeze %dma_wait3A_593 : memref<1x2048xi32, #tpu.memory_space<hbm>> -> memref<2048xi32, #tpu.memory_space<hbm>>
    tpu.wait_dma2 semaphore(%arg32 : memref<!tpu.dma_semaphore, #tpu.memory_space<semaphore_mem>>) src(%dma_wait3A_594 : memref<2048xi32, #tpu.memory_space<hbm>>) dst(%dma_wait3A_591 : memref<2048xi32, #tpu.memory_space<vmem>>)
    %dma_wait3A_595 = arith.constant 6144 : i32
    %dma_wait3A_596 = tpu.memref_slice %arg13[%dma_wait3A_595] : memref<8192xi32, #tpu.memory_space<vmem>> -> memref<2048xi32, #tpu.memory_space<vmem>>
    %dma_wait3A_597 = arith.constant 0 : i32
    %dma_wait3A_598 = tpu.memref_slice %arg4[%add3A_143, %dma_wait3A_597] : memref<256x2048xi32, #tpu.memory_space<hbm>> -> memref<1x2048xi32, #tpu.memory_space<hbm>>
    %dma_wait3A_599 = tpu.memref_squeeze %dma_wait3A_598 : memref<1x2048xi32, #tpu.memory_space<hbm>> -> memref<2048xi32, #tpu.memory_space<hbm>>
    %dma_wait3A_600 = arith.constant 6144 : i32
    %dma_wait3A_601 = tpu.memref_slice %arg13[%dma_wait3A_600] : memref<8192xi32, #tpu.memory_space<vmem>> -> memref<2048xi32, #tpu.memory_space<vmem>>
    %dma_wait3A_602 = arith.constant 0 : i32
    %dma_wait3A_603 = tpu.memref_slice %arg4[%add3A_143, %dma_wait3A_602] : memref<256x2048xi32, #tpu.memory_space<hbm>> -> memref<1x2048xi32, #tpu.memory_space<hbm>>
    %dma_wait3A_604 = tpu.memref_squeeze %dma_wait3A_603 : memref<1x2048xi32, #tpu.memory_space<hbm>> -> memref<2048xi32, #tpu.memory_space<hbm>>
    tpu.wait_dma2 semaphore(%arg32 : memref<!tpu.dma_semaphore, #tpu.memory_space<semaphore_mem>>) src(%dma_wait3A_604 : memref<2048xi32, #tpu.memory_space<hbm>>) dst(%dma_wait3A_601 : memref<2048xi32, #tpu.memory_space<vmem>>)
    %slice3A_605 = vector.extract_strided_slice %get3A_281 {offsets = [4], sizes = [1], strides = [1]} : vector<16xi32> to vector<1xi32>
    %squeeze3A_606 = vector.extract %slice3A_605[0] : i32 from vector<1xi32>
    %slice3A_607 = vector.extract_strided_slice %get3A_283 {offsets = [4], sizes = [1], strides = [1]} : vector<16xi32> to vector<1xi32>
    %squeeze3A_608 = vector.extract %slice3A_607[0] : i32 from vector<1xi32>
    %add3A_609 = vector.broadcast %squeeze3A_606 : i32 to vector<16xi32>
    %add3A_610 = arith.addi %add3A_609, %iota3A : vector<16xi32>
    %add3A_611 = vector.broadcast %squeeze3A_608 : i32 to vector<16xi32>
    %add3A_612 = arith.addi %add3A_610, %add3A_611 : vector<16xi32>
    %add3A_613 = arith.constant 4096 : i32
    %add3A_614 = vector.broadcast %add3A_613 : i32 to vector<16xi32>
    %add3A_615 = arith.addi %add3A_610, %add3A_614 : vector<16xi32>
    %scan3A_616 = arith.constant 0 : i32
    %scan3A_617 = arith.constant 256 : i32
    %scan3A_618 = arith.addi %scan3A_616, %scan3A_617 : i32
    %scan3A_619 = arith.constant 2 : i32
    scf.for %scan3A_937 = %scan3A_616 to %scan3A_618 step %scan3A_619  : i32 {
      %mul3A_938 = arith.constant 1 : i32
      %mul3A_939 = arith.muli %scan3A_937, %mul3A_938 : i32
      %add3A_940 = arith.constant 0 : i32
      %add3A_941 = arith.addi %add3A_940, %mul3A_939 : i32
      %mul3A_942 = arith.constant 16 : i32
      %mul3A_943 = arith.muli %add3A_941, %mul3A_942 : i32
      %multiple_of3A = tpu.assume_multiple %mul3A_943, 16 : i32
      %add3A_944 = vector.broadcast %multiple_of3A : i32 to vector<16xi32>
      %add3A_945 = arith.addi %add3A_610, %add3A_944 : vector<16xi32>
      %gather3A = tpu.vector_load_idx %arg13[%add3A_945] : memref<8192xi32, #tpu.memory_space<vmem>>[vector<16xi32>], vector<16xi32>,
      %swap3A = arith.index_cast %multiple_of3A : i32 to index
      %swap3A_946 = tpu.vector_load %arg17[%swap3A] {strides = array<i32>} : memref<4096xi32, #tpu.memory_space<vmem>>, vector<16xi32>,
      tpu.vector_store %arg17[%swap3A], %gather3A {strides = array<i32>} : memref<4096xi32, #tpu.memory_space<vmem>>, vector<16xi32>,
      %scan3A_947 = arith.constant 1 : i32
      %scan3A_948 = arith.addi %scan3A_937, %scan3A_947 : i32
      %mul3A_949 = arith.constant 1 : i32
      %mul3A_950 = arith.muli %scan3A_948, %mul3A_949 : i32
      %add3A_951 = arith.constant 0 : i32
      %add3A_952 = arith.addi %add3A_951, %mul3A_950 : i32
      %mul3A_953 = arith.constant 16 : i32
      %mul3A_954 = arith.muli %add3A_952, %mul3A_953 : i32
      %multiple_of3A_955 = tpu.assume_multiple %mul3A_954, 16 : i32
      %add3A_956 = vector.broadcast %multiple_of3A_955 : i32 to vector<16xi32>
      %add3A_957 = arith.addi %add3A_610, %add3A_956 : vector<16xi32>
      %gather3A_958 = tpu.vector_load_idx %arg13[%add3A_957] : memref<8192xi32, #tpu.memory_space<vmem>>[vector<16xi32>], vector<16xi32>,
      %swap3A_959 = arith.index_cast %multiple_of3A_955 : i32 to index
      %swap3A_960 = tpu.vector_load %arg17[%swap3A_959] {strides = array<i32>} : memref<4096xi32, #tpu.memory_space<vmem>>, vector<16xi32>,
      tpu.vector_store %arg17[%swap3A_959], %gather3A_958 {strides = array<i32>} : memref<4096xi32, #tpu.memory_space<vmem>>, vector<16xi32>,
    }
    %scan3A_620 = arith.constant 256 : i32
    %scan3A_621 = arith.constant 0 : i32
    %scan3A_622 = arith.constant 128 : i32
    %scan3A_623 = arith.addi %scan3A_621, %scan3A_622 : i32
    %scan3A_624 = arith.constant 2 : i32
    scf.for %scan3A_937 = %scan3A_621 to %scan3A_623 step %scan3A_624  : i32 {
      %mul3A_938 = arith.constant 1 : i32
      %mul3A_939 = arith.muli %scan3A_937, %mul3A_938 : i32
      %add3A_940 = arith.constant 0 : i32
      %add3A_941 = arith.addi %add3A_940, %mul3A_939 : i32
      %mul3A_942 = arith.constant 16 : i32
      %mul3A_943 = arith.muli %add3A_941, %mul3A_942 : i32
      %multiple_of3A = tpu.assume_multiple %mul3A_943, 16 : i32
      %add3A_944 = arith.constant 6144 : i32
      %add3A_945 = arith.addi %add3A_944, %multiple_of3A : i32
      %get3A_946 = arith.index_cast %add3A_945 : i32 to index
      %get3A_947 = tpu.vector_load %arg13[%get3A_946] {strides = array<i32>} : memref<8192xi32, #tpu.memory_space<vmem>>, vector<16xi32>,
      %add3A_948 = vector.broadcast %multiple_of3A : i32 to vector<16xi32>
      %add3A_949 = arith.addi %add3A_615, %add3A_948 : vector<16xi32>
      tpu.vector_store_idx %arg13[%add3A_949], %get3A_947 : memref<8192xi32, #tpu.memory_space<vmem>>[vector<16xi32>], vector<16xi32>,
      %scan3A_950 = arith.constant 1 : i32
      %scan3A_951 = arith.addi %scan3A_937, %scan3A_950 : i32
      %mul3A_952 = arith.constant 1 : i32
      %mul3A_953 = arith.muli %scan3A_951, %mul3A_952 : i32
      %add3A_954 = arith.constant 0 : i32
      %add3A_955 = arith.addi %add3A_954, %mul3A_953 : i32
      %mul3A_956 = arith.constant 16 : i32
      %mul3A_957 = arith.muli %add3A_955, %mul3A_956 : i32
      %multiple_of3A_958 = tpu.assume_multiple %mul3A_957, 16 : i32
      %add3A_959 = arith.constant 6144 : i32
      %add3A_960 = arith.addi %add3A_959, %multiple_of3A_958 : i32
      %get3A_961 = arith.index_cast %add3A_960 : i32 to index
      %get3A_962 = tpu.vector_load %arg13[%get3A_961] {strides = array<i32>} : memref<8192xi32, #tpu.memory_space<vmem>>, vector<16xi32>,
      %add3A_963 = vector.broadcast %multiple_of3A_958 : i32 to vector<16xi32>
      %add3A_964 = arith.addi %add3A_615, %add3A_963 : vector<16xi32>
      tpu.vector_store_idx %arg13[%add3A_964], %get3A_962 : memref<8192xi32, #tpu.memory_space<vmem>>[vector<16xi32>], vector<16xi32>,
    }
    %scan3A_625 = arith.constant 128 : i32
    %scan3A_626 = arith.constant 0 : i32
    %scan3A_627 = arith.constant 256 : i32
    %scan3A_628 = arith.addi %scan3A_626, %scan3A_627 : i32
    %scan3A_629 = arith.constant 2 : i32
    scf.for %scan3A_937 = %scan3A_626 to %scan3A_628 step %scan3A_629  : i32 {
      %mul3A_938 = arith.constant 1 : i32
      %mul3A_939 = arith.muli %scan3A_937, %mul3A_938 : i32
      %add3A_940 = arith.constant 0 : i32
      %add3A_941 = arith.addi %add3A_940, %mul3A_939 : i32
      %mul3A_942 = arith.constant 16 : i32
      %mul3A_943 = arith.muli %add3A_941, %mul3A_942 : i32
      %multiple_of3A = tpu.assume_multiple %mul3A_943, 16 : i32
      %add3A_944 = vector.broadcast %multiple_of3A : i32 to vector<16xi32>
      %add3A_945 = arith.addi %add3A_612, %add3A_944 : vector<16xi32>
      %gather3A = tpu.vector_load_idx %arg13[%add3A_945] : memref<8192xi32, #tpu.memory_space<vmem>>[vector<16xi32>], vector<16xi32>,
      %swap3A = arith.index_cast %multiple_of3A : i32 to index
      %swap3A_946 = tpu.vector_load %arg21[%swap3A] {strides = array<i32>} : memref<4096xi32, #tpu.memory_space<vmem>>, vector<16xi32>,
      tpu.vector_store %arg21[%swap3A], %gather3A {strides = array<i32>} : memref<4096xi32, #tpu.memory_space<vmem>>, vector<16xi32>,
      %scan3A_947 = arith.constant 1 : i32
      %scan3A_948 = arith.addi %scan3A_937, %scan3A_947 : i32
      %mul3A_949 = arith.constant 1 : i32
      %mul3A_950 = arith.muli %scan3A_948, %mul3A_949 : i32
      %add3A_951 = arith.constant 0 : i32
      %add3A_952 = arith.addi %add3A_951, %mul3A_950 : i32
      %mul3A_953 = arith.constant 16 : i32
      %mul3A_954 = arith.muli %add3A_952, %mul3A_953 : i32
      %multiple_of3A_955 = tpu.assume_multiple %mul3A_954, 16 : i32
      %add3A_956 = vector.broadcast %multiple_of3A_955 : i32 to vector<16xi32>
      %add3A_957 = arith.addi %add3A_612, %add3A_956 : vector<16xi32>
      %gather3A_958 = tpu.vector_load_idx %arg13[%add3A_957] : memref<8192xi32, #tpu.memory_space<vmem>>[vector<16xi32>], vector<16xi32>,
      %swap3A_959 = arith.index_cast %multiple_of3A_955 : i32 to index
      %swap3A_960 = tpu.vector_load %arg21[%swap3A_959] {strides = array<i32>} : memref<4096xi32, #tpu.memory_space<vmem>>, vector<16xi32>,
      tpu.vector_store %arg21[%swap3A_959], %gather3A_958 {strides = array<i32>} : memref<4096xi32, #tpu.memory_space<vmem>>, vector<16xi32>,
    }
    %scan3A_630 = arith.constant 256 : i32
    %dma_start3A_631 = arith.constant 0 : i32
    %dma_start3A_632 = tpu.memref_slice %arg7[%add3A_562, %dma_start3A_631] : memref<256x4096xi32, #tpu.memory_space<hbm>> -> memref<1x4096xi32, #tpu.memory_space<hbm>>
    %dma_start3A_633 = tpu.memref_squeeze %dma_start3A_632 : memref<1x4096xi32, #tpu.memory_space<hbm>> -> memref<4096xi32, #tpu.memory_space<hbm>>
    %dma_start3A_634 = arith.constant 0 : i32
    %dma_start3A_635 = tpu.memref_slice %arg7[%add3A_562, %dma_start3A_634] : memref<256x4096xi32, #tpu.memory_space<hbm>> -> memref<1x4096xi32, #tpu.memory_space<hbm>>
    %dma_start3A_636 = tpu.memref_squeeze %dma_start3A_635 : memref<1x4096xi32, #tpu.memory_space<hbm>> -> memref<4096xi32, #tpu.memory_space<hbm>>
    tpu.enqueue_dma source(%arg17 : memref<4096xi32, #tpu.memory_space<vmem>>) target(%dma_start3A_636 : memref<4096xi32, #tpu.memory_space<hbm>>) target_semaphore(%arg36 : memref<!tpu.dma_semaphore, #tpu.memory_space<semaphore_mem>>)
    %dma_start3A_637 = arith.constant 0 : i32
    %dma_start3A_638 = tpu.memref_slice %arg8[%add3A_562, %dma_start3A_637] : memref<256x4096xi32, #tpu.memory_space<hbm>> -> memref<1x4096xi32, #tpu.memory_space<hbm>>
    %dma_start3A_639 = tpu.memref_squeeze %dma_start3A_638 : memref<1x4096xi32, #tpu.memory_space<hbm>> -> memref<4096xi32, #tpu.memory_space<hbm>>
    %dma_start3A_640 = arith.constant 0 : i32
    %dma_start3A_641 = tpu.memref_slice %arg8[%add3A_562, %dma_start3A_640] : memref<256x4096xi32, #tpu.memory_space<hbm>> -> memref<1x4096xi32, #tpu.memory_space<hbm>>
    %dma_start3A_642 = tpu.memref_squeeze %dma_start3A_641 : memref<1x4096xi32, #tpu.memory_space<hbm>> -> memref<4096xi32, #tpu.memory_space<hbm>>
    tpu.enqueue_dma source(%arg21 : memref<4096xi32, #tpu.memory_space<vmem>>) target(%dma_start3A_642 : memref<4096xi32, #tpu.memory_space<hbm>>) target_semaphore(%arg36 : memref<!tpu.dma_semaphore, #tpu.memory_space<semaphore_mem>>)
    %add3A_643 = arith.constant 5 : i32
    %add3A_644 = arith.addi %mul3A_2, %add3A_643 : i32
    %dma_wait3A_645 = arith.constant 0 : i32
    %dma_wait3A_646 = tpu.memref_slice %arg7[%add3A_352, %dma_wait3A_645] : memref<256x4096xi32, #tpu.memory_space<hbm>> -> memref<1x4096xi32, #tpu.memory_space<hbm>>
    %dma_wait3A_647 = tpu.memref_squeeze %dma_wait3A_646 : memref<1x4096xi32, #tpu.memory_space<hbm>> -> memref<4096xi32, #tpu.memory_space<hbm>>
    %dma_wait3A_648 = arith.constant 0 : i32
    %dma_wait3A_649 = tpu.memref_slice %arg7[%add3A_352, %dma_wait3A_648] : memref<256x4096xi32, #tpu.memory_space<hbm>> -> memref<1x4096xi32, #tpu.memory_space<hbm>>
    %dma_wait3A_650 = tpu.memref_squeeze %dma_wait3A_649 : memref<1x4096xi32, #tpu.memory_space<hbm>> -> memref<4096xi32, #tpu.memory_space<hbm>>
    tpu.wait_dma2 semaphore(%arg37 : memref<!tpu.dma_semaphore, #tpu.memory_space<semaphore_mem>>) src(%arg18 : memref<4096xi32, #tpu.memory_space<vmem>>) dst(%dma_wait3A_650 : memref<4096xi32, #tpu.memory_space<hbm>>)
    %dma_wait3A_651 = arith.constant 0 : i32
    %dma_wait3A_652 = tpu.memref_slice %arg8[%add3A_352, %dma_wait3A_651] : memref<256x4096xi32, #tpu.memory_space<hbm>> -> memref<1x4096xi32, #tpu.memory_space<hbm>>
    %dma_wait3A_653 = tpu.memref_squeeze %dma_wait3A_652 : memref<1x4096xi32, #tpu.memory_space<hbm>> -> memref<4096xi32, #tpu.memory_space<hbm>>
    %dma_wait3A_654 = arith.constant 0 : i32
    %dma_wait3A_655 = tpu.memref_slice %arg8[%add3A_352, %dma_wait3A_654] : memref<256x4096xi32, #tpu.memory_space<hbm>> -> memref<1x4096xi32, #tpu.memory_space<hbm>>
    %dma_wait3A_656 = tpu.memref_squeeze %dma_wait3A_655 : memref<1x4096xi32, #tpu.memory_space<hbm>> -> memref<4096xi32, #tpu.memory_space<hbm>>
    tpu.wait_dma2 semaphore(%arg37 : memref<!tpu.dma_semaphore, #tpu.memory_space<semaphore_mem>>) src(%arg22 : memref<4096xi32, #tpu.memory_space<vmem>>) dst(%dma_wait3A_656 : memref<4096xi32, #tpu.memory_space<hbm>>)
    %dma_wait3A_657 = arith.constant 0 : i32
    %dma_wait3A_658 = tpu.memref_slice %arg14[%dma_wait3A_657] : memref<8192xi32, #tpu.memory_space<vmem>> -> memref<4096xi32, #tpu.memory_space<vmem>>
    %dma_wait3A_659 = arith.constant 0 : i32
    %dma_wait3A_660 = tpu.memref_slice %arg6[%add3A_175, %dma_wait3A_659] : memref<256x4096xi32, #tpu.memory_space<hbm>> -> memref<1x4096xi32, #tpu.memory_space<hbm>>
    %dma_wait3A_661 = tpu.memref_squeeze %dma_wait3A_660 : memref<1x4096xi32, #tpu.memory_space<hbm>> -> memref<4096xi32, #tpu.memory_space<hbm>>
    %dma_wait3A_662 = arith.constant 0 : i32
    %dma_wait3A_663 = tpu.memref_slice %arg14[%dma_wait3A_662] : memref<8192xi32, #tpu.memory_space<vmem>> -> memref<4096xi32, #tpu.memory_space<vmem>>
    %dma_wait3A_664 = arith.constant 0 : i32
    %dma_wait3A_665 = tpu.memref_slice %arg6[%add3A_175, %dma_wait3A_664] : memref<256x4096xi32, #tpu.memory_space<hbm>> -> memref<1x4096xi32, #tpu.memory_space<hbm>>
    %dma_wait3A_666 = tpu.memref_squeeze %dma_wait3A_665 : memref<1x4096xi32, #tpu.memory_space<hbm>> -> memref<4096xi32, #tpu.memory_space<hbm>>
    tpu.wait_dma2 semaphore(%arg33 : memref<!tpu.dma_semaphore, #tpu.memory_space<semaphore_mem>>) src(%dma_wait3A_666 : memref<4096xi32, #tpu.memory_space<hbm>>) dst(%dma_wait3A_663 : memref<4096xi32, #tpu.memory_space<vmem>>)
    %dma_wait3A_667 = arith.constant 4096 : i32
    %dma_wait3A_668 = tpu.memref_slice %arg14[%dma_wait3A_667] : memref<8192xi32, #tpu.memory_space<vmem>> -> memref<2048xi32, #tpu.memory_space<vmem>>
    %dma_wait3A_669 = arith.constant 0 : i32
    %dma_wait3A_670 = tpu.memref_slice %arg2[%add3A_175, %dma_wait3A_669] : memref<256x2048xi32, #tpu.memory_space<hbm>> -> memref<1x2048xi32, #tpu.memory_space<hbm>>
    %dma_wait3A_671 = tpu.memref_squeeze %dma_wait3A_670 : memref<1x2048xi32, #tpu.memory_space<hbm>> -> memref<2048xi32, #tpu.memory_space<hbm>>
    %dma_wait3A_672 = arith.constant 4096 : i32
    %dma_wait3A_673 = tpu.memref_slice %arg14[%dma_wait3A_672] : memref<8192xi32, #tpu.memory_space<vmem>> -> memref<2048xi32, #tpu.memory_space<vmem>>
    %dma_wait3A_674 = arith.constant 0 : i32
    %dma_wait3A_675 = tpu.memref_slice %arg2[%add3A_175, %dma_wait3A_674] : memref<256x2048xi32, #tpu.memory_space<hbm>> -> memref<1x2048xi32, #tpu.memory_space<hbm>>
    %dma_wait3A_676 = tpu.memref_squeeze %dma_wait3A_675 : memref<1x2048xi32, #tpu.memory_space<hbm>> -> memref<2048xi32, #tpu.memory_space<hbm>>
    tpu.wait_dma2 semaphore(%arg33 : memref<!tpu.dma_semaphore, #tpu.memory_space<semaphore_mem>>) src(%dma_wait3A_676 : memref<2048xi32, #tpu.memory_space<hbm>>) dst(%dma_wait3A_673 : memref<2048xi32, #tpu.memory_space<vmem>>)
    %dma_wait3A_677 = arith.constant 6144 : i32
    %dma_wait3A_678 = tpu.memref_slice %arg14[%dma_wait3A_677] : memref<8192xi32, #tpu.memory_space<vmem>> -> memref<2048xi32, #tpu.memory_space<vmem>>
    %dma_wait3A_679 = arith.constant 0 : i32
    %dma_wait3A_680 = tpu.memref_slice %arg4[%add3A_175, %dma_wait3A_679] : memref<256x2048xi32, #tpu.memory_space<hbm>> -> memref<1x2048xi32, #tpu.memory_space<hbm>>
    %dma_wait3A_681 = tpu.memref_squeeze %dma_wait3A_680 : memref<1x2048xi32, #tpu.memory_space<hbm>> -> memref<2048xi32, #tpu.memory_space<hbm>>
    %dma_wait3A_682 = arith.constant 6144 : i32
    %dma_wait3A_683 = tpu.memref_slice %arg14[%dma_wait3A_682] : memref<8192xi32, #tpu.memory_space<vmem>> -> memref<2048xi32, #tpu.memory_space<vmem>>
    %dma_wait3A_684 = arith.constant 0 : i32
    %dma_wait3A_685 = tpu.memref_slice %arg4[%add3A_175, %dma_wait3A_684] : memref<256x2048xi32, #tpu.memory_space<hbm>> -> memref<1x2048xi32, #tpu.memory_space<hbm>>
    %dma_wait3A_686 = tpu.memref_squeeze %dma_wait3A_685 : memref<1x2048xi32, #tpu.memory_space<hbm>> -> memref<2048xi32, #tpu.memory_space<hbm>>
    tpu.wait_dma2 semaphore(%arg33 : memref<!tpu.dma_semaphore, #tpu.memory_space<semaphore_mem>>) src(%dma_wait3A_686 : memref<2048xi32, #tpu.memory_space<hbm>>) dst(%dma_wait3A_683 : memref<2048xi32, #tpu.memory_space<vmem>>)
    %slice3A_687 = vector.extract_strided_slice %get3A_281 {offsets = [5], sizes = [1], strides = [1]} : vector<16xi32> to vector<1xi32>
    %squeeze3A_688 = vector.extract %slice3A_687[0] : i32 from vector<1xi32>
    %slice3A_689 = vector.extract_strided_slice %get3A_283 {offsets = [5], sizes = [1], strides = [1]} : vector<16xi32> to vector<1xi32>
    %squeeze3A_690 = vector.extract %slice3A_689[0] : i32 from vector<1xi32>
    %add3A_691 = vector.broadcast %squeeze3A_688 : i32 to vector<16xi32>
    %add3A_692 = arith.addi %add3A_691, %iota3A : vector<16xi32>
    %add3A_693 = vector.broadcast %squeeze3A_690 : i32 to vector<16xi32>
    %add3A_694 = arith.addi %add3A_692, %add3A_693 : vector<16xi32>
    %add3A_695 = arith.constant 4096 : i32
    %add3A_696 = vector.broadcast %add3A_695 : i32 to vector<16xi32>
    %add3A_697 = arith.addi %add3A_692, %add3A_696 : vector<16xi32>
    %scan3A_698 = arith.constant 0 : i32
    %scan3A_699 = arith.constant 256 : i32
    %scan3A_700 = arith.addi %scan3A_698, %scan3A_699 : i32
    %scan3A_701 = arith.constant 2 : i32
    scf.for %scan3A_937 = %scan3A_698 to %scan3A_700 step %scan3A_701  : i32 {
      %mul3A_938 = arith.constant 1 : i32
      %mul3A_939 = arith.muli %scan3A_937, %mul3A_938 : i32
      %add3A_940 = arith.constant 0 : i32
      %add3A_941 = arith.addi %add3A_940, %mul3A_939 : i32
      %mul3A_942 = arith.constant 16 : i32
      %mul3A_943 = arith.muli %add3A_941, %mul3A_942 : i32
      %multiple_of3A = tpu.assume_multiple %mul3A_943, 16 : i32
      %add3A_944 = vector.broadcast %multiple_of3A : i32 to vector<16xi32>
      %add3A_945 = arith.addi %add3A_692, %add3A_944 : vector<16xi32>
      %gather3A = tpu.vector_load_idx %arg14[%add3A_945] : memref<8192xi32, #tpu.memory_space<vmem>>[vector<16xi32>], vector<16xi32>,
      %swap3A = arith.index_cast %multiple_of3A : i32 to index
      %swap3A_946 = tpu.vector_load %arg18[%swap3A] {strides = array<i32>} : memref<4096xi32, #tpu.memory_space<vmem>>, vector<16xi32>,
      tpu.vector_store %arg18[%swap3A], %gather3A {strides = array<i32>} : memref<4096xi32, #tpu.memory_space<vmem>>, vector<16xi32>,
      %scan3A_947 = arith.constant 1 : i32
      %scan3A_948 = arith.addi %scan3A_937, %scan3A_947 : i32
      %mul3A_949 = arith.constant 1 : i32
      %mul3A_950 = arith.muli %scan3A_948, %mul3A_949 : i32
      %add3A_951 = arith.constant 0 : i32
      %add3A_952 = arith.addi %add3A_951, %mul3A_950 : i32
      %mul3A_953 = arith.constant 16 : i32
      %mul3A_954 = arith.muli %add3A_952, %mul3A_953 : i32
      %multiple_of3A_955 = tpu.assume_multiple %mul3A_954, 16 : i32
      %add3A_956 = vector.broadcast %multiple_of3A_955 : i32 to vector<16xi32>
      %add3A_957 = arith.addi %add3A_692, %add3A_956 : vector<16xi32>
      %gather3A_958 = tpu.vector_load_idx %arg14[%add3A_957] : memref<8192xi32, #tpu.memory_space<vmem>>[vector<16xi32>], vector<16xi32>,
      %swap3A_959 = arith.index_cast %multiple_of3A_955 : i32 to index
      %swap3A_960 = tpu.vector_load %arg18[%swap3A_959] {strides = array<i32>} : memref<4096xi32, #tpu.memory_space<vmem>>, vector<16xi32>,
      tpu.vector_store %arg18[%swap3A_959], %gather3A_958 {strides = array<i32>} : memref<4096xi32, #tpu.memory_space<vmem>>, vector<16xi32>,
    }
    %scan3A_702 = arith.constant 256 : i32
    %scan3A_703 = arith.constant 0 : i32
    %scan3A_704 = arith.constant 128 : i32
    %scan3A_705 = arith.addi %scan3A_703, %scan3A_704 : i32
    %scan3A_706 = arith.constant 2 : i32
    scf.for %scan3A_937 = %scan3A_703 to %scan3A_705 step %scan3A_706  : i32 {
      %mul3A_938 = arith.constant 1 : i32
      %mul3A_939 = arith.muli %scan3A_937, %mul3A_938 : i32
      %add3A_940 = arith.constant 0 : i32
      %add3A_941 = arith.addi %add3A_940, %mul3A_939 : i32
      %mul3A_942 = arith.constant 16 : i32
      %mul3A_943 = arith.muli %add3A_941, %mul3A_942 : i32
      %multiple_of3A = tpu.assume_multiple %mul3A_943, 16 : i32
      %add3A_944 = arith.constant 6144 : i32
      %add3A_945 = arith.addi %add3A_944, %multiple_of3A : i32
      %get3A_946 = arith.index_cast %add3A_945 : i32 to index
      %get3A_947 = tpu.vector_load %arg14[%get3A_946] {strides = array<i32>} : memref<8192xi32, #tpu.memory_space<vmem>>, vector<16xi32>,
      %add3A_948 = vector.broadcast %multiple_of3A : i32 to vector<16xi32>
      %add3A_949 = arith.addi %add3A_697, %add3A_948 : vector<16xi32>
      tpu.vector_store_idx %arg14[%add3A_949], %get3A_947 : memref<8192xi32, #tpu.memory_space<vmem>>[vector<16xi32>], vector<16xi32>,
      %scan3A_950 = arith.constant 1 : i32
      %scan3A_951 = arith.addi %scan3A_937, %scan3A_950 : i32
      %mul3A_952 = arith.constant 1 : i32
      %mul3A_953 = arith.muli %scan3A_951, %mul3A_952 : i32
      %add3A_954 = arith.constant 0 : i32
      %add3A_955 = arith.addi %add3A_954, %mul3A_953 : i32
      %mul3A_956 = arith.constant 16 : i32
      %mul3A_957 = arith.muli %add3A_955, %mul3A_956 : i32
      %multiple_of3A_958 = tpu.assume_multiple %mul3A_957, 16 : i32
      %add3A_959 = arith.constant 6144 : i32
      %add3A_960 = arith.addi %add3A_959, %multiple_of3A_958 : i32
      %get3A_961 = arith.index_cast %add3A_960 : i32 to index
      %get3A_962 = tpu.vector_load %arg14[%get3A_961] {strides = array<i32>} : memref<8192xi32, #tpu.memory_space<vmem>>, vector<16xi32>,
      %add3A_963 = vector.broadcast %multiple_of3A_958 : i32 to vector<16xi32>
      %add3A_964 = arith.addi %add3A_697, %add3A_963 : vector<16xi32>
      tpu.vector_store_idx %arg14[%add3A_964], %get3A_962 : memref<8192xi32, #tpu.memory_space<vmem>>[vector<16xi32>], vector<16xi32>,
    }
    %scan3A_707 = arith.constant 128 : i32
    %scan3A_708 = arith.constant 0 : i32
    %scan3A_709 = arith.constant 256 : i32
    %scan3A_710 = arith.addi %scan3A_708, %scan3A_709 : i32
    %scan3A_711 = arith.constant 2 : i32
    scf.for %scan3A_937 = %scan3A_708 to %scan3A_710 step %scan3A_711  : i32 {
      %mul3A_938 = arith.constant 1 : i32
      %mul3A_939 = arith.muli %scan3A_937, %mul3A_938 : i32
      %add3A_940 = arith.constant 0 : i32
      %add3A_941 = arith.addi %add3A_940, %mul3A_939 : i32
      %mul3A_942 = arith.constant 16 : i32
      %mul3A_943 = arith.muli %add3A_941, %mul3A_942 : i32
      %multiple_of3A = tpu.assume_multiple %mul3A_943, 16 : i32
      %add3A_944 = vector.broadcast %multiple_of3A : i32 to vector<16xi32>
      %add3A_945 = arith.addi %add3A_694, %add3A_944 : vector<16xi32>
      %gather3A = tpu.vector_load_idx %arg14[%add3A_945] : memref<8192xi32, #tpu.memory_space<vmem>>[vector<16xi32>], vector<16xi32>,
      %swap3A = arith.index_cast %multiple_of3A : i32 to index
      %swap3A_946 = tpu.vector_load %arg22[%swap3A] {strides = array<i32>} : memref<4096xi32, #tpu.memory_space<vmem>>, vector<16xi32>,
      tpu.vector_store %arg22[%swap3A], %gather3A {strides = array<i32>} : memref<4096xi32, #tpu.memory_space<vmem>>, vector<16xi32>,
      %scan3A_947 = arith.constant 1 : i32
      %scan3A_948 = arith.addi %scan3A_937, %scan3A_947 : i32
      %mul3A_949 = arith.constant 1 : i32
      %mul3A_950 = arith.muli %scan3A_948, %mul3A_949 : i32
      %add3A_951 = arith.constant 0 : i32
      %add3A_952 = arith.addi %add3A_951, %mul3A_950 : i32
      %mul3A_953 = arith.constant 16 : i32
      %mul3A_954 = arith.muli %add3A_952, %mul3A_953 : i32
      %multiple_of3A_955 = tpu.assume_multiple %mul3A_954, 16 : i32
      %add3A_956 = vector.broadcast %multiple_of3A_955 : i32 to vector<16xi32>
      %add3A_957 = arith.addi %add3A_694, %add3A_956 : vector<16xi32>
      %gather3A_958 = tpu.vector_load_idx %arg14[%add3A_957] : memref<8192xi32, #tpu.memory_space<vmem>>[vector<16xi32>], vector<16xi32>,
      %swap3A_959 = arith.index_cast %multiple_of3A_955 : i32 to index
      %swap3A_960 = tpu.vector_load %arg22[%swap3A_959] {strides = array<i32>} : memref<4096xi32, #tpu.memory_space<vmem>>, vector<16xi32>,
      tpu.vector_store %arg22[%swap3A_959], %gather3A_958 {strides = array<i32>} : memref<4096xi32, #tpu.memory_space<vmem>>, vector<16xi32>,
    }
    %scan3A_712 = arith.constant 256 : i32
    %dma_start3A_713 = arith.constant 0 : i32
    %dma_start3A_714 = tpu.memref_slice %arg7[%add3A_644, %dma_start3A_713] : memref<256x4096xi32, #tpu.memory_space<hbm>> -> memref<1x4096xi32, #tpu.memory_space<hbm>>
    %dma_start3A_715 = tpu.memref_squeeze %dma_start3A_714 : memref<1x4096xi32, #tpu.memory_space<hbm>> -> memref<4096xi32, #tpu.memory_space<hbm>>
    %dma_start3A_716 = arith.constant 0 : i32
    %dma_start3A_717 = tpu.memref_slice %arg7[%add3A_644, %dma_start3A_716] : memref<256x4096xi32, #tpu.memory_space<hbm>> -> memref<1x4096xi32, #tpu.memory_space<hbm>>
    %dma_start3A_718 = tpu.memref_squeeze %dma_start3A_717 : memref<1x4096xi32, #tpu.memory_space<hbm>> -> memref<4096xi32, #tpu.memory_space<hbm>>
    tpu.enqueue_dma source(%arg18 : memref<4096xi32, #tpu.memory_space<vmem>>) target(%dma_start3A_718 : memref<4096xi32, #tpu.memory_space<hbm>>) target_semaphore(%arg37 : memref<!tpu.dma_semaphore, #tpu.memory_space<semaphore_mem>>)
    %dma_start3A_719 = arith.constant 0 : i32
    %dma_start3A_720 = tpu.memref_slice %arg8[%add3A_644, %dma_start3A_719] : memref<256x4096xi32, #tpu.memory_space<hbm>> -> memref<1x4096xi32, #tpu.memory_space<hbm>>
    %dma_start3A_721 = tpu.memref_squeeze %dma_start3A_720 : memref<1x4096xi32, #tpu.memory_space<hbm>> -> memref<4096xi32, #tpu.memory_space<hbm>>
    %dma_start3A_722 = arith.constant 0 : i32
    %dma_start3A_723 = tpu.memref_slice %arg8[%add3A_644, %dma_start3A_722] : memref<256x4096xi32, #tpu.memory_space<hbm>> -> memref<1x4096xi32, #tpu.memory_space<hbm>>
    %dma_start3A_724 = tpu.memref_squeeze %dma_start3A_723 : memref<1x4096xi32, #tpu.memory_space<hbm>> -> memref<4096xi32, #tpu.memory_space<hbm>>
    tpu.enqueue_dma source(%arg22 : memref<4096xi32, #tpu.memory_space<vmem>>) target(%dma_start3A_724 : memref<4096xi32, #tpu.memory_space<hbm>>) target_semaphore(%arg37 : memref<!tpu.dma_semaphore, #tpu.memory_space<semaphore_mem>>)
    %add3A_725 = arith.constant 6 : i32
    %add3A_726 = arith.addi %mul3A_2, %add3A_725 : i32
    %dma_wait3A_727 = arith.constant 0 : i32
    %dma_wait3A_728 = tpu.memref_slice %arg7[%add3A_422, %dma_wait3A_727] : memref<256x4096xi32, #tpu.memory_space<hbm>> -> memref<1x4096xi32, #tpu.memory_space<hbm>>
    %dma_wait3A_729 = tpu.memref_squeeze %dma_wait3A_728 : memref<1x4096xi32, #tpu.memory_space<hbm>> -> memref<4096xi32, #tpu.memory_space<hbm>>
    %dma_wait3A_730 = arith.constant 0 : i32
    %dma_wait3A_731 = tpu.memref_slice %arg7[%add3A_422, %dma_wait3A_730] : memref<256x4096xi32, #tpu.memory_space<hbm>> -> memref<1x4096xi32, #tpu.memory_space<hbm>>
    %dma_wait3A_732 = tpu.memref_squeeze %dma_wait3A_731 : memref<1x4096xi32, #tpu.memory_space<hbm>> -> memref<4096xi32, #tpu.memory_space<hbm>>
    tpu.wait_dma2 semaphore(%arg38 : memref<!tpu.dma_semaphore, #tpu.memory_space<semaphore_mem>>) src(%arg19 : memref<4096xi32, #tpu.memory_space<vmem>>) dst(%dma_wait3A_732 : memref<4096xi32, #tpu.memory_space<hbm>>)
    %dma_wait3A_733 = arith.constant 0 : i32
    %dma_wait3A_734 = tpu.memref_slice %arg8[%add3A_422, %dma_wait3A_733] : memref<256x4096xi32, #tpu.memory_space<hbm>> -> memref<1x4096xi32, #tpu.memory_space<hbm>>
    %dma_wait3A_735 = tpu.memref_squeeze %dma_wait3A_734 : memref<1x4096xi32, #tpu.memory_space<hbm>> -> memref<4096xi32, #tpu.memory_space<hbm>>
    %dma_wait3A_736 = arith.constant 0 : i32
    %dma_wait3A_737 = tpu.memref_slice %arg8[%add3A_422, %dma_wait3A_736] : memref<256x4096xi32, #tpu.memory_space<hbm>> -> memref<1x4096xi32, #tpu.memory_space<hbm>>
    %dma_wait3A_738 = tpu.memref_squeeze %dma_wait3A_737 : memref<1x4096xi32, #tpu.memory_space<hbm>> -> memref<4096xi32, #tpu.memory_space<hbm>>
    tpu.wait_dma2 semaphore(%arg38 : memref<!tpu.dma_semaphore, #tpu.memory_space<semaphore_mem>>) src(%arg23 : memref<4096xi32, #tpu.memory_space<vmem>>) dst(%dma_wait3A_738 : memref<4096xi32, #tpu.memory_space<hbm>>)
    %dma_wait3A_739 = arith.constant 0 : i32
    %dma_wait3A_740 = tpu.memref_slice %arg15[%dma_wait3A_739] : memref<8192xi32, #tpu.memory_space<vmem>> -> memref<4096xi32, #tpu.memory_space<vmem>>
    %dma_wait3A_741 = arith.constant 0 : i32
    %dma_wait3A_742 = tpu.memref_slice %arg6[%add3A_207, %dma_wait3A_741] : memref<256x4096xi32, #tpu.memory_space<hbm>> -> memref<1x4096xi32, #tpu.memory_space<hbm>>
    %dma_wait3A_743 = tpu.memref_squeeze %dma_wait3A_742 : memref<1x4096xi32, #tpu.memory_space<hbm>> -> memref<4096xi32, #tpu.memory_space<hbm>>
    %dma_wait3A_744 = arith.constant 0 : i32
    %dma_wait3A_745 = tpu.memref_slice %arg15[%dma_wait3A_744] : memref<8192xi32, #tpu.memory_space<vmem>> -> memref<4096xi32, #tpu.memory_space<vmem>>
    %dma_wait3A_746 = arith.constant 0 : i32
    %dma_wait3A_747 = tpu.memref_slice %arg6[%add3A_207, %dma_wait3A_746] : memref<256x4096xi32, #tpu.memory_space<hbm>> -> memref<1x4096xi32, #tpu.memory_space<hbm>>
    %dma_wait3A_748 = tpu.memref_squeeze %dma_wait3A_747 : memref<1x4096xi32, #tpu.memory_space<hbm>> -> memref<4096xi32, #tpu.memory_space<hbm>>
    tpu.wait_dma2 semaphore(%arg34 : memref<!tpu.dma_semaphore, #tpu.memory_space<semaphore_mem>>) src(%dma_wait3A_748 : memref<4096xi32, #tpu.memory_space<hbm>>) dst(%dma_wait3A_745 : memref<4096xi32, #tpu.memory_space<vmem>>)
    %dma_wait3A_749 = arith.constant 4096 : i32
    %dma_wait3A_750 = tpu.memref_slice %arg15[%dma_wait3A_749] : memref<8192xi32, #tpu.memory_space<vmem>> -> memref<2048xi32, #tpu.memory_space<vmem>>
    %dma_wait3A_751 = arith.constant 0 : i32
    %dma_wait3A_752 = tpu.memref_slice %arg2[%add3A_207, %dma_wait3A_751] : memref<256x2048xi32, #tpu.memory_space<hbm>> -> memref<1x2048xi32, #tpu.memory_space<hbm>>
    %dma_wait3A_753 = tpu.memref_squeeze %dma_wait3A_752 : memref<1x2048xi32, #tpu.memory_space<hbm>> -> memref<2048xi32, #tpu.memory_space<hbm>>
    %dma_wait3A_754 = arith.constant 4096 : i32
    %dma_wait3A_755 = tpu.memref_slice %arg15[%dma_wait3A_754] : memref<8192xi32, #tpu.memory_space<vmem>> -> memref<2048xi32, #tpu.memory_space<vmem>>
    %dma_wait3A_756 = arith.constant 0 : i32
    %dma_wait3A_757 = tpu.memref_slice %arg2[%add3A_207, %dma_wait3A_756] : memref<256x2048xi32, #tpu.memory_space<hbm>> -> memref<1x2048xi32, #tpu.memory_space<hbm>>
    %dma_wait3A_758 = tpu.memref_squeeze %dma_wait3A_757 : memref<1x2048xi32, #tpu.memory_space<hbm>> -> memref<2048xi32, #tpu.memory_space<hbm>>
    tpu.wait_dma2 semaphore(%arg34 : memref<!tpu.dma_semaphore, #tpu.memory_space<semaphore_mem>>) src(%dma_wait3A_758 : memref<2048xi32, #tpu.memory_space<hbm>>) dst(%dma_wait3A_755 : memref<2048xi32, #tpu.memory_space<vmem>>)
    %dma_wait3A_759 = arith.constant 6144 : i32
    %dma_wait3A_760 = tpu.memref_slice %arg15[%dma_wait3A_759] : memref<8192xi32, #tpu.memory_space<vmem>> -> memref<2048xi32, #tpu.memory_space<vmem>>
    %dma_wait3A_761 = arith.constant 0 : i32
    %dma_wait3A_762 = tpu.memref_slice %arg4[%add3A_207, %dma_wait3A_761] : memref<256x2048xi32, #tpu.memory_space<hbm>> -> memref<1x2048xi32, #tpu.memory_space<hbm>>
    %dma_wait3A_763 = tpu.memref_squeeze %dma_wait3A_762 : memref<1x2048xi32, #tpu.memory_space<hbm>> -> memref<2048xi32, #tpu.memory_space<hbm>>
    %dma_wait3A_764 = arith.constant 6144 : i32
    %dma_wait3A_765 = tpu.memref_slice %arg15[%dma_wait3A_764] : memref<8192xi32, #tpu.memory_space<vmem>> -> memref<2048xi32, #tpu.memory_space<vmem>>
    %dma_wait3A_766 = arith.constant 0 : i32
    %dma_wait3A_767 = tpu.memref_slice %arg4[%add3A_207, %dma_wait3A_766] : memref<256x2048xi32, #tpu.memory_space<hbm>> -> memref<1x2048xi32, #tpu.memory_space<hbm>>
    %dma_wait3A_768 = tpu.memref_squeeze %dma_wait3A_767 : memref<1x2048xi32, #tpu.memory_space<hbm>> -> memref<2048xi32, #tpu.memory_space<hbm>>
    tpu.wait_dma2 semaphore(%arg34 : memref<!tpu.dma_semaphore, #tpu.memory_space<semaphore_mem>>) src(%dma_wait3A_768 : memref<2048xi32, #tpu.memory_space<hbm>>) dst(%dma_wait3A_765 : memref<2048xi32, #tpu.memory_space<vmem>>)
    %slice3A_769 = vector.extract_strided_slice %get3A_281 {offsets = [6], sizes = [1], strides = [1]} : vector<16xi32> to vector<1xi32>
    %squeeze3A_770 = vector.extract %slice3A_769[0] : i32 from vector<1xi32>
    %slice3A_771 = vector.extract_strided_slice %get3A_283 {offsets = [6], sizes = [1], strides = [1]} : vector<16xi32> to vector<1xi32>
    %squeeze3A_772 = vector.extract %slice3A_771[0] : i32 from vector<1xi32>
    %add3A_773 = vector.broadcast %squeeze3A_770 : i32 to vector<16xi32>
    %add3A_774 = arith.addi %add3A_773, %iota3A : vector<16xi32>
    %add3A_775 = vector.broadcast %squeeze3A_772 : i32 to vector<16xi32>
    %add3A_776 = arith.addi %add3A_774, %add3A_775 : vector<16xi32>
    %add3A_777 = arith.constant 4096 : i32
    %add3A_778 = vector.broadcast %add3A_777 : i32 to vector<16xi32>
    %add3A_779 = arith.addi %add3A_774, %add3A_778 : vector<16xi32>
    %scan3A_780 = arith.constant 0 : i32
    %scan3A_781 = arith.constant 256 : i32
    %scan3A_782 = arith.addi %scan3A_780, %scan3A_781 : i32
    %scan3A_783 = arith.constant 2 : i32
    scf.for %scan3A_937 = %scan3A_780 to %scan3A_782 step %scan3A_783  : i32 {
      %mul3A_938 = arith.constant 1 : i32
      %mul3A_939 = arith.muli %scan3A_937, %mul3A_938 : i32
      %add3A_940 = arith.constant 0 : i32
      %add3A_941 = arith.addi %add3A_940, %mul3A_939 : i32
      %mul3A_942 = arith.constant 16 : i32
      %mul3A_943 = arith.muli %add3A_941, %mul3A_942 : i32
      %multiple_of3A = tpu.assume_multiple %mul3A_943, 16 : i32
      %add3A_944 = vector.broadcast %multiple_of3A : i32 to vector<16xi32>
      %add3A_945 = arith.addi %add3A_774, %add3A_944 : vector<16xi32>
      %gather3A = tpu.vector_load_idx %arg15[%add3A_945] : memref<8192xi32, #tpu.memory_space<vmem>>[vector<16xi32>], vector<16xi32>,
      %swap3A = arith.index_cast %multiple_of3A : i32 to index
      %swap3A_946 = tpu.vector_load %arg19[%swap3A] {strides = array<i32>} : memref<4096xi32, #tpu.memory_space<vmem>>, vector<16xi32>,
      tpu.vector_store %arg19[%swap3A], %gather3A {strides = array<i32>} : memref<4096xi32, #tpu.memory_space<vmem>>, vector<16xi32>,
      %scan3A_947 = arith.constant 1 : i32
      %scan3A_948 = arith.addi %scan3A_937, %scan3A_947 : i32
      %mul3A_949 = arith.constant 1 : i32
      %mul3A_950 = arith.muli %scan3A_948, %mul3A_949 : i32
      %add3A_951 = arith.constant 0 : i32
      %add3A_952 = arith.addi %add3A_951, %mul3A_950 : i32
      %mul3A_953 = arith.constant 16 : i32
      %mul3A_954 = arith.muli %add3A_952, %mul3A_953 : i32
      %multiple_of3A_955 = tpu.assume_multiple %mul3A_954, 16 : i32
      %add3A_956 = vector.broadcast %multiple_of3A_955 : i32 to vector<16xi32>
      %add3A_957 = arith.addi %add3A_774, %add3A_956 : vector<16xi32>
      %gather3A_958 = tpu.vector_load_idx %arg15[%add3A_957] : memref<8192xi32, #tpu.memory_space<vmem>>[vector<16xi32>], vector<16xi32>,
      %swap3A_959 = arith.index_cast %multiple_of3A_955 : i32 to index
      %swap3A_960 = tpu.vector_load %arg19[%swap3A_959] {strides = array<i32>} : memref<4096xi32, #tpu.memory_space<vmem>>, vector<16xi32>,
      tpu.vector_store %arg19[%swap3A_959], %gather3A_958 {strides = array<i32>} : memref<4096xi32, #tpu.memory_space<vmem>>, vector<16xi32>,
    }
    %scan3A_784 = arith.constant 256 : i32
    %scan3A_785 = arith.constant 0 : i32
    %scan3A_786 = arith.constant 128 : i32
    %scan3A_787 = arith.addi %scan3A_785, %scan3A_786 : i32
    %scan3A_788 = arith.constant 2 : i32
    scf.for %scan3A_937 = %scan3A_785 to %scan3A_787 step %scan3A_788  : i32 {
      %mul3A_938 = arith.constant 1 : i32
      %mul3A_939 = arith.muli %scan3A_937, %mul3A_938 : i32
      %add3A_940 = arith.constant 0 : i32
      %add3A_941 = arith.addi %add3A_940, %mul3A_939 : i32
      %mul3A_942 = arith.constant 16 : i32
      %mul3A_943 = arith.muli %add3A_941, %mul3A_942 : i32
      %multiple_of3A = tpu.assume_multiple %mul3A_943, 16 : i32
      %add3A_944 = arith.constant 6144 : i32
      %add3A_945 = arith.addi %add3A_944, %multiple_of3A : i32
      %get3A_946 = arith.index_cast %add3A_945 : i32 to index
      %get3A_947 = tpu.vector_load %arg15[%get3A_946] {strides = array<i32>} : memref<8192xi32, #tpu.memory_space<vmem>>, vector<16xi32>,
      %add3A_948 = vector.broadcast %multiple_of3A : i32 to vector<16xi32>
      %add3A_949 = arith.addi %add3A_779, %add3A_948 : vector<16xi32>
      tpu.vector_store_idx %arg15[%add3A_949], %get3A_947 : memref<8192xi32, #tpu.memory_space<vmem>>[vector<16xi32>], vector<16xi32>,
      %scan3A_950 = arith.constant 1 : i32
      %scan3A_951 = arith.addi %scan3A_937, %scan3A_950 : i32
      %mul3A_952 = arith.constant 1 : i32
      %mul3A_953 = arith.muli %scan3A_951, %mul3A_952 : i32
      %add3A_954 = arith.constant 0 : i32
      %add3A_955 = arith.addi %add3A_954, %mul3A_953 : i32
      %mul3A_956 = arith.constant 16 : i32
      %mul3A_957 = arith.muli %add3A_955, %mul3A_956 : i32
      %multiple_of3A_958 = tpu.assume_multiple %mul3A_957, 16 : i32
      %add3A_959 = arith.constant 6144 : i32
      %add3A_960 = arith.addi %add3A_959, %multiple_of3A_958 : i32
      %get3A_961 = arith.index_cast %add3A_960 : i32 to index
      %get3A_962 = tpu.vector_load %arg15[%get3A_961] {strides = array<i32>} : memref<8192xi32, #tpu.memory_space<vmem>>, vector<16xi32>,
      %add3A_963 = vector.broadcast %multiple_of3A_958 : i32 to vector<16xi32>
      %add3A_964 = arith.addi %add3A_779, %add3A_963 : vector<16xi32>
      tpu.vector_store_idx %arg15[%add3A_964], %get3A_962 : memref<8192xi32, #tpu.memory_space<vmem>>[vector<16xi32>], vector<16xi32>,
    }
    %scan3A_789 = arith.constant 128 : i32
    %scan3A_790 = arith.constant 0 : i32
    %scan3A_791 = arith.constant 256 : i32
    %scan3A_792 = arith.addi %scan3A_790, %scan3A_791 : i32
    %scan3A_793 = arith.constant 2 : i32
    scf.for %scan3A_937 = %scan3A_790 to %scan3A_792 step %scan3A_793  : i32 {
      %mul3A_938 = arith.constant 1 : i32
      %mul3A_939 = arith.muli %scan3A_937, %mul3A_938 : i32
      %add3A_940 = arith.constant 0 : i32
      %add3A_941 = arith.addi %add3A_940, %mul3A_939 : i32
      %mul3A_942 = arith.constant 16 : i32
      %mul3A_943 = arith.muli %add3A_941, %mul3A_942 : i32
      %multiple_of3A = tpu.assume_multiple %mul3A_943, 16 : i32
      %add3A_944 = vector.broadcast %multiple_of3A : i32 to vector<16xi32>
      %add3A_945 = arith.addi %add3A_776, %add3A_944 : vector<16xi32>
      %gather3A = tpu.vector_load_idx %arg15[%add3A_945] : memref<8192xi32, #tpu.memory_space<vmem>>[vector<16xi32>], vector<16xi32>,
      %swap3A = arith.index_cast %multiple_of3A : i32 to index
      %swap3A_946 = tpu.vector_load %arg23[%swap3A] {strides = array<i32>} : memref<4096xi32, #tpu.memory_space<vmem>>, vector<16xi32>,
      tpu.vector_store %arg23[%swap3A], %gather3A {strides = array<i32>} : memref<4096xi32, #tpu.memory_space<vmem>>, vector<16xi32>,
      %scan3A_947 = arith.constant 1 : i32
      %scan3A_948 = arith.addi %scan3A_937, %scan3A_947 : i32
      %mul3A_949 = arith.constant 1 : i32
      %mul3A_950 = arith.muli %scan3A_948, %mul3A_949 : i32
      %add3A_951 = arith.constant 0 : i32
      %add3A_952 = arith.addi %add3A_951, %mul3A_950 : i32
      %mul3A_953 = arith.constant 16 : i32
      %mul3A_954 = arith.muli %add3A_952, %mul3A_953 : i32
      %multiple_of3A_955 = tpu.assume_multiple %mul3A_954, 16 : i32
      %add3A_956 = vector.broadcast %multiple_of3A_955 : i32 to vector<16xi32>
      %add3A_957 = arith.addi %add3A_776, %add3A_956 : vector<16xi32>
      %gather3A_958 = tpu.vector_load_idx %arg15[%add3A_957] : memref<8192xi32, #tpu.memory_space<vmem>>[vector<16xi32>], vector<16xi32>,
      %swap3A_959 = arith.index_cast %multiple_of3A_955 : i32 to index
      %swap3A_960 = tpu.vector_load %arg23[%swap3A_959] {strides = array<i32>} : memref<4096xi32, #tpu.memory_space<vmem>>, vector<16xi32>,
      tpu.vector_store %arg23[%swap3A_959], %gather3A_958 {strides = array<i32>} : memref<4096xi32, #tpu.memory_space<vmem>>, vector<16xi32>,
    }
    %scan3A_794 = arith.constant 256 : i32
    %dma_start3A_795 = arith.constant 0 : i32
    %dma_start3A_796 = tpu.memref_slice %arg7[%add3A_726, %dma_start3A_795] : memref<256x4096xi32, #tpu.memory_space<hbm>> -> memref<1x4096xi32, #tpu.memory_space<hbm>>
    %dma_start3A_797 = tpu.memref_squeeze %dma_start3A_796 : memref<1x4096xi32, #tpu.memory_space<hbm>> -> memref<4096xi32, #tpu.memory_space<hbm>>
    %dma_start3A_798 = arith.constant 0 : i32
    %dma_start3A_799 = tpu.memref_slice %arg7[%add3A_726, %dma_start3A_798] : memref<256x4096xi32, #tpu.memory_space<hbm>> -> memref<1x4096xi32, #tpu.memory_space<hbm>>
    %dma_start3A_800 = tpu.memref_squeeze %dma_start3A_799 : memref<1x4096xi32, #tpu.memory_space<hbm>> -> memref<4096xi32, #tpu.memory_space<hbm>>
    tpu.enqueue_dma source(%arg19 : memref<4096xi32, #tpu.memory_space<vmem>>) target(%dma_start3A_800 : memref<4096xi32, #tpu.memory_space<hbm>>) target_semaphore(%arg38 : memref<!tpu.dma_semaphore, #tpu.memory_space<semaphore_mem>>)
    %dma_start3A_801 = arith.constant 0 : i32
    %dma_start3A_802 = tpu.memref_slice %arg8[%add3A_726, %dma_start3A_801] : memref<256x4096xi32, #tpu.memory_space<hbm>> -> memref<1x4096xi32, #tpu.memory_space<hbm>>
    %dma_start3A_803 = tpu.memref_squeeze %dma_start3A_802 : memref<1x4096xi32, #tpu.memory_space<hbm>> -> memref<4096xi32, #tpu.memory_space<hbm>>
    %dma_start3A_804 = arith.constant 0 : i32
    %dma_start3A_805 = tpu.memref_slice %arg8[%add3A_726, %dma_start3A_804] : memref<256x4096xi32, #tpu.memory_space<hbm>> -> memref<1x4096xi32, #tpu.memory_space<hbm>>
    %dma_start3A_806 = tpu.memref_squeeze %dma_start3A_805 : memref<1x4096xi32, #tpu.memory_space<hbm>> -> memref<4096xi32, #tpu.memory_space<hbm>>
    tpu.enqueue_dma source(%arg23 : memref<4096xi32, #tpu.memory_space<vmem>>) target(%dma_start3A_806 : memref<4096xi32, #tpu.memory_space<hbm>>) target_semaphore(%arg38 : memref<!tpu.dma_semaphore, #tpu.memory_space<semaphore_mem>>)
    %add3A_807 = arith.constant 7 : i32
    %add3A_808 = arith.addi %mul3A_2, %add3A_807 : i32
    %dma_wait3A_809 = arith.constant 0 : i32
    %dma_wait3A_810 = tpu.memref_slice %arg7[%add3A_492, %dma_wait3A_809] : memref<256x4096xi32, #tpu.memory_space<hbm>> -> memref<1x4096xi32, #tpu.memory_space<hbm>>
    %dma_wait3A_811 = tpu.memref_squeeze %dma_wait3A_810 : memref<1x4096xi32, #tpu.memory_space<hbm>> -> memref<4096xi32, #tpu.memory_space<hbm>>
    %dma_wait3A_812 = arith.constant 0 : i32
    %dma_wait3A_813 = tpu.memref_slice %arg7[%add3A_492, %dma_wait3A_812] : memref<256x4096xi32, #tpu.memory_space<hbm>> -> memref<1x4096xi32, #tpu.memory_space<hbm>>
    %dma_wait3A_814 = tpu.memref_squeeze %dma_wait3A_813 : memref<1x4096xi32, #tpu.memory_space<hbm>> -> memref<4096xi32, #tpu.memory_space<hbm>>
    tpu.wait_dma2 semaphore(%arg39 : memref<!tpu.dma_semaphore, #tpu.memory_space<semaphore_mem>>) src(%arg20 : memref<4096xi32, #tpu.memory_space<vmem>>) dst(%dma_wait3A_814 : memref<4096xi32, #tpu.memory_space<hbm>>)
    %dma_wait3A_815 = arith.constant 0 : i32
    %dma_wait3A_816 = tpu.memref_slice %arg8[%add3A_492, %dma_wait3A_815] : memref<256x4096xi32, #tpu.memory_space<hbm>> -> memref<1x4096xi32, #tpu.memory_space<hbm>>
    %dma_wait3A_817 = tpu.memref_squeeze %dma_wait3A_816 : memref<1x4096xi32, #tpu.memory_space<hbm>> -> memref<4096xi32, #tpu.memory_space<hbm>>
    %dma_wait3A_818 = arith.constant 0 : i32
    %dma_wait3A_819 = tpu.memref_slice %arg8[%add3A_492, %dma_wait3A_818] : memref<256x4096xi32, #tpu.memory_space<hbm>> -> memref<1x4096xi32, #tpu.memory_space<hbm>>
    %dma_wait3A_820 = tpu.memref_squeeze %dma_wait3A_819 : memref<1x4096xi32, #tpu.memory_space<hbm>> -> memref<4096xi32, #tpu.memory_space<hbm>>
    tpu.wait_dma2 semaphore(%arg39 : memref<!tpu.dma_semaphore, #tpu.memory_space<semaphore_mem>>) src(%arg24 : memref<4096xi32, #tpu.memory_space<vmem>>) dst(%dma_wait3A_820 : memref<4096xi32, #tpu.memory_space<hbm>>)
    %dma_wait3A_821 = arith.constant 0 : i32
    %dma_wait3A_822 = tpu.memref_slice %arg16[%dma_wait3A_821] : memref<8192xi32, #tpu.memory_space<vmem>> -> memref<4096xi32, #tpu.memory_space<vmem>>
    %dma_wait3A_823 = arith.constant 0 : i32
    %dma_wait3A_824 = tpu.memref_slice %arg6[%add3A_239, %dma_wait3A_823] : memref<256x4096xi32, #tpu.memory_space<hbm>> -> memref<1x4096xi32, #tpu.memory_space<hbm>>
    %dma_wait3A_825 = tpu.memref_squeeze %dma_wait3A_824 : memref<1x4096xi32, #tpu.memory_space<hbm>> -> memref<4096xi32, #tpu.memory_space<hbm>>
    %dma_wait3A_826 = arith.constant 0 : i32
    %dma_wait3A_827 = tpu.memref_slice %arg16[%dma_wait3A_826] : memref<8192xi32, #tpu.memory_space<vmem>> -> memref<4096xi32, #tpu.memory_space<vmem>>
    %dma_wait3A_828 = arith.constant 0 : i32
    %dma_wait3A_829 = tpu.memref_slice %arg6[%add3A_239, %dma_wait3A_828] : memref<256x4096xi32, #tpu.memory_space<hbm>> -> memref<1x4096xi32, #tpu.memory_space<hbm>>
    %dma_wait3A_830 = tpu.memref_squeeze %dma_wait3A_829 : memref<1x4096xi32, #tpu.memory_space<hbm>> -> memref<4096xi32, #tpu.memory_space<hbm>>
    tpu.wait_dma2 semaphore(%arg35 : memref<!tpu.dma_semaphore, #tpu.memory_space<semaphore_mem>>) src(%dma_wait3A_830 : memref<4096xi32, #tpu.memory_space<hbm>>) dst(%dma_wait3A_827 : memref<4096xi32, #tpu.memory_space<vmem>>)
    %dma_wait3A_831 = arith.constant 4096 : i32
    %dma_wait3A_832 = tpu.memref_slice %arg16[%dma_wait3A_831] : memref<8192xi32, #tpu.memory_space<vmem>> -> memref<2048xi32, #tpu.memory_space<vmem>>
    %dma_wait3A_833 = arith.constant 0 : i32
    %dma_wait3A_834 = tpu.memref_slice %arg2[%add3A_239, %dma_wait3A_833] : memref<256x2048xi32, #tpu.memory_space<hbm>> -> memref<1x2048xi32, #tpu.memory_space<hbm>>
    %dma_wait3A_835 = tpu.memref_squeeze %dma_wait3A_834 : memref<1x2048xi32, #tpu.memory_space<hbm>> -> memref<2048xi32, #tpu.memory_space<hbm>>
    %dma_wait3A_836 = arith.constant 4096 : i32
    %dma_wait3A_837 = tpu.memref_slice %arg16[%dma_wait3A_836] : memref<8192xi32, #tpu.memory_space<vmem>> -> memref<2048xi32, #tpu.memory_space<vmem>>
    %dma_wait3A_838 = arith.constant 0 : i32
    %dma_wait3A_839 = tpu.memref_slice %arg2[%add3A_239, %dma_wait3A_838] : memref<256x2048xi32, #tpu.memory_space<hbm>> -> memref<1x2048xi32, #tpu.memory_space<hbm>>
    %dma_wait3A_840 = tpu.memref_squeeze %dma_wait3A_839 : memref<1x2048xi32, #tpu.memory_space<hbm>> -> memref<2048xi32, #tpu.memory_space<hbm>>
    tpu.wait_dma2 semaphore(%arg35 : memref<!tpu.dma_semaphore, #tpu.memory_space<semaphore_mem>>) src(%dma_wait3A_840 : memref<2048xi32, #tpu.memory_space<hbm>>) dst(%dma_wait3A_837 : memref<2048xi32, #tpu.memory_space<vmem>>)
    %dma_wait3A_841 = arith.constant 6144 : i32
    %dma_wait3A_842 = tpu.memref_slice %arg16[%dma_wait3A_841] : memref<8192xi32, #tpu.memory_space<vmem>> -> memref<2048xi32, #tpu.memory_space<vmem>>
    %dma_wait3A_843 = arith.constant 0 : i32
    %dma_wait3A_844 = tpu.memref_slice %arg4[%add3A_239, %dma_wait3A_843] : memref<256x2048xi32, #tpu.memory_space<hbm>> -> memref<1x2048xi32, #tpu.memory_space<hbm>>
    %dma_wait3A_845 = tpu.memref_squeeze %dma_wait3A_844 : memref<1x2048xi32, #tpu.memory_space<hbm>> -> memref<2048xi32, #tpu.memory_space<hbm>>
    %dma_wait3A_846 = arith.constant 6144 : i32
    %dma_wait3A_847 = tpu.memref_slice %arg16[%dma_wait3A_846] : memref<8192xi32, #tpu.memory_space<vmem>> -> memref<2048xi32, #tpu.memory_space<vmem>>
    %dma_wait3A_848 = arith.constant 0 : i32
    %dma_wait3A_849 = tpu.memref_slice %arg4[%add3A_239, %dma_wait3A_848] : memref<256x2048xi32, #tpu.memory_space<hbm>> -> memref<1x2048xi32, #tpu.memory_space<hbm>>
    %dma_wait3A_850 = tpu.memref_squeeze %dma_wait3A_849 : memref<1x2048xi32, #tpu.memory_space<hbm>> -> memref<2048xi32, #tpu.memory_space<hbm>>
    tpu.wait_dma2 semaphore(%arg35 : memref<!tpu.dma_semaphore, #tpu.memory_space<semaphore_mem>>) src(%dma_wait3A_850 : memref<2048xi32, #tpu.memory_space<hbm>>) dst(%dma_wait3A_847 : memref<2048xi32, #tpu.memory_space<vmem>>)
    %slice3A_851 = vector.extract_strided_slice %get3A_281 {offsets = [7], sizes = [1], strides = [1]} : vector<16xi32> to vector<1xi32>
    %squeeze3A_852 = vector.extract %slice3A_851[0] : i32 from vector<1xi32>
    %slice3A_853 = vector.extract_strided_slice %get3A_283 {offsets = [7], sizes = [1], strides = [1]} : vector<16xi32> to vector<1xi32>
    %squeeze3A_854 = vector.extract %slice3A_853[0] : i32 from vector<1xi32>
    %add3A_855 = vector.broadcast %squeeze3A_852 : i32 to vector<16xi32>
    %add3A_856 = arith.addi %add3A_855, %iota3A : vector<16xi32>
    %add3A_857 = vector.broadcast %squeeze3A_854 : i32 to vector<16xi32>
    %add3A_858 = arith.addi %add3A_856, %add3A_857 : vector<16xi32>
    %add3A_859 = arith.constant 4096 : i32
    %add3A_860 = vector.broadcast %add3A_859 : i32 to vector<16xi32>
    %add3A_861 = arith.addi %add3A_856, %add3A_860 : vector<16xi32>
    %scan3A_862 = arith.constant 0 : i32
    %scan3A_863 = arith.constant 256 : i32
    %scan3A_864 = arith.addi %scan3A_862, %scan3A_863 : i32
    %scan3A_865 = arith.constant 2 : i32
    scf.for %scan3A_937 = %scan3A_862 to %scan3A_864 step %scan3A_865  : i32 {
      %mul3A_938 = arith.constant 1 : i32
      %mul3A_939 = arith.muli %scan3A_937, %mul3A_938 : i32
      %add3A_940 = arith.constant 0 : i32
      %add3A_941 = arith.addi %add3A_940, %mul3A_939 : i32
      %mul3A_942 = arith.constant 16 : i32
      %mul3A_943 = arith.muli %add3A_941, %mul3A_942 : i32
      %multiple_of3A = tpu.assume_multiple %mul3A_943, 16 : i32
      %add3A_944 = vector.broadcast %multiple_of3A : i32 to vector<16xi32>
      %add3A_945 = arith.addi %add3A_856, %add3A_944 : vector<16xi32>
      %gather3A = tpu.vector_load_idx %arg16[%add3A_945] : memref<8192xi32, #tpu.memory_space<vmem>>[vector<16xi32>], vector<16xi32>,
      %swap3A = arith.index_cast %multiple_of3A : i32 to index
      %swap3A_946 = tpu.vector_load %arg20[%swap3A] {strides = array<i32>} : memref<4096xi32, #tpu.memory_space<vmem>>, vector<16xi32>,
      tpu.vector_store %arg20[%swap3A], %gather3A {strides = array<i32>} : memref<4096xi32, #tpu.memory_space<vmem>>, vector<16xi32>,
      %scan3A_947 = arith.constant 1 : i32
      %scan3A_948 = arith.addi %scan3A_937, %scan3A_947 : i32
      %mul3A_949 = arith.constant 1 : i32
      %mul3A_950 = arith.muli %scan3A_948, %mul3A_949 : i32
      %add3A_951 = arith.constant 0 : i32
      %add3A_952 = arith.addi %add3A_951, %mul3A_950 : i32
      %mul3A_953 = arith.constant 16 : i32
      %mul3A_954 = arith.muli %add3A_952, %mul3A_953 : i32
      %multiple_of3A_955 = tpu.assume_multiple %mul3A_954, 16 : i32
      %add3A_956 = vector.broadcast %multiple_of3A_955 : i32 to vector<16xi32>
      %add3A_957 = arith.addi %add3A_856, %add3A_956 : vector<16xi32>
      %gather3A_958 = tpu.vector_load_idx %arg16[%add3A_957] : memref<8192xi32, #tpu.memory_space<vmem>>[vector<16xi32>], vector<16xi32>,
      %swap3A_959 = arith.index_cast %multiple_of3A_955 : i32 to index
      %swap3A_960 = tpu.vector_load %arg20[%swap3A_959] {strides = array<i32>} : memref<4096xi32, #tpu.memory_space<vmem>>, vector<16xi32>,
      tpu.vector_store %arg20[%swap3A_959], %gather3A_958 {strides = array<i32>} : memref<4096xi32, #tpu.memory_space<vmem>>, vector<16xi32>,
    }
    %scan3A_866 = arith.constant 256 : i32
    %scan3A_867 = arith.constant 0 : i32
    %scan3A_868 = arith.constant 128 : i32
    %scan3A_869 = arith.addi %scan3A_867, %scan3A_868 : i32
    %scan3A_870 = arith.constant 2 : i32
    scf.for %scan3A_937 = %scan3A_867 to %scan3A_869 step %scan3A_870  : i32 {
      %mul3A_938 = arith.constant 1 : i32
      %mul3A_939 = arith.muli %scan3A_937, %mul3A_938 : i32
      %add3A_940 = arith.constant 0 : i32
      %add3A_941 = arith.addi %add3A_940, %mul3A_939 : i32
      %mul3A_942 = arith.constant 16 : i32
      %mul3A_943 = arith.muli %add3A_941, %mul3A_942 : i32
      %multiple_of3A = tpu.assume_multiple %mul3A_943, 16 : i32
      %add3A_944 = arith.constant 6144 : i32
      %add3A_945 = arith.addi %add3A_944, %multiple_of3A : i32
      %get3A_946 = arith.index_cast %add3A_945 : i32 to index
      %get3A_947 = tpu.vector_load %arg16[%get3A_946] {strides = array<i32>} : memref<8192xi32, #tpu.memory_space<vmem>>, vector<16xi32>,
      %add3A_948 = vector.broadcast %multiple_of3A : i32 to vector<16xi32>
      %add3A_949 = arith.addi %add3A_861, %add3A_948 : vector<16xi32>
      tpu.vector_store_idx %arg16[%add3A_949], %get3A_947 : memref<8192xi32, #tpu.memory_space<vmem>>[vector<16xi32>], vector<16xi32>,
      %scan3A_950 = arith.constant 1 : i32
      %scan3A_951 = arith.addi %scan3A_937, %scan3A_950 : i32
      %mul3A_952 = arith.constant 1 : i32
      %mul3A_953 = arith.muli %scan3A_951, %mul3A_952 : i32
      %add3A_954 = arith.constant 0 : i32
      %add3A_955 = arith.addi %add3A_954, %mul3A_953 : i32
      %mul3A_956 = arith.constant 16 : i32
      %mul3A_957 = arith.muli %add3A_955, %mul3A_956 : i32
      %multiple_of3A_958 = tpu.assume_multiple %mul3A_957, 16 : i32
      %add3A_959 = arith.constant 6144 : i32
      %add3A_960 = arith.addi %add3A_959, %multiple_of3A_958 : i32
      %get3A_961 = arith.index_cast %add3A_960 : i32 to index
      %get3A_962 = tpu.vector_load %arg16[%get3A_961] {strides = array<i32>} : memref<8192xi32, #tpu.memory_space<vmem>>, vector<16xi32>,
      %add3A_963 = vector.broadcast %multiple_of3A_958 : i32 to vector<16xi32>
      %add3A_964 = arith.addi %add3A_861, %add3A_963 : vector<16xi32>
      tpu.vector_store_idx %arg16[%add3A_964], %get3A_962 : memref<8192xi32, #tpu.memory_space<vmem>>[vector<16xi32>], vector<16xi32>,
    }
    %scan3A_871 = arith.constant 128 : i32
    %scan3A_872 = arith.constant 0 : i32
    %scan3A_873 = arith.constant 256 : i32
    %scan3A_874 = arith.addi %scan3A_872, %scan3A_873 : i32
    %scan3A_875 = arith.constant 2 : i32
    scf.for %scan3A_937 = %scan3A_872 to %scan3A_874 step %scan3A_875  : i32 {
      %mul3A_938 = arith.constant 1 : i32
      %mul3A_939 = arith.muli %scan3A_937, %mul3A_938 : i32
      %add3A_940 = arith.constant 0 : i32
      %add3A_941 = arith.addi %add3A_940, %mul3A_939 : i32
      %mul3A_942 = arith.constant 16 : i32
      %mul3A_943 = arith.muli %add3A_941, %mul3A_942 : i32
      %multiple_of3A = tpu.assume_multiple %mul3A_943, 16 : i32
      %add3A_944 = vector.broadcast %multiple_of3A : i32 to vector<16xi32>
      %add3A_945 = arith.addi %add3A_858, %add3A_944 : vector<16xi32>
      %gather3A = tpu.vector_load_idx %arg16[%add3A_945] : memref<8192xi32, #tpu.memory_space<vmem>>[vector<16xi32>], vector<16xi32>,
      %swap3A = arith.index_cast %multiple_of3A : i32 to index
      %swap3A_946 = tpu.vector_load %arg24[%swap3A] {strides = array<i32>} : memref<4096xi32, #tpu.memory_space<vmem>>, vector<16xi32>,
      tpu.vector_store %arg24[%swap3A], %gather3A {strides = array<i32>} : memref<4096xi32, #tpu.memory_space<vmem>>, vector<16xi32>,
      %scan3A_947 = arith.constant 1 : i32
      %scan3A_948 = arith.addi %scan3A_937, %scan3A_947 : i32
      %mul3A_949 = arith.constant 1 : i32
      %mul3A_950 = arith.muli %scan3A_948, %mul3A_949 : i32
      %add3A_951 = arith.constant 0 : i32
      %add3A_952 = arith.addi %add3A_951, %mul3A_950 : i32
      %mul3A_953 = arith.constant 16 : i32
      %mul3A_954 = arith.muli %add3A_952, %mul3A_953 : i32
      %multiple_of3A_955 = tpu.assume_multiple %mul3A_954, 16 : i32
      %add3A_956 = vector.broadcast %multiple_of3A_955 : i32 to vector<16xi32>
      %add3A_957 = arith.addi %add3A_858, %add3A_956 : vector<16xi32>
      %gather3A_958 = tpu.vector_load_idx %arg16[%add3A_957] : memref<8192xi32, #tpu.memory_space<vmem>>[vector<16xi32>], vector<16xi32>,
      %swap3A_959 = arith.index_cast %multiple_of3A_955 : i32 to index
      %swap3A_960 = tpu.vector_load %arg24[%swap3A_959] {strides = array<i32>} : memref<4096xi32, #tpu.memory_space<vmem>>, vector<16xi32>,
      tpu.vector_store %arg24[%swap3A_959], %gather3A_958 {strides = array<i32>} : memref<4096xi32, #tpu.memory_space<vmem>>, vector<16xi32>,
    }
    %scan3A_876 = arith.constant 256 : i32
    %dma_start3A_877 = arith.constant 0 : i32
    %dma_start3A_878 = tpu.memref_slice %arg7[%add3A_808, %dma_start3A_877] : memref<256x4096xi32, #tpu.memory_space<hbm>> -> memref<1x4096xi32, #tpu.memory_space<hbm>>
    %dma_start3A_879 = tpu.memref_squeeze %dma_start3A_878 : memref<1x4096xi32, #tpu.memory_space<hbm>> -> memref<4096xi32, #tpu.memory_space<hbm>>
    %dma_start3A_880 = arith.constant 0 : i32
    %dma_start3A_881 = tpu.memref_slice %arg7[%add3A_808, %dma_start3A_880] : memref<256x4096xi32, #tpu.memory_space<hbm>> -> memref<1x4096xi32, #tpu.memory_space<hbm>>
    %dma_start3A_882 = tpu.memref_squeeze %dma_start3A_881 : memref<1x4096xi32, #tpu.memory_space<hbm>> -> memref<4096xi32, #tpu.memory_space<hbm>>
    tpu.enqueue_dma source(%arg20 : memref<4096xi32, #tpu.memory_space<vmem>>) target(%dma_start3A_882 : memref<4096xi32, #tpu.memory_space<hbm>>) target_semaphore(%arg39 : memref<!tpu.dma_semaphore, #tpu.memory_space<semaphore_mem>>)
    %dma_start3A_883 = arith.constant 0 : i32
    %dma_start3A_884 = tpu.memref_slice %arg8[%add3A_808, %dma_start3A_883] : memref<256x4096xi32, #tpu.memory_space<hbm>> -> memref<1x4096xi32, #tpu.memory_space<hbm>>
    %dma_start3A_885 = tpu.memref_squeeze %dma_start3A_884 : memref<1x4096xi32, #tpu.memory_space<hbm>> -> memref<4096xi32, #tpu.memory_space<hbm>>
    %dma_start3A_886 = arith.constant 0 : i32
    %dma_start3A_887 = tpu.memref_slice %arg8[%add3A_808, %dma_start3A_886] : memref<256x4096xi32, #tpu.memory_space<hbm>> -> memref<1x4096xi32, #tpu.memory_space<hbm>>
    %dma_start3A_888 = tpu.memref_squeeze %dma_start3A_887 : memref<1x4096xi32, #tpu.memory_space<hbm>> -> memref<4096xi32, #tpu.memory_space<hbm>>
    tpu.enqueue_dma source(%arg24 : memref<4096xi32, #tpu.memory_space<vmem>>) target(%dma_start3A_888 : memref<4096xi32, #tpu.memory_space<hbm>>) target_semaphore(%arg39 : memref<!tpu.dma_semaphore, #tpu.memory_space<semaphore_mem>>)
    %dma_wait3A_889 = arith.constant 0 : i32
    %dma_wait3A_890 = tpu.memref_slice %arg7[%add3A_562, %dma_wait3A_889] : memref<256x4096xi32, #tpu.memory_space<hbm>> -> memref<1x4096xi32, #tpu.memory_space<hbm>>
    %dma_wait3A_891 = tpu.memref_squeeze %dma_wait3A_890 : memref<1x4096xi32, #tpu.memory_space<hbm>> -> memref<4096xi32, #tpu.memory_space<hbm>>
    %dma_wait3A_892 = arith.constant 0 : i32
    %dma_wait3A_893 = tpu.memref_slice %arg7[%add3A_562, %dma_wait3A_892] : memref<256x4096xi32, #tpu.memory_space<hbm>> -> memref<1x4096xi32, #tpu.memory_space<hbm>>
    %dma_wait3A_894 = tpu.memref_squeeze %dma_wait3A_893 : memref<1x4096xi32, #tpu.memory_space<hbm>> -> memref<4096xi32, #tpu.memory_space<hbm>>
    tpu.wait_dma2 semaphore(%arg36 : memref<!tpu.dma_semaphore, #tpu.memory_space<semaphore_mem>>) src(%arg17 : memref<4096xi32, #tpu.memory_space<vmem>>) dst(%dma_wait3A_894 : memref<4096xi32, #tpu.memory_space<hbm>>)
    %dma_wait3A_895 = arith.constant 0 : i32
    %dma_wait3A_896 = tpu.memref_slice %arg8[%add3A_562, %dma_wait3A_895] : memref<256x4096xi32, #tpu.memory_space<hbm>> -> memref<1x4096xi32, #tpu.memory_space<hbm>>
    %dma_wait3A_897 = tpu.memref_squeeze %dma_wait3A_896 : memref<1x4096xi32, #tpu.memory_space<hbm>> -> memref<4096xi32, #tpu.memory_space<hbm>>
    %dma_wait3A_898 = arith.constant 0 : i32
    %dma_wait3A_899 = tpu.memref_slice %arg8[%add3A_562, %dma_wait3A_898] : memref<256x4096xi32, #tpu.memory_space<hbm>> -> memref<1x4096xi32, #tpu.memory_space<hbm>>
    %dma_wait3A_900 = tpu.memref_squeeze %dma_wait3A_899 : memref<1x4096xi32, #tpu.memory_space<hbm>> -> memref<4096xi32, #tpu.memory_space<hbm>>
    tpu.wait_dma2 semaphore(%arg36 : memref<!tpu.dma_semaphore, #tpu.memory_space<semaphore_mem>>) src(%arg21 : memref<4096xi32, #tpu.memory_space<vmem>>) dst(%dma_wait3A_900 : memref<4096xi32, #tpu.memory_space<hbm>>)
    %dma_wait3A_901 = arith.constant 0 : i32
    %dma_wait3A_902 = tpu.memref_slice %arg7[%add3A_644, %dma_wait3A_901] : memref<256x4096xi32, #tpu.memory_space<hbm>> -> memref<1x4096xi32, #tpu.memory_space<hbm>>
    %dma_wait3A_903 = tpu.memref_squeeze %dma_wait3A_902 : memref<1x4096xi32, #tpu.memory_space<hbm>> -> memref<4096xi32, #tpu.memory_space<hbm>>
    %dma_wait3A_904 = arith.constant 0 : i32
    %dma_wait3A_905 = tpu.memref_slice %arg7[%add3A_644, %dma_wait3A_904] : memref<256x4096xi32, #tpu.memory_space<hbm>> -> memref<1x4096xi32, #tpu.memory_space<hbm>>
    %dma_wait3A_906 = tpu.memref_squeeze %dma_wait3A_905 : memref<1x4096xi32, #tpu.memory_space<hbm>> -> memref<4096xi32, #tpu.memory_space<hbm>>
    tpu.wait_dma2 semaphore(%arg37 : memref<!tpu.dma_semaphore, #tpu.memory_space<semaphore_mem>>) src(%arg18 : memref<4096xi32, #tpu.memory_space<vmem>>) dst(%dma_wait3A_906 : memref<4096xi32, #tpu.memory_space<hbm>>)
    %dma_wait3A_907 = arith.constant 0 : i32
    %dma_wait3A_908 = tpu.memref_slice %arg8[%add3A_644, %dma_wait3A_907] : memref<256x4096xi32, #tpu.memory_space<hbm>> -> memref<1x4096xi32, #tpu.memory_space<hbm>>
    %dma_wait3A_909 = tpu.memref_squeeze %dma_wait3A_908 : memref<1x4096xi32, #tpu.memory_space<hbm>> -> memref<4096xi32, #tpu.memory_space<hbm>>
    %dma_wait3A_910 = arith.constant 0 : i32
    %dma_wait3A_911 = tpu.memref_slice %arg8[%add3A_644, %dma_wait3A_910] : memref<256x4096xi32, #tpu.memory_space<hbm>> -> memref<1x4096xi32, #tpu.memory_space<hbm>>
    %dma_wait3A_912 = tpu.memref_squeeze %dma_wait3A_911 : memref<1x4096xi32, #tpu.memory_space<hbm>> -> memref<4096xi32, #tpu.memory_space<hbm>>
    tpu.wait_dma2 semaphore(%arg37 : memref<!tpu.dma_semaphore, #tpu.memory_space<semaphore_mem>>) src(%arg22 : memref<4096xi32, #tpu.memory_space<vmem>>) dst(%dma_wait3A_912 : memref<4096xi32, #tpu.memory_space<hbm>>)
    %dma_wait3A_913 = arith.constant 0 : i32
    %dma_wait3A_914 = tpu.memref_slice %arg7[%add3A_726, %dma_wait3A_913] : memref<256x4096xi32, #tpu.memory_space<hbm>> -> memref<1x4096xi32, #tpu.memory_space<hbm>>
    %dma_wait3A_915 = tpu.memref_squeeze %dma_wait3A_914 : memref<1x4096xi32, #tpu.memory_space<hbm>> -> memref<4096xi32, #tpu.memory_space<hbm>>
    %dma_wait3A_916 = arith.constant 0 : i32
    %dma_wait3A_917 = tpu.memref_slice %arg7[%add3A_726, %dma_wait3A_916] : memref<256x4096xi32, #tpu.memory_space<hbm>> -> memref<1x4096xi32, #tpu.memory_space<hbm>>
    %dma_wait3A_918 = tpu.memref_squeeze %dma_wait3A_917 : memref<1x4096xi32, #tpu.memory_space<hbm>> -> memref<4096xi32, #tpu.memory_space<hbm>>
    tpu.wait_dma2 semaphore(%arg38 : memref<!tpu.dma_semaphore, #tpu.memory_space<semaphore_mem>>) src(%arg19 : memref<4096xi32, #tpu.memory_space<vmem>>) dst(%dma_wait3A_918 : memref<4096xi32, #tpu.memory_space<hbm>>)
    %dma_wait3A_919 = arith.constant 0 : i32
    %dma_wait3A_920 = tpu.memref_slice %arg8[%add3A_726, %dma_wait3A_919] : memref<256x4096xi32, #tpu.memory_space<hbm>> -> memref<1x4096xi32, #tpu.memory_space<hbm>>
    %dma_wait3A_921 = tpu.memref_squeeze %dma_wait3A_920 : memref<1x4096xi32, #tpu.memory_space<hbm>> -> memref<4096xi32, #tpu.memory_space<hbm>>
    %dma_wait3A_922 = arith.constant 0 : i32
    %dma_wait3A_923 = tpu.memref_slice %arg8[%add3A_726, %dma_wait3A_922] : memref<256x4096xi32, #tpu.memory_space<hbm>> -> memref<1x4096xi32, #tpu.memory_space<hbm>>
    %dma_wait3A_924 = tpu.memref_squeeze %dma_wait3A_923 : memref<1x4096xi32, #tpu.memory_space<hbm>> -> memref<4096xi32, #tpu.memory_space<hbm>>
    tpu.wait_dma2 semaphore(%arg38 : memref<!tpu.dma_semaphore, #tpu.memory_space<semaphore_mem>>) src(%arg23 : memref<4096xi32, #tpu.memory_space<vmem>>) dst(%dma_wait3A_924 : memref<4096xi32, #tpu.memory_space<hbm>>)
    %dma_wait3A_925 = arith.constant 0 : i32
    %dma_wait3A_926 = tpu.memref_slice %arg7[%add3A_808, %dma_wait3A_925] : memref<256x4096xi32, #tpu.memory_space<hbm>> -> memref<1x4096xi32, #tpu.memory_space<hbm>>
    %dma_wait3A_927 = tpu.memref_squeeze %dma_wait3A_926 : memref<1x4096xi32, #tpu.memory_space<hbm>> -> memref<4096xi32, #tpu.memory_space<hbm>>
    %dma_wait3A_928 = arith.constant 0 : i32
    %dma_wait3A_929 = tpu.memref_slice %arg7[%add3A_808, %dma_wait3A_928] : memref<256x4096xi32, #tpu.memory_space<hbm>> -> memref<1x4096xi32, #tpu.memory_space<hbm>>
    %dma_wait3A_930 = tpu.memref_squeeze %dma_wait3A_929 : memref<1x4096xi32, #tpu.memory_space<hbm>> -> memref<4096xi32, #tpu.memory_space<hbm>>
    tpu.wait_dma2 semaphore(%arg39 : memref<!tpu.dma_semaphore, #tpu.memory_space<semaphore_mem>>) src(%arg20 : memref<4096xi32, #tpu.memory_space<vmem>>) dst(%dma_wait3A_930 : memref<4096xi32, #tpu.memory_space<hbm>>)
    %dma_wait3A_931 = arith.constant 0 : i32
    %dma_wait3A_932 = tpu.memref_slice %arg8[%add3A_808, %dma_wait3A_931] : memref<256x4096xi32, #tpu.memory_space<hbm>> -> memref<1x4096xi32, #tpu.memory_space<hbm>>
    %dma_wait3A_933 = tpu.memref_squeeze %dma_wait3A_932 : memref<1x4096xi32, #tpu.memory_space<hbm>> -> memref<4096xi32, #tpu.memory_space<hbm>>
    %dma_wait3A_934 = arith.constant 0 : i32
    %dma_wait3A_935 = tpu.memref_slice %arg8[%add3A_808, %dma_wait3A_934] : memref<256x4096xi32, #tpu.memory_space<hbm>> -> memref<1x4096xi32, #tpu.memory_space<hbm>>
    %dma_wait3A_936 = tpu.memref_squeeze %dma_wait3A_935 : memref<1x4096xi32, #tpu.memory_space<hbm>> -> memref<4096xi32, #tpu.memory_space<hbm>>
    tpu.wait_dma2 semaphore(%arg39 : memref<!tpu.dma_semaphore, #tpu.memory_space<semaphore_mem>>) src(%arg24 : memref<4096xi32, #tpu.memory_space<vmem>>) dst(%dma_wait3A_936 : memref<4096xi32, #tpu.memory_space<hbm>>)
    return
  }
}

module attributes {stable_mosaic.version = 14 : i64} {
  func.func @body(%arg0: i32, %arg1: memref<32x2048xi32, #tpu.memory_space<vmem>>, %arg2: memref<32x4096xi32, #tpu.memory_space<vmem>>) attributes {dimension_semantics = [#tpu.dimension_semantics<arbitrary>], iteration_bounds = array<i64: 8>, scalar_prefetch = 0 : i64, scratch_operands = 0 : i64, tpu.core_type = #tpu.core_type<tc>, window_params = [{transform_indices = @transform_0, window_bounds = array<i64: 32, 2048>}, {transform_indices = @transform_1, window_bounds = array<i64: 32, 4096>}]} {
    %get3A = arith.constant 0 : index
    %get3A_0 = arith.constant 0 : index
    %get3A_1 = vector.load %arg1[%get3A, %get3A_0] : memref<32x2048xi32, #tpu.memory_space<vmem>>, vector<32x2048xi32>
    %swap3A = arith.constant 0 : index
    %swap3A_2 = arith.constant 0 : index
    %swap3A_3 = vector.load %arg2[%swap3A, %swap3A_2] : memref<32x4096xi32, #tpu.memory_space<vmem>>, vector<32x2048xi32>
    tpu.vector_store %arg2[%swap3A, %swap3A_2], %get3A_1 {strides = array<i32>} : memref<32x4096xi32, #tpu.memory_space<vmem>>, vector<32x2048xi32>,
    %broadcast_in_dim3A = arith.constant 0 : i32
    %broadcast_in_dim3A_4 = vector.broadcast %broadcast_in_dim3A : i32 to vector<32x2048xi32>
    %swap3A_5 = arith.constant 0 : index
    %swap3A_6 = arith.constant 2048 : index
    %swap3A_7 = vector.load %arg2[%swap3A_5, %swap3A_6] : memref<32x4096xi32, #tpu.memory_space<vmem>>, vector<32x2048xi32>
    tpu.vector_store %arg2[%swap3A_5, %swap3A_6], %broadcast_in_dim3A_4 {strides = array<i32>} : memref<32x4096xi32, #tpu.memory_space<vmem>>, vector<32x2048xi32>,
    return
  }
  func.func @transform_0(%arg0: i32) -> (i32, i32) {
    %c0_i32 = arith.constant 0 : i32
    %c0_i32_0 = arith.constant 0 : i32
    return %arg0, %c0_i32 : i32, i32
  }
  func.func @transform_1(%arg0: i32) -> (i32, i32) {
    %c0_i32 = arith.constant 0 : i32
    %c0_i32_0 = arith.constant 0 : i32
    return %arg0, %c0_i32 : i32, i32
  }
}

</mosaic_0001>

<sc_bundles>
// kernel: kernel.4.cloned.1.call-start
scs
__scs_entry_jumppad:
0x0: {  	(pc) =	sbr.rel $0x88, $3  }
0x1: {  	(tag) =	ssettag $0x0;
	lr =	simm.s32 $0x1  }
0x2: {  	[smem:$0x3F9A] =	sst lr;
	_ =	strace $0xD0000000  }
0x3: {  	_ = 	snop  }
0x4: {  	_ = 	snop  }
0x5: {  	_ = 	snop  }
0x6: {  	_ = 	snop  }
0x7: {  	_ = 	snop  }
__scs_overlays_trampoline_lowered:
0x8: {  	[smem:$0x3FA9] =	sst s0  }
0x9: {  	[smem:$0x3FAA] =	sst s1  }
0xa: {  	[smem:$0x3FAB] =	sst s2  }
0xb: {  	[smem:$0x3FAC] =	sst s3  }
0xc: {  	[smem:$0x3FAD] =	sst s4  }
0xd: {  	[smem:$0x3FAE] =	sst s5  }
0xe: {  	[smem:$0x3FAF] =	sst s6  }
0xf: {  	[smem:$0x3FB0] =	sst s7  }
0x10: {  	[smem:$0x3FB1] =	sst s8  }
0x11: {  	[smem:$0x3FB2] =	sst s9;
	s0 =	simm.s32 @!p0 $0x0  }
0x12: {  	s1 =	sld [smem:$0x3F98];
	s0 =	simm.s32 @p0 $0x1  }
0x13: {  	[smem:$0x3FB3] =	sst s0;
	s0 =	simm.s32 @!p1 $0x0  }
0x14: {  	s2 =	sld [smem:$0x3F97];
	s0 =	simm.s32 @p1 $0x1  }
0x15: {  	[smem:$0x3FB4] =	sst s0;
	s0 =	simm.s32 @!p2 $0x0  }
0x16: {  	s3 =	sld [smem:$0x3FDB];
	s0 =	simm.s32 @p2 $0x1  }
0x17: {  	s4 =	simm.s32 $0x1BF5;
	[smem:$0x3FB6] =	sst s0  }
0x18: {  	s0 =	sld [smem:$0x3F99];
	_ =	swait.ge [sflag:s4], $0x0  }
0x19: {  	s7 =	sld [smem:$0x3F9A]  }
0x1a: {  	s8 =	sadd.s32 $0xFFFFE003, lr  }
0x1b: {  	s9 =	sadd.s32 $0xFFFFFEF7, lr;
	s5 =	simm.s32 $0xFFFFFFFF;
	p2 =	slt.u32 s8, $0xFFFFF086  }
0x1c: {  	p1 =	slt.u32 s9, $0xF7A;
	s5 =	simm.s32 @!p2 $0x0  }
0x1d: {  	s5 =	simm.s32 @p1 $0x1;
	p0 =	seq.s32 s7, s2  }
0x1e: {  	s7 =	smul.u32 @!p0 $0xF7A, s2;
	p2 =	seq.s32 @!p0 s5, $0x0  }
0x1f: {  	s9 =	smul.u32 $0xF7A, s1;
	s8 =	simm.s32 @!p0 $0x1BF5;
	p2 =	por !p2, p0  }
0x20: {  	[sflag:s8] =	ssyncset.s32 @!p0 $0xFFFFF086;
	s6 =	sadd.s32 @!p0 s3, s7;
	s7 =	simm.s32 @!p0 $0x108  }
0x21: {  	s3 =	sadd.s32 s3, s9;
	s6 =	sadd.s32 @!p0 $0x88, s6;
	s7 =	simm.s32 @p2 $0x1082  }
0x22: {  	[simem:s7], [sflag:s8] =	dma.local @!p0 [hbm:s6], $0xF7A  }
0x23: {  	s9 =	sor.u32 $0xD0000000, s2;
	s6 =	simm.s32 $0x108;
	_ =	swait.ge @!p0 [sflag:s8], $0x0  }
0x24: {  	s3 =	sadd.s32 $0x88, s3;
	s6 =	simm.s32 @!p1 $0x1082;
	[sflag:s4] =	ssyncset.s32 $0xFFFFF086  }
0x25: {  	[simem:s6], [sflag:s4] =	dma.local [hbm:s3], $0xF7A  }
0x26: {  	[smem:$0x3F9A] =	sst s1;
	(tag) =	ssettag s2;
	_ =	strace s9  }
0x27: {  	s1 =	sld [smem:$0x3FAA]  }
0x28: {  	s2 =	sld [smem:$0x3FAB]  }
0x29: {  	s4 =	sld [smem:$0x3FAD]  }
0x2a: {  	p0 =	seq.s32 s5, $0x0;
	s5 =	sld [smem:$0x3FAE]  }
0x2b: {  	s6 =	sld [smem:$0x3FAF]  }
0x2c: {  	s7 =	sld [smem:$0x3FB0]  }
0x2d: {  	s3 =	simm.s32 $0x108;
	s8 =	sld [smem:$0x3FB1]  }
0x2e: {  	s3 =	simm.s32 @!p0 $0x1082;
	s9 =	sld [smem:$0x3FB2]  }
0x2f: {  	lr =	sadd.s32 s0, s3;
	s0 =	sld [smem:$0x3FA9]  }
0x30: {  	s3 =	sld [smem:$0x3FAC]  }
0x31: {  	[smem:$0x3FB5] =	sst s10  }
0x32: {  	s10 =	sld [smem:$0x3FB3];
	_ =	sdelay $0x3  }
0x33: {  	p0 =	seq.s32 s10, $0x1;
	s10 =	sld [smem:$0x3FB5];
	_ =	sdelay $0x3  }
0x34: {  	[smem:$0x3FB5] =	sst s10  }
0x35: {  	s10 =	sld [smem:$0x3FB4];
	_ =	sdelay $0x3  }
0x36: {  	p1 =	seq.s32 s10, $0x1;
	s10 =	sld [smem:$0x3FB5];
	_ =	sdelay $0x3  }
0x37: {  	[smem:$0x3FB5] =	sst s10  }
0x38: {  	s10 =	sld [smem:$0x3FB6]  }
0x39: {  	_ = 	snop;
	(pc) =	sbr.ind lr, $3  }
0x3a: {  	_ = 	snop  }
0x3b: {  	_ = 	snop  }
0x3c: {  	p2 =	seq.s32 s10, $0x1;
	s10 =	sld [smem:$0x3FB5]  }
0x3d: {  	_ =	shalt  }
0x3e: {  	_ =	shalt  }
0x3f: {  	_ =	shalt  }
0x40: {  	_ =	shalt  }
0x41: {  	_ =	shalt  }
0x42: {  	_ =	shalt  }
0x43: {  	_ =	shalt  }
0x44: {  	_ =	shalt  }
0x45: {  	_ =	shalt  }
0x46: {  	_ =	shalt  }
0x47: {  	_ =	shalt  }
0x48: {  	_ =	shalt  }
0x49: {  	_ =	shalt  }
0x4a: {  	_ =	shalt  }
0x4b: {  	_ =	shalt  }
0x4c: {  	_ =	shalt  }
0x4d: {  	_ =	shalt  }
0x4e: {  	_ =	shalt  }
0x4f: {  	_ =	shalt  }
0x50: {  	_ =	shalt  }
0x51: {  	_ =	shalt  }
0x52: {  	_ =	shalt  }
0x53: {  	_ =	shalt  }
0x54: {  	_ =	shalt  }
0x55: {  	_ =	shalt  }
0x56: {  	_ =	shalt  }
0x57: {  	_ =	shalt  }
0x58: {  	_ =	shalt  }
0x59: {  	_ =	shalt  }
0x5a: {  	_ =	shalt  }
0x5b: {  	_ =	shalt  }
0x5c: {  	_ =	shalt  }
0x5d: {  	_ =	shalt  }
0x5e: {  	_ =	shalt  }
0x5f: {  	_ =	shalt  }
0x60: {  	_ =	shalt  }
0x61: {  	_ =	shalt  }
0x62: {  	_ =	shalt  }
0x63: {  	_ =	shalt  }
0x64: {  	_ =	shalt  }
0x65: {  	_ =	shalt  }
0x66: {  	_ =	shalt  }
0x67: {  	_ =	shalt  }
0x68: {  	_ =	shalt  }
0x69: {  	_ =	shalt  }
0x6a: {  	_ =	shalt  }
0x6b: {  	_ =	shalt  }
0x6c: {  	_ =	shalt  }
0x6d: {  	_ =	shalt  }
0x6e: {  	_ =	shalt  }
0x6f: {  	_ =	shalt  }
0x70: {  	_ =	shalt  }
0x71: {  	_ =	shalt  }
0x72: {  	_ =	shalt  }
0x73: {  	_ =	shalt  }
0x74: {  	_ =	shalt  }
0x75: {  	_ =	shalt  }
0x76: {  	_ =	shalt  }
0x77: {  	_ =	shalt  }
0x78: {  	_ =	shalt  }
0x79: {  	_ =	shalt  }
0x7a: {  	_ =	shalt  }
0x7b: {  	_ =	shalt  }
0x7c: {  	_ =	shalt  }
0x7d: {  	_ =	shalt  }
0x7e: {  	_ =	shalt  }
0x7f: {  	_ =	shalt  }
0x80: {  	_ =	shalt  }
0x81: {  	_ =	shalt  }
0x82: {  	_ =	shalt  }
0x83: {  	_ =	shalt  }
0x84: {  	_ =	shalt  }
0x85: {  	_ =	shalt  }
0x86: {  	_ =	shalt  }
0x87: {  	_ =	shalt  }
.Lfunc_end0:
.L_simem_size_0:
called_computation_lowered:
.L_overlay_start_0:
0x88: {  	s2 =	sld [smem:$0x3FD9]  }
0x89: {  	s3 =	sld [smem:$0x3FFE];
	_ =	sdelay $0x1  }
0x8a: {  	s1 =	srdreg.scid  }
0x8b: {  	s0 =	sand.u32 $0x1, s1  }
0x8c: {  	s15 =	sshll.u32 s0, $0xA;
	s2 =	sadd.s32 s3, s2  }
0x8d: {  	s2 =	sadd.s32 s2, s15  }
0x8e: {  	[smem:$0x3FC1] =	sst s2  }
0x8f: {  	_ = 	snop  }
0x90: {  	s2 =	sld [smem:$0x3FC9]  }
0x91: {  	s16 =	sld [smem:$0x3FC8]  }
0x92: {  	s4 =	sld [smem:$0x3FD0]  }
0x93: {  	s5 =	sld [smem:$0x3FC5]  }
0x94: {  	s6 =	sld [smem:$0x3FC4]  }
0x95: {  	s8 =	simm.s32 $0xA;
	s9 =	simm.s32 $0x10;
	s7 =	sld [smem:$0x3FC3]  }
0x96: {  	[smem:s9], [sflag:s8] =	dma.local [hbm:s4], $0x1  }
0x97: {  	_ =	swait.eq [sflag:s8], $0x1  }
0x98: {  	[sflag:s8] =	ssyncset.done $0x0  }
0x99: {  	s17 =	sld [smem:$0x10];
	[sflag:s8] =	ssyncadd.s32 $0xFFFFFFFF  }
0x9a: {  	s18 =	sld [smem:$0x14];
	(tm) =	ssettm $0x1  }
0x9b: {  	s19 =	sld [smem:$0x3FFB];
	_ =	sdelay $0x3  }
0x9c: {  	_ =	strace s19  }
0x9d: {  	s9 =	sld [smem:$0x3FFC];
	_ =	sdelay $0x3  }
0x9e: {  	_ =	strace s9  }
0x9f: {  	s9 =	sld [smem:$0x3FFD];
	_ =	sdelay $0x3  }
0xa0: {  	_ =	strace s9  }
0xa1: {  	_ =	strace $0x8FFFFFFF  }
0xa2: {  	s20 =	sld [smem:$0x3FDB];
	_ =	sdelay $0x1  }
0xa3: {  	s10 =	simm.s32 $_scs_section_size  }
0xa4: {  	s11 =	simm.s32 $_size__tile_overlayer_lowered;
	s12 =	simm.s32 $_tile_overlayer_lowered  }
0xa5: {  	s23 =	simm.s32 $0x1BFF;
	s22 =	sshll.u32 s12, $0x1;
	s9 =	sadd.s32 s10, s20  }
0xa6: {  	s13 =	simm.s32 $0x0;
	s21 =	sshll.u32 s11, $0x1;
	s11 =	sadd.s32 s22, s9  }
0xa7: {  	[timem:s13], [sflag:s23] =	dma.local [hbm:s11], s21  }
0xa8: {  	_ =	swait.ge [sflag:s23], s21  }
0xa9: {  	s10 =	ssub.s32 $0x0, s21;
	[sflag:s23] =	ssyncset.done $0x0  }
0xaa: {  	[sflag:s23] =	ssyncadd.s32 s10;
	_ =	sdelay $0x1  }
0xab: {  	s24 =	simm.s32 $0x1B8B  }
0xac: {  	_ =	swait.ge [sflag:s24], $0x1  }
0xad: {  	[sflag:s24] =	ssyncset.done $0x0  }
0xae: {  	s25 =	simm.s32 $0x1B8E;
	[sflag:s24] =	ssyncadd.s32 $0xFFFFFFFF  }
0xaf: {  	s26 =	simm.s32 $execute0_lowered;
	[smem:$0x3FD2] =	sst s25  }
0xb0: {  	s10 =	sshll.u32 s26, $0x1;
	_ =	strace $0x80000046;
	[dreg:$0x1] =	wrdreg $0xFFFFFFFF  }
0xb1: {  	s28 =	simm.s32 $_size_execute0_lowered;
	s9 =	sadd.s32 s9, s10;
	[dreg:$0x0] =	wrdreg $0x0  }
0xb2: {  	s10 =	sshll.u32 s28, $0x1;
	[dreg:$0x2] =	wrdreg s9  }
0xb3: {  	[dreg:$0x3] =	wrdreg s10  }
0xb4: {  	[dreg:$0x4] =	wrdreg $0xC0  }
0xb5: {  	_ =	task [dreg:s13], $0x5FFFF  }
0xb6: {  	[dreg:$0x1] =	wrdreg $0xFFFFFFFF  }
0xb7: {  	[dreg:$0x0] =	wrdreg $0x60  }
0xb8: {  	[dreg:$0x2] =	wrdreg s2  }
0xb9: {  	[dreg:$0x3] =	wrdreg s16  }
0xba: {  	[dreg:$0x4] =	wrdreg s5  }
0xbb: {  	[dreg:$0x5] =	wrdreg s6  }
0xbc: {  	[dreg:$0x6] =	wrdreg s7  }
0xbd: {  	[dreg:$0x7] =	wrdreg s17  }
0xbe: {  	[dreg:$0x8] =	wrdreg s18  }
0xbf: {  	[dreg:$0x9] =	wrdreg $0x9  }
0xc0: {  	_ =	task.clear_ibuf [dreg:s13], $0xAFFFF;
	_ =	strace $0x90000046  }
0xc1: {  	s29 =	simm.s32 $0x9;
	_ =	strace $0x80000048  }
0xc2: {  	_ =	swait.ge [sflag:s29], $0x1  }
0xc3: {  	[sflag:s29] =	ssyncadd.s32 $0xFFFFFFFF  }
0xc4: {  	_ =	strace $0x90000048  }
0xc5: {  	_ =	sfence  }
0xc6: {  	s30 =	sld [smem:$0x0];
	_ =	sdelay $0x2  }
0xc7: {  	s31 =	sshll.u32 s1, $0xD;
	s1 =	sshrl.u32 s1, $0x2  }
0xc8: {  	s3 =	sand.u32 $0x4000, s31;
	s1 =	sadd.s32 s1, s30  }
0xc9: {  	s0 =	sor.u32 s3, s0;
	s1 =	sshll.u32 s1, $0x11  }
0xca: {  	s0 =	sor.u32 s1, s0  }
0xcb: {  	s0 =	sadd.s32 $0x8F2B, s0  }
0xcc: {  	[sflag:s0] =	ssyncadd.remote.s32 $0x1  }
0xcd: {  	_ =	sfence.sel $0xFFFF  }
0xce: {  	[dreg:$0x0] =	wrdreg $0xFFFFFFFF;
	(pc) =	sbr.abs _section_cstart, $3  }
0xcf: {  	[dreg:$0x1] =	wrdreg $0xFFFFFFFF  }
0xd0: {  	_ =	task.clear_ibuf [dreg:s13], $0x2FFFF;
	_ =	strace $0x9FFFFFFF  }
0xd1: {  	(tm) =	ssettm $0x7FFFFFFF  }
tec
execute0_lowered:
.L_overlay_start_1:
0x0: {  	(tag) =	ssettag $0x1  }
0x1: {  	s3 =	rddreg [dreg:$0x0]  }
0x2: {  	s4 =	rddreg [dreg:$0x1]  }
0x3: {  	s5 =	rddreg [dreg:$0x2];
	s1 =	srdreg.scid  }
0x4: {  	s6 =	rddreg [dreg:$0x3];
	s9 =	stileid.u32;
	s8 =	sand.u32 $0x1, s1  }
0x5: {  	s7 =	rddreg [dreg:$0x4];
	s9 =	sshll.u32 s9, $0x4;
	s10 =	sshll.u32 s8, $0x3  }
0x6: {  	s0 =	rddreg [dreg:$0x5];
	s9 =	sor.u32 s10, s9  }
0x7: {  	s2 =	rddreg [dreg:$0x6];
	s1 =	simm.s32 $0x0;
	s11 =	sshrl.u32 s9, $0x3  }
0x8: {  	[smem:$0x7FF] =	sst s1;
	s4 =	sadd.s32 s4, s11  }
0x9: {  	s22 =	sshll.u32 s9, $0x8;
	s6 =	sadd.s32 s6, s11;
	[dreg:$0x8] =	wrdreg s4  }
0xa: {  	s24 =	sadd.s32 s3, s22;
	[dreg:$0x9] =	wrdreg s6  }
0xb: {  	s23 =	sor.u32 $0x10, s22;
	s25 =	sadd.s32 s5, s22;
	[dreg:$0xa] =	wrdreg s24  }
0xc: {  	s28 =	sor.u32 $0x20, s22;
	[dreg:$0xb] =	wrdreg s25;
	s26 =	sadd.s32 s3, s23  }
0xd: {  	s6 =	sshll.u32 s9, $0x9;
	s9 =	sadd.s32 s5, s23;
	[dreg:$0xc] =	wrdreg s26  }
0xe: {  	s30 =	sor.u32 $0x30, s22;
	s31 =	sadd.s32 s3, s28;
	[dreg:$0xd] =	wrdreg s9  }
0xf: {  	s11 =	sadd.s32 s3, s30;
	[dreg:$0xe] =	wrdreg s31  }
0x10: {  	s13 =	sor.u32 $0x40, s22;
	s12 =	sadd.s32 s5, s30;
	[dreg:$0x10] =	wrdreg s11  }
0x11: {  	s14 =	sor.u32 $0x50, s22;
	s15 =	sadd.s32 s3, s13;
	[dreg:$0x11] =	wrdreg s12  }
0x12: {  	s16 =	sadd.s32 s3, s14;
	[dreg:$0x12] =	wrdreg s15  }
0x13: {  	s18 =	sor.u32 $0x60, s22;
	s17 =	sadd.s32 s5, s14;
	[dreg:$0x14] =	wrdreg s16  }
0x14: {  	s19 =	sadd.s32 s3, s18;
	[dreg:$0x15] =	wrdreg s17  }
0x15: {  	s4 =	sor.u32 $0x70, s22;
	s9 =	sadd.s32 s5, s28;
	[dreg:$0x16] =	wrdreg s19  }
0x16: {  	s8 =	ssub.s32 $0x2, s8;
	s3 =	sadd.s32 s3, s4;
	[dreg:$0xf] =	wrdreg s9  }
0x17: {  	s21 =	sshrl.u32 s8, $0x1;
	s20 =	sadd.s32 s5, s4;
	[dreg:$0x18] =	wrdreg s3  }
0x18: {  	s8 =	ssub.s32 s8, s21;
	s21 =	sadd.s32 s7, s6;
	[dreg:$0x19] =	wrdreg s20  }
0x19: {  	s16 =	sadd.s32 s0, s6;
	[dreg:$0x1a] =	wrdreg s21  }
0x1a: {  	s22 =	sor.u32 $0x10, s6;
	s9 =	sadd.s32 s5, s13;
	[smem:$0x7ED] =	sst s16  }
0x1b: {  	s24 =	sor.u32 $0x20, s6;
	s23 =	sadd.s32 s7, s22;
	[dreg:$0x13] =	wrdreg s9  }
0x1c: {  	s25 =	sor.u32 $0x30, s6;
	s26 =	sadd.s32 s7, s24;
	[dreg:$0x1b] =	wrdreg s23  }
0x1d: {  	s30 =	sor.u32 $0x40, s6;
	s28 =	sadd.s32 s7, s25;
	[dreg:$0x1c] =	wrdreg s26  }
0x1e: {  	s11 =	sor.u32 $0x50, s6;
	s31 =	sadd.s32 s7, s30;
	[dreg:$0x1d] =	wrdreg s28  }
0x1f: {  	s15 =	sor.u32 $0x70, s6;
	s12 =	sadd.s32 s7, s11;
	[dreg:$0x1e] =	wrdreg s31  }
0x20: {  	s13 =	sor.u32 $0x60, s6;
	s6 =	sadd.s32 s2, s6;
	[dreg:$0x1f] =	wrdreg s12  }
0x21: {  	s29 =	simm.s32 $0x3;
	s17 =	sadd.s32 s0, s22;
	[smem:$0x7EE] =	sst s6  }
0x22: {  	s10 =	simm.s32 $0x7;
	s3 =	sadd.s32 s2, s22;
	[smem:$0x7EF] =	sst s17  }
0x23: {  	s4 =	simm.s32 $0x5;
	s19 =	sadd.s32 s2, s24;
	[smem:$0x7F0] =	sst s3  }
0x24: {  	s20 =	sadd.s32 s0, s25;
	s21 =	sadd.s32 s2, s25;
	[smem:$0x7F2] =	sst s19  }
0x25: {  	s22 =	sadd.s32 s0, s30;
	s25 =	sadd.s32 s2, s11;
	[smem:$0x7F3] =	sst s20  }
0x26: {  	s16 =	simm.s32 $0x400;
	s9 =	sadd.s32 s5, s18;
	[smem:$0x7F4] =	sst s21  }
0x27: {  	s14 =	sadd.s32 s7, s13;
	s7 =	sadd.s32 s7, s15;
	[smem:$0x7F5] =	sst s22  }
0x28: {  	s18 =	sadd.s32 s0, s24;
	s23 =	sadd.s32 s2, s30;
	[smem:$0x7F8] =	sst s25  }
0x29: {  	s24 =	sadd.s32 s0, s11;
	s26 =	sadd.s32 s0, s13;
	[dreg:$0x17] =	wrdreg s9  }
0x2a: {  	s28 =	sadd.s32 s2, s13;
	s0 =	sadd.s32 s0, s15;
	[smem:$0x7EB] =	sst s14  }
0x2b: {  	s30 =	sadd.s32 s2, s15;
	s31 =	smax.u32 s8, $0x1;
	[smem:$0x7EC] =	sst s7  }
0x2c: {  	s15 =	simm.s32 $0x80;
	s17 =	simm.s32 $0x2000;
	[smem:$0x7F1] =	sst s18  }
0x2d: {  	s19 =	simm.s32 $0x6000;
	s20 =	simm.s32 $0x8000;
	[smem:$0x7F6] =	sst s23  }
0x2e: {  	s21 =	simm.s32 $0xA000;
	s22 =	simm.s32 $0xC000;
	[smem:$0x7F7] =	sst s24  }
0x2f: {  	s25 =	simm.s32 $0x2;
	s5 =	simm.s32 $0x13000;
	[smem:$0x7F9] =	sst s26  }
0x30: {  	s6 =	simm.s32 $0x17000;
	s8 =	simm.s32 $0x6;
	[smem:$0x7FA] =	sst s28  }
0x31: {  	s11 =	simm.s32 $0xC;
	s12 =	simm.s32 $0x8;
	[smem:$0x7FB] =	sst s0  }
0x32: {  	s13 =	simm.s32 $0xD;
	[smem:$0x7FC] =	sst s30;
	s18 =	simm.s32 $0x4000  }
0x33: {  	s23 =	simm.s32 $0xE000;
	s24 =	simm.s32 $0x1;
	s0 =	simm.s32 $0x4  }
0x34: {  	v0 =	vlaneseq.u32;
	s7 =	simm.s32 $0xA;
	s9 =	simm.s32 $0xB;
	s14 =	simm.s32 $0x9  }
0x35: {  	v1 =	vor.u32 $0x1000, v0;
	s26 =	simm.s32 $0x0;
	_ =	strace $0x80000047;
	[smem:$0x7FD] =	sst s31  }
.LBB2_1:
0x36: {  	s2 =	rddreg [dreg:$0x8];
	s3 =	simm.s32 $0x18000  }
0x37: {  	[tilespmem:s3], [sflag:$0x1] =	stream.linear.gather [hbm4b:s2+s1], $0x8, $0x38;
	[tilespmem:$0x18100] =	vst v63  }
0x38: {  	s2 =	rddreg [dreg:$0x9];
	s3 =	simm.s32 $0x18080  }
0x39: {  	[tilespmem:s3], [sflag:$0x1] =	stream.linear.gather [hbm4b:s2+s1], $0x8, $0x38;
	[tilespmem:$0x18100] =	vst v63  }
0x3a: {  	s3 =	rddreg [dreg:$0x1a]  }
0x3b: {  	[tilespmem:s1], [sflag:$0x2] =	stream.strided.gather [hbm4b:s3+s15], $0x1000, s16, s15, $0x38;
	[tilespmem:$0x18100] =	vst v63  }
0x3c: {  	s2 =	rddreg [dreg:$0xa];
	s3 =	simm.s32 $0x1000  }
0x3d: {  	[tilespmem:s3], [sflag:$0x2] =	stream.strided.gather [hbm4b:s2+s15], $0x800, s16, s15, $0x38;
	[tilespmem:$0x18100] =	vst v63  }
0x3e: {  	s2 =	rddreg [dreg:$0xb];
	s3 =	simm.s32 $0x1800  }
0x3f: {  	[tilespmem:s3], [sflag:$0x2] =	stream.strided.gather [hbm4b:s2+s15], $0x800, s16, s15, $0x38;
	[tilespmem:$0x18100] =	vst v63  }
0x40: {  	s3 =	rddreg [dreg:$0x1b]  }
0x41: {  	[tilespmem:s17], [sflag:$0x3] =	stream.strided.gather [hbm4b:s3+s15], $0x1000, s16, s15, $0x38;
	[tilespmem:$0x18100] =	vst v63  }
0x42: {  	s2 =	rddreg [dreg:$0xc];
	s3 =	simm.s32 $0x3000  }
0x43: {  	[tilespmem:s3], [sflag:$0x3] =	stream.strided.gather [hbm4b:s2+s15], $0x800, s16, s15, $0x38;
	[tilespmem:$0x18100] =	vst v63  }
0x44: {  	s2 =	rddreg [dreg:$0xd];
	s3 =	simm.s32 $0x3800  }
0x45: {  	[tilespmem:s3], [sflag:$0x3] =	stream.strided.gather [hbm4b:s2+s15], $0x800, s16, s15, $0x38;
	[tilespmem:$0x18100] =	vst v63  }
0x46: {  	s3 =	rddreg [dreg:$0x1c]  }
0x47: {  	[tilespmem:s18], [sflag:$0x4] =	stream.strided.gather [hbm4b:s3+s15], $0x1000, s16, s15, $0x38;
	[tilespmem:$0x18100] =	vst v63  }
0x48: {  	s2 =	rddreg [dreg:$0xe];
	s3 =	simm.s32 $0x5000  }
0x49: {  	[tilespmem:s3], [sflag:$0x4] =	stream.strided.gather [hbm4b:s2+s15], $0x800, s16, s15, $0x38;
	[tilespmem:$0x18100] =	vst v63  }
0x4a: {  	s2 =	rddreg [dreg:$0xf];
	s3 =	simm.s32 $0x5800  }
0x4b: {  	[tilespmem:s3], [sflag:$0x4] =	stream.strided.gather [hbm4b:s2+s15], $0x800, s16, s15, $0x38;
	[tilespmem:$0x18100] =	vst v63  }
0x4c: {  	s3 =	rddreg [dreg:$0x1d]  }
0x4d: {  	[tilespmem:s19], [sflag:$0x5] =	stream.strided.gather [hbm4b:s3+s15], $0x1000, s16, s15, $0x38;
	[tilespmem:$0x18100] =	vst v63  }
0x4e: {  	s2 =	rddreg [dreg:$0x10];
	s3 =	simm.s32 $0x7000  }
0x4f: {  	[tilespmem:s3], [sflag:$0x5] =	stream.strided.gather [hbm4b:s2+s15], $0x800, s16, s15, $0x38;
	[tilespmem:$0x18100] =	vst v63  }
0x50: {  	s2 =	rddreg [dreg:$0x11];
	s3 =	simm.s32 $0x7800  }
0x51: {  	[tilespmem:s3], [sflag:$0x5] =	stream.strided.gather [hbm4b:s2+s15], $0x800, s16, s15, $0x38;
	[tilespmem:$0x18100] =	vst v63  }
0x52: {  	s3 =	rddreg [dreg:$0x1e]  }
0x53: {  	[tilespmem:s20], [sflag:$0x6] =	stream.strided.gather [hbm4b:s3+s15], $0x1000, s16, s15, $0x38;
	[tilespmem:$0x18100] =	vst v63  }
0x54: {  	s2 =	rddreg [dreg:$0x12];
	s3 =	simm.s32 $0x9000  }
0x55: {  	[tilespmem:s3], [sflag:$0x6] =	stream.strided.gather [hbm4b:s2+s15], $0x800, s16, s15, $0x38;
	[tilespmem:$0x18100] =	vst v63  }
0x56: {  	s2 =	rddreg [dreg:$0x13];
	s3 =	simm.s32 $0x9800  }
0x57: {  	[tilespmem:s3], [sflag:$0x6] =	stream.strided.gather [hbm4b:s2+s15], $0x800, s16, s15, $0x38;
	[tilespmem:$0x18100] =	vst v63  }
0x58: {  	s3 =	rddreg [dreg:$0x1f]  }
0x59: {  	[tilespmem:s21], [sflag:$0x7] =	stream.strided.gather [hbm4b:s3+s15], $0x1000, s16, s15, $0x38;
	[tilespmem:$0x18100] =	vst v63  }
0x5a: {  	s2 =	rddreg [dreg:$0x14];
	s3 =	simm.s32 $0xB000  }
0x5b: {  	[tilespmem:s3], [sflag:$0x7] =	stream.strided.gather [hbm4b:s2+s15], $0x800, s16, s15, $0x38;
	[tilespmem:$0x18100] =	vst v63  }
0x5c: {  	s2 =	rddreg [dreg:$0x15];
	s3 =	simm.s32 $0xB800  }
0x5d: {  	[tilespmem:s3], [sflag:$0x7] =	stream.strided.gather [hbm4b:s2+s15], $0x800, s16, s15, $0x38;
	[tilespmem:$0x18100] =	vst v63  }
0x5e: {  	s3 =	sld [smem:$0x7EB];
	_ =	sdelay $0x2  }
0x5f: {  	[tilespmem:s22], [sflag:$0x8] =	stream.strided.gather [hbm4b:s3+s15], $0x1000, s16, s15, $0x38;
	[tilespmem:$0x18100] =	vst v63  }
0x60: {  	s2 =	rddreg [dreg:$0x16];
	s3 =	simm.s32 $0xD000  }
0x61: {  	[tilespmem:s3], [sflag:$0x8] =	stream.strided.gather [hbm4b:s2+s15], $0x800, s16, s15, $0x38;
	[tilespmem:$0x18100] =	vst v63  }
0x62: {  	s2 =	rddreg [dreg:$0x17];
	s3 =	simm.s32 $0xD800  }
0x63: {  	[tilespmem:s3], [sflag:$0x8] =	stream.strided.gather [hbm4b:s2+s15], $0x800, s16, s15, $0x38;
	[tilespmem:$0x18100] =	vst v63  }
0x64: {  	s3 =	sld [smem:$0x7EC];
	_ =	sdelay $0x2  }
0x65: {  	[tilespmem:s23], [sflag:$0x9] =	stream.strided.gather [hbm4b:s3+s15], $0x1000, s16, s15, $0x38;
	[tilespmem:$0x18100] =	vst v63  }
0x66: {  	s2 =	rddreg [dreg:$0x18];
	s3 =	simm.s32 $0xF000  }
0x67: {  	[tilespmem:s3], [sflag:$0x9] =	stream.strided.gather [hbm4b:s2+s15], $0x800, s16, s15, $0x38;
	[tilespmem:$0x18100] =	vst v63  }
0x68: {  	s2 =	rddreg [dreg:$0x19];
	s3 =	simm.s32 $0xF800  }
0x69: {  	[tilespmem:s3], [sflag:$0x9] =	stream.strided.gather [hbm4b:s2+s15], $0x800, s16, s15, $0x38;
	[tilespmem:$0x18100] =	vst v63  }
0x6a: {  	_ =	swait.ge [sflag:s24], $0x8  }
0x6b: {  	[sflag:s24] =	ssyncset.done $0x0  }
0x6c: {  	[sflag:s24] =	ssyncadd.s32 $0xFFFFFFF8  }
0x6d: {  	_ =	swait.ge [sflag:s24], $0x8  }
0x6e: {  	[sflag:s24] =	ssyncset.done $0x0  }
0x6f: {  	[sflag:s24] =	ssyncadd.s32 $0xFFFFFFF8  }
0x70: {  	v3 =	vld [tilespmem:$0x18000];
	_ =	sdelay $0x3  }
0x71: {  	v2 =	vld [tilespmem:$0x18080];
	_ =	swait.ge [sflag:s25], $0x1000  }
0x72: {  	[sflag:s25] =	ssyncset.done $0x0;
	v5 =	vbroadcast v3, $0x0  }
0x73: {  	[sflag:s25] =	ssyncadd.s32 $0xFFFFF000  }
0x74: {  	s28 =	simm.s32 $0x0;
	_ =	swait.ge [sflag:s25], $0x800;
	v4 =	vadd.s32 v0, v5  }
0x75: {  	[sflag:s25] =	ssyncset.done $0x0;
	v6 =	vadd.s32 s28, v4  }
0x76: {  	[sflag:s25] =	ssyncadd.s32 $0xFFFFF800  }
0x77: {  	_ =	swait.ge [sflag:s25], $0x800  }
0x78: {  	[sflag:s25] =	ssyncset.done $0x0  }
0x79: {  	[sflag:s25] =	ssyncadd.s32 $0xFFFFF800  }
0x7a: {  	s28 =	simm.s32 $0x10;
	v6 =	vld.idx.msk [tilespmem:v6+s1+$0x0], $0xffff  }
0x7b: {  	v7 =	vadd.s32 s28, v4;
	_ =	sdelay $0x2  }
0x7c: {  	s28 =	simm.s32 $0x10010  }
0x7d: {  	[tilespmem:s28+$0xFFFFFFF0] =	vst v6  }
0x7e: {  	s30 =	simm.s32 $0x0;
	s31 =	simm.s32 $0x30;
	v6 =	vld.idx.msk [tilespmem:v7+s1+$0x0], $0xffff  }
.LBB2_2:
0x7f: {  	s2 =	sadd.s32 $0xFFFFFFF0, s31;
	s30 =	sadd.s32 $0x2, s30  }
0x80: {  	v7 =	vadd.s32 s2, v4;
	p0 =	slt.u32 s30, $0xFE;
	_ =	sdelay $0x3  }
0x81: {  	[tilespmem:s28+$0x0] =	vst v6  }
0x82: {  	v6 =	vld.idx.msk [tilespmem:v7+s1+$0x0], $0xffff;
	_ =	sdelay $0x1  }
0x83: {  	v7 =	vadd.s32 s31, v4  }
.Ltmp0:
0x84: {  	(pc) =	sbr.rel @p0 .LBB2_2-.Ltmp0, $4  }
0x85: {  	_ = 	snop  }
0x86: {  	s28 =	sadd.s32 $0x20, s28  }
0x87: {  	[tilespmem:s28+$0xFFFFFFF0] =	vst v6  }
0x88: {  	s31 =	sadd.s32 $0x20, s31;
	v6 =	vld.idx.msk [tilespmem:v7+s1+$0x0], $0xffff  }
0x89: {  	_ =	sdelay $0x2  }
0x8a: {  	s2 =	simm.s32 $0x0  }
0x8b: {  	v5 =	vadd.s32 v1, v5;
	[tilespmem:s28+$0x0] =	vst v6;
	s28 =	sand.u32 $0x7E0, s2  }
0x8c: {  	v7 =	vadd.s32 s2, v5;
	v6 =	vld [tilespmem:s28+$0x1800];
	_ =	sdelay $0x4  }
0x8d: {  	s3 =	simm.s32 $0x10;
	s28 =	simm.s32 $0x1810;
	[tilespmem:v7+s1+$0x0] =	vst.idx.msk $0xffff, v6  }
0x8e: {  	v7 =	vadd.s32 s3, v5;
	v6 =	vld [tilespmem:s28+$0x0];
	_ =	sdelay $0x2  }
0x8f: {  	s30 =	simm.s32 $0x0;
	s31 =	simm.s32 $0x30  }
.LBB2_4:
0x90: {  	s2 =	sadd.s32 $0xFFFFFFF0, s31;
	s30 =	sadd.s32 $0x2, s30  }
0x91: {  	s3 =	sand.u32 $0x7E0, s2;
	p0 =	slt.u32 s30, $0x7E;
	[tilespmem:v7+s1+$0x0] =	vst.idx.msk $0xffff, v6  }
0x92: {  	v7 =	vadd.s32 s2, v5;
	v6 =	vld [tilespmem:s3+$0x1800];
	_ =	sdelay $0x4  }
.Ltmp1:
0x93: {  	s28 =	sadd.s32 $0x20, s28;
	[tilespmem:v7+s1+$0x0] =	vst.idx.msk $0xffff, v6;
	(pc) =	sbr.rel @p0 .LBB2_4-.Ltmp1, $2  }
0x94: {  	v7 =	vadd.s32 s31, v5;
	v6 =	vld [tilespmem:s28+$0x0];
	_ =	sdelay $0x2  }
0x95: {  	s31 =	sadd.s32 $0x20, s31  }
0x96: {  	v5 =	vbroadcast v2, $0x0;
	_ =	sdelay $0x1  }
0x97: {  	s2 =	simm.s32 $0x0;
	v4 =	vadd.s32 v5, v4  }
0x98: {  	v5 =	vadd.s32 s2, v4;
	_ =	sdelay $0x3  }
0x99: {  	[tilespmem:v7+s1+$0x0] =	vst.idx.msk $0xffff, v6  }
0x9a: {  	s3 =	simm.s32 $0x10;
	v5 =	vld.idx.msk [tilespmem:v5+s1+$0x0], $0xffff  }
0x9b: {  	v6 =	vadd.s32 s3, v4;
	_ =	sdelay $0x2  }
0x9c: {  	s28 =	simm.s32 $0x14010  }
0x9d: {  	[tilespmem:s28+$0xFFFFFFF0] =	vst v5  }
0x9e: {  	s30 =	simm.s32 $0x0;
	s31 =	simm.s32 $0x30;
	v5 =	vld.idx.msk [tilespmem:v6+s1+$0x0], $0xffff  }
.LBB2_6:
0x9f: {  	s2 =	sadd.s32 $0xFFFFFFF0, s31;
	s30 =	sadd.s32 $0x2, s30  }
0xa0: {  	v6 =	vadd.s32 s2, v4;
	p0 =	slt.u32 s30, $0xFE;
	_ =	sdelay $0x3  }
0xa1: {  	[tilespmem:s28+$0x0] =	vst v5  }
0xa2: {  	v5 =	vld.idx.msk [tilespmem:v6+s1+$0x0], $0xffff;
	_ =	sdelay $0x1  }
0xa3: {  	v6 =	vadd.s32 s31, v4  }
.Ltmp2:
0xa4: {  	(pc) =	sbr.rel @p0 .LBB2_6-.Ltmp2, $4  }
0xa5: {  	_ = 	snop  }
0xa6: {  	s28 =	sadd.s32 $0x20, s28  }
0xa7: {  	[tilespmem:s28+$0xFFFFFFF0] =	vst v5  }
0xa8: {  	s31 =	sadd.s32 $0x20, s31;
	v5 =	vld.idx.msk [tilespmem:v6+s1+$0x0], $0xffff  }
0xa9: {  	_ =	sdelay $0x1  }
0xaa: {  	s2 =	sld [smem:$0x7ED];
	_ =	sdelay $0x1  }
0xab: {  	s3 =	simm.s32 $0x10000;
	[tilespmem:s28+$0x0] =	vst v5  }
0xac: {  	[hbm4b:s2+s15] =	stream.strided.scatter [tilespmem:s3], [sflag:$0xA], $0x1000, s16, s15, $0x38;
	[tilespmem:$0x18100] =	vst v63  }
0xad: {  	s2 =	sld [smem:$0x7EE];
	_ =	sdelay $0x1  }
0xae: {  	s3 =	simm.s32 $0x14000  }
0xaf: {  	[hbm4b:s2+s15] =	stream.strided.scatter [tilespmem:s3], [sflag:$0xA], $0x1000, s16, s15, $0x38;
	[tilespmem:$0x18100] =	vst v63  }
0xb0: {  	_ =	swait.ge [sflag:s29], $0x1000  }
0xb1: {  	v5 =	vbroadcast v3, $0x1;
	[sflag:s29] =	ssyncset.done $0x0  }
0xb2: {  	[sflag:s29] =	ssyncadd.s32 $0xFFFFF000  }
0xb3: {  	v4 =	vadd.s32 v0, v5;
	s3 =	simm.s32 $0x0;
	_ =	swait.ge [sflag:s29], $0x800  }
0xb4: {  	v6 =	vadd.s32 s3, v4;
	[sflag:s29] =	ssyncset.done $0x0  }
0xb5: {  	[sflag:s29] =	ssyncadd.s32 $0xFFFFF800  }
0xb6: {  	_ =	swait.ge [sflag:s29], $0x800  }
0xb7: {  	[sflag:s29] =	ssyncset.done $0x0  }
0xb8: {  	[sflag:s29] =	ssyncadd.s32 $0xFFFFF800  }
0xb9: {  	s3 =	simm.s32 $0x10;
	v6 =	vld.idx.msk [tilespmem:v6+s17+$0x0], $0xffff  }
0xba: {  	v7 =	vadd.s32 s3, v4;
	_ =	sdelay $0x2  }
0xbb: {  	s28 =	simm.s32 $0x11010  }
0xbc: {  	[tilespmem:s28+$0xFFFFFFF0] =	vst v6  }
0xbd: {  	s30 =	simm.s32 $0x0;
	s31 =	simm.s32 $0x30;
	v6 =	vld.idx.msk [tilespmem:v7+s17+$0x0], $0xffff  }
.LBB2_8:
0xbe: {  	s2 =	sadd.s32 $0xFFFFFFF0, s31;
	s30 =	sadd.s32 $0x2, s30  }
0xbf: {  	v7 =	vadd.s32 s2, v4;
	p0 =	slt.u32 s30, $0xFE;
	_ =	sdelay $0x3  }
0xc0: {  	[tilespmem:s28+$0x0] =	vst v6  }
0xc1: {  	v6 =	vld.idx.msk [tilespmem:v7+s17+$0x0], $0xffff;
	_ =	sdelay $0x1  }
0xc2: {  	v7 =	vadd.s32 s31, v4  }
.Ltmp3:
0xc3: {  	(pc) =	sbr.rel @p0 .LBB2_8-.Ltmp3, $4  }
0xc4: {  	_ = 	snop  }
0xc5: {  	s28 =	sadd.s32 $0x20, s28  }
0xc6: {  	[tilespmem:s28+$0xFFFFFFF0] =	vst v6  }
0xc7: {  	s31 =	sadd.s32 $0x20, s31;
	v6 =	vld.idx.msk [tilespmem:v7+s17+$0x0], $0xffff  }
0xc8: {  	_ =	sdelay $0x2  }
0xc9: {  	s2 =	simm.s32 $0x0  }
0xca: {  	v5 =	vadd.s32 v1, v5;
	s3 =	sand.u32 $0x7E0, s2;
	[tilespmem:s28+$0x0] =	vst v6  }
0xcb: {  	v7 =	vadd.s32 s2, v5;
	v6 =	vld [tilespmem:s3+$0x3800];
	_ =	sdelay $0x4  }
0xcc: {  	s28 =	simm.s32 $0x3810;
	s3 =	simm.s32 $0x10;
	[tilespmem:v7+s17+$0x0] =	vst.idx.msk $0xffff, v6  }
0xcd: {  	v7 =	vadd.s32 s3, v5;
	v6 =	vld [tilespmem:s28+$0x0];
	_ =	sdelay $0x2  }
0xce: {  	s30 =	simm.s32 $0x0;
	s31 =	simm.s32 $0x30  }
.LBB2_10:
0xcf: {  	s2 =	sadd.s32 $0xFFFFFFF0, s31;
	s30 =	sadd.s32 $0x2, s30  }
0xd0: {  	s3 =	sand.u32 $0x7E0, s2;
	p0 =	slt.u32 s30, $0x7E;
	[tilespmem:v7+s17+$0x0] =	vst.idx.msk $0xffff, v6  }
0xd1: {  	v7 =	vadd.s32 s2, v5;
	v6 =	vld [tilespmem:s3+$0x3800];
	_ =	sdelay $0x4  }
.Ltmp4:
0xd2: {  	s28 =	sadd.s32 $0x20, s28;
	[tilespmem:v7+s17+$0x0] =	vst.idx.msk $0xffff, v6;
	(pc) =	sbr.rel @p0 .LBB2_10-.Ltmp4, $2  }
0xd3: {  	v7 =	vadd.s32 s31, v5;
	v6 =	vld [tilespmem:s28+$0x0];
	_ =	sdelay $0x2  }
0xd4: {  	s31 =	sadd.s32 $0x20, s31  }
0xd5: {  	v5 =	vbroadcast v2, $0x1;
	_ =	sdelay $0x1  }
0xd6: {  	s2 =	simm.s32 $0x0;
	v4 =	vadd.s32 v5, v4  }
0xd7: {  	v5 =	vadd.s32 s2, v4;
	_ =	sdelay $0x3  }
0xd8: {  	[tilespmem:v7+s17+$0x0] =	vst.idx.msk $0xffff, v6  }
0xd9: {  	s3 =	simm.s32 $0x10;
	v5 =	vld.idx.msk [tilespmem:v5+s17+$0x0], $0xffff  }
0xda: {  	v6 =	vadd.s32 s3, v4;
	_ =	sdelay $0x2  }
0xdb: {  	s28 =	simm.s32 $0x15010  }
0xdc: {  	[tilespmem:s28+$0xFFFFFFF0] =	vst v5  }
0xdd: {  	s30 =	simm.s32 $0x0;
	s31 =	simm.s32 $0x30;
	v5 =	vld.idx.msk [tilespmem:v6+s17+$0x0], $0xffff  }
.LBB2_12:
0xde: {  	s2 =	sadd.s32 $0xFFFFFFF0, s31;
	s30 =	sadd.s32 $0x2, s30  }
0xdf: {  	v6 =	vadd.s32 s2, v4;
	p0 =	slt.u32 s30, $0xFE;
	_ =	sdelay $0x3  }
0xe0: {  	[tilespmem:s28+$0x0] =	vst v5  }
0xe1: {  	v5 =	vld.idx.msk [tilespmem:v6+s17+$0x0], $0xffff;
	_ =	sdelay $0x1  }
0xe2: {  	v6 =	vadd.s32 s31, v4  }
.Ltmp5:
0xe3: {  	(pc) =	sbr.rel @p0 .LBB2_12-.Ltmp5, $4  }
0xe4: {  	_ = 	snop  }
0xe5: {  	s28 =	sadd.s32 $0x20, s28  }
0xe6: {  	[tilespmem:s28+$0xFFFFFFF0] =	vst v5  }
0xe7: {  	s31 =	sadd.s32 $0x20, s31;
	v5 =	vld.idx.msk [tilespmem:v6+s17+$0x0], $0xffff  }
0xe8: {  	_ =	sdelay $0x1  }
0xe9: {  	s2 =	sld [smem:$0x7EF];
	_ =	sdelay $0x1  }
0xea: {  	s3 =	simm.s32 $0x11000;
	[tilespmem:s28+$0x0] =	vst v5  }
0xeb: {  	[hbm4b:s2+s15] =	stream.strided.scatter [tilespmem:s3], [sflag:$0xB], $0x1000, s16, s15, $0x38;
	[tilespmem:$0x18100] =	vst v63  }
0xec: {  	s2 =	sld [smem:$0x7F0];
	_ =	sdelay $0x1  }
0xed: {  	s3 =	simm.s32 $0x15000  }
0xee: {  	[hbm4b:s2+s15] =	stream.strided.scatter [tilespmem:s3], [sflag:$0xB], $0x1000, s16, s15, $0x38;
	[tilespmem:$0x18100] =	vst v63  }
0xef: {  	_ =	swait.ge [sflag:s0], $0x1000  }
0xf0: {  	v5 =	vbroadcast v3, $0x2;
	[sflag:s0] =	ssyncset.done $0x0  }
0xf1: {  	[sflag:s0] =	ssyncadd.s32 $0xFFFFF000  }
0xf2: {  	v4 =	vadd.s32 v0, v5;
	s3 =	simm.s32 $0x0;
	_ =	swait.ge [sflag:s0], $0x800  }
0xf3: {  	v6 =	vadd.s32 s3, v4;
	[sflag:s0] =	ssyncset.done $0x0  }
0xf4: {  	[sflag:s0] =	ssyncadd.s32 $0xFFFFF800  }
0xf5: {  	_ =	swait.ge [sflag:s0], $0x800  }
0xf6: {  	[sflag:s0] =	ssyncset.done $0x0  }
0xf7: {  	[sflag:s0] =	ssyncadd.s32 $0xFFFFF800  }
0xf8: {  	s3 =	simm.s32 $0x10;
	v6 =	vld.idx.msk [tilespmem:v6+s18+$0x0], $0xffff  }
0xf9: {  	v7 =	vadd.s32 s3, v4;
	_ =	sdelay $0x2  }
0xfa: {  	s28 =	simm.s32 $0x12010  }
0xfb: {  	[tilespmem:s28+$0xFFFFFFF0] =	vst v6  }
0xfc: {  	s30 =	simm.s32 $0x0;
	s31 =	simm.s32 $0x30;
	v6 =	vld.idx.msk [tilespmem:v7+s18+$0x0], $0xffff  }
.LBB2_14:
0xfd: {  	s2 =	sadd.s32 $0xFFFFFFF0, s31;
	s30 =	sadd.s32 $0x2, s30  }
0xfe: {  	v7 =	vadd.s32 s2, v4;
	p0 =	slt.u32 s30, $0xFE;
	_ =	sdelay $0x3  }
0xff: {  	[tilespmem:s28+$0x0] =	vst v6  }
0x100: {  	v6 =	vld.idx.msk [tilespmem:v7+s18+$0x0], $0xffff;
	_ =	sdelay $0x1  }
0x101: {  	v7 =	vadd.s32 s31, v4  }
.Ltmp6:
0x102: {  	(pc) =	sbr.rel @p0 .LBB2_14-.Ltmp6, $4  }
0x103: {  	_ = 	snop  }
0x104: {  	s28 =	sadd.s32 $0x20, s28  }
0x105: {  	[tilespmem:s28+$0xFFFFFFF0] =	vst v6  }
0x106: {  	s31 =	sadd.s32 $0x20, s31;
	v6 =	vld.idx.msk [tilespmem:v7+s18+$0x0], $0xffff  }
0x107: {  	_ =	sdelay $0x2  }
0x108: {  	s2 =	simm.s32 $0x0  }
0x109: {  	v5 =	vadd.s32 v1, v5;
	s3 =	sand.u32 $0x7E0, s2;
	[tilespmem:s28+$0x0] =	vst v6  }
0x10a: {  	v7 =	vadd.s32 s2, v5;
	v6 =	vld [tilespmem:s3+$0x5800];
	_ =	sdelay $0x4  }
0x10b: {  	s28 =	simm.s32 $0x5810;
	s3 =	simm.s32 $0x10;
	[tilespmem:v7+s18+$0x0] =	vst.idx.msk $0xffff, v6  }
0x10c: {  	v7 =	vadd.s32 s3, v5;
	v6 =	vld [tilespmem:s28+$0x0];
	_ =	sdelay $0x2  }
0x10d: {  	s30 =	simm.s32 $0x0;
	s31 =	simm.s32 $0x30  }
.LBB2_16:
0x10e: {  	s2 =	sadd.s32 $0xFFFFFFF0, s31;
	s30 =	sadd.s32 $0x2, s30  }
0x10f: {  	s3 =	sand.u32 $0x7E0, s2;
	p0 =	slt.u32 s30, $0x7E;
	[tilespmem:v7+s18+$0x0] =	vst.idx.msk $0xffff, v6  }
0x110: {  	v7 =	vadd.s32 s2, v5;
	v6 =	vld [tilespmem:s3+$0x5800];
	_ =	sdelay $0x4  }
.Ltmp7:
0x111: {  	s28 =	sadd.s32 $0x20, s28;
	[tilespmem:v7+s18+$0x0] =	vst.idx.msk $0xffff, v6;
	(pc) =	sbr.rel @p0 .LBB2_16-.Ltmp7, $2  }
0x112: {  	v7 =	vadd.s32 s31, v5;
	v6 =	vld [tilespmem:s28+$0x0];
	_ =	sdelay $0x2  }
0x113: {  	s31 =	sadd.s32 $0x20, s31  }
0x114: {  	v5 =	vbroadcast v2, $0x2;
	_ =	sdelay $0x1  }
0x115: {  	s2 =	simm.s32 $0x0;
	v4 =	vadd.s32 v5, v4  }
0x116: {  	v5 =	vadd.s32 s2, v4;
	_ =	sdelay $0x3  }
0x117: {  	[tilespmem:v7+s18+$0x0] =	vst.idx.msk $0xffff, v6  }
0x118: {  	s3 =	simm.s32 $0x10;
	v5 =	vld.idx.msk [tilespmem:v5+s18+$0x0], $0xffff  }
0x119: {  	v6 =	vadd.s32 s3, v4;
	_ =	sdelay $0x2  }
0x11a: {  	s28 =	simm.s32 $0x16010  }
0x11b: {  	[tilespmem:s28+$0xFFFFFFF0] =	vst v5  }
0x11c: {  	s30 =	simm.s32 $0x0;
	s31 =	simm.s32 $0x30;
	v5 =	vld.idx.msk [tilespmem:v6+s18+$0x0], $0xffff  }
.LBB2_18:
0x11d: {  	s2 =	sadd.s32 $0xFFFFFFF0, s31;
	s30 =	sadd.s32 $0x2, s30  }
0x11e: {  	v6 =	vadd.s32 s2, v4;
	p0 =	slt.u32 s30, $0xFE;
	_ =	sdelay $0x3  }
0x11f: {  	[tilespmem:s28+$0x0] =	vst v5  }
0x120: {  	v5 =	vld.idx.msk [tilespmem:v6+s18+$0x0], $0xffff;
	_ =	sdelay $0x1  }
0x121: {  	v6 =	vadd.s32 s31, v4  }
.Ltmp8:
0x122: {  	(pc) =	sbr.rel @p0 .LBB2_18-.Ltmp8, $4  }
0x123: {  	_ = 	snop  }
0x124: {  	s28 =	sadd.s32 $0x20, s28  }
0x125: {  	[tilespmem:s28+$0xFFFFFFF0] =	vst v5  }
0x126: {  	s31 =	sadd.s32 $0x20, s31;
	v5 =	vld.idx.msk [tilespmem:v6+s18+$0x0], $0xffff  }
0x127: {  	_ =	sdelay $0x1  }
0x128: {  	s2 =	sld [smem:$0x7F1];
	_ =	sdelay $0x1  }
0x129: {  	s3 =	simm.s32 $0x12000;
	[tilespmem:s28+$0x0] =	vst v5  }
0x12a: {  	[hbm4b:s2+s15] =	stream.strided.scatter [tilespmem:s3], [sflag:$0xC], $0x1000, s16, s15, $0x38;
	[tilespmem:$0x18100] =	vst v63  }
0x12b: {  	s2 =	sld [smem:$0x7F2];
	_ =	sdelay $0x1  }
0x12c: {  	s3 =	simm.s32 $0x16000  }
0x12d: {  	[hbm4b:s2+s15] =	stream.strided.scatter [tilespmem:s3], [sflag:$0xC], $0x1000, s16, s15, $0x38;
	[tilespmem:$0x18100] =	vst v63  }
0x12e: {  	_ =	swait.ge [sflag:s4], $0x1000  }
0x12f: {  	v5 =	vbroadcast v3, $0x3;
	[sflag:s4] =	ssyncset.done $0x0  }
0x130: {  	[sflag:s4] =	ssyncadd.s32 $0xFFFFF000  }
0x131: {  	v4 =	vadd.s32 v0, v5;
	s3 =	simm.s32 $0x0;
	_ =	swait.ge [sflag:s4], $0x800  }
0x132: {  	v6 =	vadd.s32 s3, v4;
	[sflag:s4] =	ssyncset.done $0x0  }
0x133: {  	[sflag:s4] =	ssyncadd.s32 $0xFFFFF800  }
0x134: {  	_ =	swait.ge [sflag:s4], $0x800  }
0x135: {  	[sflag:s4] =	ssyncset.done $0x0  }
0x136: {  	[sflag:s4] =	ssyncadd.s32 $0xFFFFF800  }
0x137: {  	s3 =	simm.s32 $0x10;
	v6 =	vld.idx.msk [tilespmem:v6+s19+$0x0], $0xffff  }
0x138: {  	v7 =	vadd.s32 s3, v4;
	_ =	sdelay $0x2  }
0x139: {  	s28 =	simm.s32 $0x13010  }
0x13a: {  	[tilespmem:s28+$0xFFFFFFF0] =	vst v6  }
0x13b: {  	s30 =	simm.s32 $0x0;
	s31 =	simm.s32 $0x30;
	v6 =	vld.idx.msk [tilespmem:v7+s19+$0x0], $0xffff  }
.LBB2_20:
0x13c: {  	s2 =	sadd.s32 $0xFFFFFFF0, s31;
	s30 =	sadd.s32 $0x2, s30  }
0x13d: {  	v7 =	vadd.s32 s2, v4;
	p0 =	slt.u32 s30, $0xFE;
	_ =	sdelay $0x3  }
0x13e: {  	[tilespmem:s28+$0x0] =	vst v6  }
0x13f: {  	v6 =	vld.idx.msk [tilespmem:v7+s19+$0x0], $0xffff;
	_ =	sdelay $0x1  }
0x140: {  	v7 =	vadd.s32 s31, v4  }
.Ltmp9:
0x141: {  	(pc) =	sbr.rel @p0 .LBB2_20-.Ltmp9, $4  }
0x142: {  	_ = 	snop  }
0x143: {  	s28 =	sadd.s32 $0x20, s28  }
0x144: {  	[tilespmem:s28+$0xFFFFFFF0] =	vst v6  }
0x145: {  	s31 =	sadd.s32 $0x20, s31;
	v6 =	vld.idx.msk [tilespmem:v7+s19+$0x0], $0xffff  }
0x146: {  	_ =	sdelay $0x2  }
0x147: {  	s2 =	simm.s32 $0x0  }
0x148: {  	v5 =	vadd.s32 v1, v5;
	s3 =	sand.u32 $0x7E0, s2;
	[tilespmem:s28+$0x0] =	vst v6  }
0x149: {  	v7 =	vadd.s32 s2, v5;
	v6 =	vld [tilespmem:s3+$0x7800];
	_ =	sdelay $0x4  }
0x14a: {  	s28 =	simm.s32 $0x7810;
	s3 =	simm.s32 $0x10;
	[tilespmem:v7+s19+$0x0] =	vst.idx.msk $0xffff, v6  }
0x14b: {  	v7 =	vadd.s32 s3, v5;
	v6 =	vld [tilespmem:s28+$0x0];
	_ =	sdelay $0x2  }
0x14c: {  	s30 =	simm.s32 $0x0;
	s31 =	simm.s32 $0x30  }
.LBB2_22:
0x14d: {  	s2 =	sadd.s32 $0xFFFFFFF0, s31;
	s30 =	sadd.s32 $0x2, s30  }
0x14e: {  	s3 =	sand.u32 $0x7E0, s2;
	p0 =	slt.u32 s30, $0x7E;
	[tilespmem:v7+s19+$0x0] =	vst.idx.msk $0xffff, v6  }
0x14f: {  	v7 =	vadd.s32 s2, v5;
	v6 =	vld [tilespmem:s3+$0x7800];
	_ =	sdelay $0x4  }
.Ltmp10:
0x150: {  	s28 =	sadd.s32 $0x20, s28;
	[tilespmem:v7+s19+$0x0] =	vst.idx.msk $0xffff, v6;
	(pc) =	sbr.rel @p0 .LBB2_22-.Ltmp10, $2  }
0x151: {  	v7 =	vadd.s32 s31, v5;
	v6 =	vld [tilespmem:s28+$0x0];
	_ =	sdelay $0x2  }
0x152: {  	s31 =	sadd.s32 $0x20, s31  }
0x153: {  	v5 =	vbroadcast v2, $0x3;
	_ =	sdelay $0x1  }
0x154: {  	s2 =	simm.s32 $0x0;
	v4 =	vadd.s32 v5, v4  }
0x155: {  	v5 =	vadd.s32 s2, v4;
	_ =	sdelay $0x3  }
0x156: {  	[tilespmem:v7+s19+$0x0] =	vst.idx.msk $0xffff, v6  }
0x157: {  	s3 =	simm.s32 $0x10;
	v5 =	vld.idx.msk [tilespmem:v5+s19+$0x0], $0xffff  }
0x158: {  	v6 =	vadd.s32 s3, v4;
	_ =	sdelay $0x2  }
0x159: {  	s28 =	simm.s32 $0x17010  }
0x15a: {  	[tilespmem:s28+$0xFFFFFFF0] =	vst v5  }
0x15b: {  	s30 =	simm.s32 $0x0;
	s31 =	simm.s32 $0x30;
	v5 =	vld.idx.msk [tilespmem:v6+s19+$0x0], $0xffff  }
.LBB2_24:
0x15c: {  	s2 =	sadd.s32 $0xFFFFFFF0, s31;
	s30 =	sadd.s32 $0x2, s30  }
0x15d: {  	v6 =	vadd.s32 s2, v4;
	p0 =	slt.u32 s30, $0xFE;
	_ =	sdelay $0x3  }
0x15e: {  	[tilespmem:s28+$0x0] =	vst v5  }
0x15f: {  	v5 =	vld.idx.msk [tilespmem:v6+s19+$0x0], $0xffff;
	_ =	sdelay $0x1  }
0x160: {  	v6 =	vadd.s32 s31, v4  }
.Ltmp11:
0x161: {  	(pc) =	sbr.rel @p0 .LBB2_24-.Ltmp11, $4  }
0x162: {  	_ = 	snop  }
0x163: {  	s28 =	sadd.s32 $0x20, s28  }
0x164: {  	[tilespmem:s28+$0xFFFFFFF0] =	vst v5  }
0x165: {  	s31 =	sadd.s32 $0x20, s31;
	v5 =	vld.idx.msk [tilespmem:v6+s19+$0x0], $0xffff  }
0x166: {  	_ =	sdelay $0x1  }
0x167: {  	s2 =	sld [smem:$0x7F3];
	_ =	sdelay $0x1  }
0x168: {  	s3 =	sld [smem:$0x7F4];
	[tilespmem:s28+$0x0] =	vst v5  }
0x169: {  	[hbm4b:s2+s15] =	stream.strided.scatter [tilespmem:s5], [sflag:$0xD], $0x1000, s16, s15, $0x38;
	[tilespmem:$0x18100] =	vst v63  }
0x16a: {  	_ = 	snop  }
0x16b: {  	[hbm4b:s3+s15] =	stream.strided.scatter [tilespmem:s6], [sflag:$0xD], $0x1000, s16, s15, $0x38;
	[tilespmem:$0x18100] =	vst v63  }
0x16c: {  	_ =	swait.ge [sflag:s7], $0x1000  }
0x16d: {  	[sflag:s7] =	ssyncset.done $0x0  }
0x16e: {  	[sflag:s7] =	ssyncadd.s32 $0xFFFFF000  }
0x16f: {  	_ =	swait.ge [sflag:s7], $0x1000  }
0x170: {  	[sflag:s7] =	ssyncset.done $0x0  }
0x171: {  	[sflag:s7] =	ssyncadd.s32 $0xFFFFF000  }
0x172: {  	_ =	swait.ge [sflag:s8], $0x1000  }
0x173: {  	v5 =	vbroadcast v3, $0x4;
	[sflag:s8] =	ssyncset.done $0x0  }
0x174: {  	[sflag:s8] =	ssyncadd.s32 $0xFFFFF000  }
0x175: {  	v4 =	vadd.s32 v0, v5;
	s3 =	simm.s32 $0x0;
	_ =	swait.ge [sflag:s8], $0x800  }
0x176: {  	v6 =	vadd.s32 s3, v4;
	[sflag:s8] =	ssyncset.done $0x0  }
0x177: {  	[sflag:s8] =	ssyncadd.s32 $0xFFFFF800  }
0x178: {  	_ =	swait.ge [sflag:s8], $0x800  }
0x179: {  	[sflag:s8] =	ssyncset.done $0x0  }
0x17a: {  	[sflag:s8] =	ssyncadd.s32 $0xFFFFF800  }
0x17b: {  	s3 =	simm.s32 $0x10;
	v6 =	vld.idx.msk [tilespmem:v6+s20+$0x0], $0xffff  }
0x17c: {  	v7 =	vadd.s32 s3, v4;
	_ =	sdelay $0x2  }
0x17d: {  	s28 =	simm.s32 $0x10010  }
0x17e: {  	[tilespmem:s28+$0xFFFFFFF0] =	vst v6  }
0x17f: {  	s30 =	simm.s32 $0x0;
	s31 =	simm.s32 $0x30;
	v6 =	vld.idx.msk [tilespmem:v7+s20+$0x0], $0xffff  }
.LBB2_26:
0x180: {  	s2 =	sadd.s32 $0xFFFFFFF0, s31;
	s30 =	sadd.s32 $0x2, s30  }
0x181: {  	v7 =	vadd.s32 s2, v4;
	p0 =	slt.u32 s30, $0xFE;
	_ =	sdelay $0x3  }
0x182: {  	[tilespmem:s28+$0x0] =	vst v6  }
0x183: {  	v6 =	vld.idx.msk [tilespmem:v7+s20+$0x0], $0xffff;
	_ =	sdelay $0x1  }
0x184: {  	v7 =	vadd.s32 s31, v4  }
.Ltmp12:
0x185: {  	(pc) =	sbr.rel @p0 .LBB2_26-.Ltmp12, $4  }
0x186: {  	_ = 	snop  }
0x187: {  	s28 =	sadd.s32 $0x20, s28  }
0x188: {  	[tilespmem:s28+$0xFFFFFFF0] =	vst v6  }
0x189: {  	s31 =	sadd.s32 $0x20, s31;
	v6 =	vld.idx.msk [tilespmem:v7+s20+$0x0], $0xffff  }
0x18a: {  	_ =	sdelay $0x2  }
0x18b: {  	s2 =	simm.s32 $0x0  }
0x18c: {  	v5 =	vadd.s32 v1, v5;
	s3 =	sand.u32 $0x7E0, s2;
	[tilespmem:s28+$0x0] =	vst v6  }
0x18d: {  	v7 =	vadd.s32 s2, v5;
	v6 =	vld [tilespmem:s3+$0x9800];
	_ =	sdelay $0x4  }
0x18e: {  	s28 =	simm.s32 $0x9810;
	s3 =	simm.s32 $0x10;
	[tilespmem:v7+s20+$0x0] =	vst.idx.msk $0xffff, v6  }
0x18f: {  	v7 =	vadd.s32 s3, v5;
	v6 =	vld [tilespmem:s28+$0x0];
	_ =	sdelay $0x2  }
0x190: {  	s30 =	simm.s32 $0x0;
	s31 =	simm.s32 $0x30  }
.LBB2_28:
0x191: {  	s2 =	sadd.s32 $0xFFFFFFF0, s31;
	s30 =	sadd.s32 $0x2, s30  }
0x192: {  	s3 =	sand.u32 $0x7E0, s2;
	p0 =	slt.u32 s30, $0x7E;
	[tilespmem:v7+s20+$0x0] =	vst.idx.msk $0xffff, v6  }
0x193: {  	v7 =	vadd.s32 s2, v5;
	v6 =	vld [tilespmem:s3+$0x9800];
	_ =	sdelay $0x4  }
.Ltmp13:
0x194: {  	s28 =	sadd.s32 $0x20, s28;
	[tilespmem:v7+s20+$0x0] =	vst.idx.msk $0xffff, v6;
	(pc) =	sbr.rel @p0 .LBB2_28-.Ltmp13, $2  }
0x195: {  	v7 =	vadd.s32 s31, v5;
	v6 =	vld [tilespmem:s28+$0x0];
	_ =	sdelay $0x2  }
0x196: {  	s31 =	sadd.s32 $0x20, s31  }
0x197: {  	v5 =	vbroadcast v2, $0x4;
	_ =	sdelay $0x1  }
0x198: {  	s2 =	simm.s32 $0x0;
	v4 =	vadd.s32 v5, v4  }
0x199: {  	v5 =	vadd.s32 s2, v4;
	_ =	sdelay $0x3  }
0x19a: {  	[tilespmem:v7+s20+$0x0] =	vst.idx.msk $0xffff, v6  }
0x19b: {  	s3 =	simm.s32 $0x10;
	v5 =	vld.idx.msk [tilespmem:v5+s20+$0x0], $0xffff  }
0x19c: {  	v6 =	vadd.s32 s3, v4;
	_ =	sdelay $0x2  }
0x19d: {  	s28 =	simm.s32 $0x14010  }
0x19e: {  	[tilespmem:s28+$0xFFFFFFF0] =	vst v5  }
0x19f: {  	s30 =	simm.s32 $0x0;
	s31 =	simm.s32 $0x30;
	v5 =	vld.idx.msk [tilespmem:v6+s20+$0x0], $0xffff  }
.LBB2_30:
0x1a0: {  	s2 =	sadd.s32 $0xFFFFFFF0, s31;
	s30 =	sadd.s32 $0x2, s30  }
0x1a1: {  	v6 =	vadd.s32 s2, v4;
	p0 =	slt.u32 s30, $0xFE;
	_ =	sdelay $0x3  }
0x1a2: {  	[tilespmem:s28+$0x0] =	vst v5  }
0x1a3: {  	v5 =	vld.idx.msk [tilespmem:v6+s20+$0x0], $0xffff;
	_ =	sdelay $0x1  }
0x1a4: {  	v6 =	vadd.s32 s31, v4  }
.Ltmp14:
0x1a5: {  	(pc) =	sbr.rel @p0 .LBB2_30-.Ltmp14, $4  }
0x1a6: {  	_ = 	snop  }
0x1a7: {  	s28 =	sadd.s32 $0x20, s28  }
0x1a8: {  	[tilespmem:s28+$0xFFFFFFF0] =	vst v5  }
0x1a9: {  	s31 =	sadd.s32 $0x20, s31;
	v5 =	vld.idx.msk [tilespmem:v6+s20+$0x0], $0xffff  }
0x1aa: {  	_ =	sdelay $0x1  }
0x1ab: {  	s2 =	sld [smem:$0x7F5];
	_ =	sdelay $0x1  }
0x1ac: {  	s3 =	simm.s32 $0x10000;
	[tilespmem:s28+$0x0] =	vst v5  }
0x1ad: {  	[hbm4b:s2+s15] =	stream.strided.scatter [tilespmem:s3], [sflag:$0xA], $0x1000, s16, s15, $0x38;
	[tilespmem:$0x18100] =	vst v63  }
0x1ae: {  	s2 =	sld [smem:$0x7F6];
	_ =	sdelay $0x1  }
0x1af: {  	s3 =	simm.s32 $0x14000  }
0x1b0: {  	[hbm4b:s2+s15] =	stream.strided.scatter [tilespmem:s3], [sflag:$0xA], $0x1000, s16, s15, $0x38;
	[tilespmem:$0x18100] =	vst v63  }
0x1b1: {  	_ =	swait.ge [sflag:s9], $0x1000  }
0x1b2: {  	[sflag:s9] =	ssyncset.done $0x0  }
0x1b3: {  	[sflag:s9] =	ssyncadd.s32 $0xFFFFF000  }
0x1b4: {  	_ =	swait.ge [sflag:s9], $0x1000  }
0x1b5: {  	[sflag:s9] =	ssyncset.done $0x0  }
0x1b6: {  	[sflag:s9] =	ssyncadd.s32 $0xFFFFF000  }
0x1b7: {  	_ =	swait.ge [sflag:s10], $0x1000  }
0x1b8: {  	v5 =	vbroadcast v3, $0x5;
	[sflag:s10] =	ssyncset.done $0x0  }
0x1b9: {  	[sflag:s10] =	ssyncadd.s32 $0xFFFFF000  }
0x1ba: {  	v4 =	vadd.s32 v0, v5;
	s3 =	simm.s32 $0x0;
	_ =	swait.ge [sflag:s10], $0x800  }
0x1bb: {  	v6 =	vadd.s32 s3, v4;
	[sflag:s10] =	ssyncset.done $0x0  }
0x1bc: {  	[sflag:s10] =	ssyncadd.s32 $0xFFFFF800  }
0x1bd: {  	_ =	swait.ge [sflag:s10], $0x800  }
0x1be: {  	[sflag:s10] =	ssyncset.done $0x0  }
0x1bf: {  	[sflag:s10] =	ssyncadd.s32 $0xFFFFF800  }
0x1c0: {  	s3 =	simm.s32 $0x10;
	v6 =	vld.idx.msk [tilespmem:v6+s21+$0x0], $0xffff  }
0x1c1: {  	v7 =	vadd.s32 s3, v4;
	_ =	sdelay $0x2  }
0x1c2: {  	s28 =	simm.s32 $0x11010  }
0x1c3: {  	[tilespmem:s28+$0xFFFFFFF0] =	vst v6  }
0x1c4: {  	s30 =	simm.s32 $0x0;
	s31 =	simm.s32 $0x30;
	v6 =	vld.idx.msk [tilespmem:v7+s21+$0x0], $0xffff  }
.LBB2_32:
0x1c5: {  	s2 =	sadd.s32 $0xFFFFFFF0, s31;
	s30 =	sadd.s32 $0x2, s30  }
0x1c6: {  	v7 =	vadd.s32 s2, v4;
	p0 =	slt.u32 s30, $0xFE;
	_ =	sdelay $0x3  }
0x1c7: {  	[tilespmem:s28+$0x0] =	vst v6  }
0x1c8: {  	v6 =	vld.idx.msk [tilespmem:v7+s21+$0x0], $0xffff;
	_ =	sdelay $0x1  }
0x1c9: {  	v7 =	vadd.s32 s31, v4  }
.Ltmp15:
0x1ca: {  	(pc) =	sbr.rel @p0 .LBB2_32-.Ltmp15, $4  }
0x1cb: {  	_ = 	snop  }
0x1cc: {  	s28 =	sadd.s32 $0x20, s28  }
0x1cd: {  	[tilespmem:s28+$0xFFFFFFF0] =	vst v6  }
0x1ce: {  	s31 =	sadd.s32 $0x20, s31;
	v6 =	vld.idx.msk [tilespmem:v7+s21+$0x0], $0xffff  }
0x1cf: {  	_ =	sdelay $0x2  }
0x1d0: {  	s2 =	simm.s32 $0x0  }
0x1d1: {  	v5 =	vadd.s32 v1, v5;
	s3 =	sand.u32 $0x7E0, s2;
	[tilespmem:s28+$0x0] =	vst v6  }
0x1d2: {  	v7 =	vadd.s32 s2, v5;
	v6 =	vld [tilespmem:s3+$0xB800];
	_ =	sdelay $0x4  }
0x1d3: {  	s28 =	simm.s32 $0xB810;
	s3 =	simm.s32 $0x10;
	[tilespmem:v7+s21+$0x0] =	vst.idx.msk $0xffff, v6  }
0x1d4: {  	v7 =	vadd.s32 s3, v5;
	v6 =	vld [tilespmem:s28+$0x0];
	_ =	sdelay $0x2  }
0x1d5: {  	s30 =	simm.s32 $0x0;
	s31 =	simm.s32 $0x30  }
.LBB2_34:
0x1d6: {  	s2 =	sadd.s32 $0xFFFFFFF0, s31;
	s30 =	sadd.s32 $0x2, s30  }
0x1d7: {  	s3 =	sand.u32 $0x7E0, s2;
	p0 =	slt.u32 s30, $0x7E;
	[tilespmem:v7+s21+$0x0] =	vst.idx.msk $0xffff, v6  }
0x1d8: {  	v7 =	vadd.s32 s2, v5;
	v6 =	vld [tilespmem:s3+$0xB800];
	_ =	sdelay $0x4  }
.Ltmp16:
0x1d9: {  	s28 =	sadd.s32 $0x20, s28;
	[tilespmem:v7+s21+$0x0] =	vst.idx.msk $0xffff, v6;
	(pc) =	sbr.rel @p0 .LBB2_34-.Ltmp16, $2  }
0x1da: {  	v7 =	vadd.s32 s31, v5;
	v6 =	vld [tilespmem:s28+$0x0];
	_ =	sdelay $0x2  }
0x1db: {  	s31 =	sadd.s32 $0x20, s31  }
0x1dc: {  	v5 =	vbroadcast v2, $0x5;
	_ =	sdelay $0x1  }
0x1dd: {  	s2 =	simm.s32 $0x0;
	v4 =	vadd.s32 v5, v4  }
0x1de: {  	v5 =	vadd.s32 s2, v4;
	_ =	sdelay $0x3  }
0x1df: {  	[tilespmem:v7+s21+$0x0] =	vst.idx.msk $0xffff, v6  }
0x1e0: {  	s3 =	simm.s32 $0x10;
	v5 =	vld.idx.msk [tilespmem:v5+s21+$0x0], $0xffff  }
0x1e1: {  	v6 =	vadd.s32 s3, v4;
	_ =	sdelay $0x2  }
0x1e2: {  	s28 =	simm.s32 $0x15010  }
0x1e3: {  	[tilespmem:s28+$0xFFFFFFF0] =	vst v5  }
0x1e4: {  	s30 =	simm.s32 $0x0;
	s31 =	simm.s32 $0x30;
	v5 =	vld.idx.msk [tilespmem:v6+s21+$0x0], $0xffff  }
.LBB2_36:
0x1e5: {  	s2 =	sadd.s32 $0xFFFFFFF0, s31;
	s30 =	sadd.s32 $0x2, s30  }
0x1e6: {  	v6 =	vadd.s32 s2, v4;
	p0 =	slt.u32 s30, $0xFE;
	_ =	sdelay $0x3  }
0x1e7: {  	[tilespmem:s28+$0x0] =	vst v5  }
0x1e8: {  	v5 =	vld.idx.msk [tilespmem:v6+s21+$0x0], $0xffff;
	_ =	sdelay $0x1  }
0x1e9: {  	v6 =	vadd.s32 s31, v4  }
.Ltmp17:
0x1ea: {  	(pc) =	sbr.rel @p0 .LBB2_36-.Ltmp17, $4  }
0x1eb: {  	_ = 	snop  }
0x1ec: {  	s28 =	sadd.s32 $0x20, s28  }
0x1ed: {  	[tilespmem:s28+$0xFFFFFFF0] =	vst v5  }
0x1ee: {  	s31 =	sadd.s32 $0x20, s31;
	v5 =	vld.idx.msk [tilespmem:v6+s21+$0x0], $0xffff  }
0x1ef: {  	_ =	sdelay $0x1  }
0x1f0: {  	s2 =	sld [smem:$0x7F7];
	_ =	sdelay $0x1  }
0x1f1: {  	s3 =	simm.s32 $0x11000;
	[tilespmem:s28+$0x0] =	vst v5  }
0x1f2: {  	[hbm4b:s2+s15] =	stream.strided.scatter [tilespmem:s3], [sflag:$0xB], $0x1000, s16, s15, $0x38;
	[tilespmem:$0x18100] =	vst v63  }
0x1f3: {  	s2 =	sld [smem:$0x7F8];
	_ =	sdelay $0x1  }
0x1f4: {  	s3 =	simm.s32 $0x15000  }
0x1f5: {  	[hbm4b:s2+s15] =	stream.strided.scatter [tilespmem:s3], [sflag:$0xB], $0x1000, s16, s15, $0x38;
	[tilespmem:$0x18100] =	vst v63  }
0x1f6: {  	_ =	swait.ge [sflag:s11], $0x1000  }
0x1f7: {  	[sflag:s11] =	ssyncset.done $0x0  }
0x1f8: {  	[sflag:s11] =	ssyncadd.s32 $0xFFFFF000  }
0x1f9: {  	_ =	swait.ge [sflag:s11], $0x1000  }
0x1fa: {  	[sflag:s11] =	ssyncset.done $0x0  }
0x1fb: {  	[sflag:s11] =	ssyncadd.s32 $0xFFFFF000  }
0x1fc: {  	_ =	swait.ge [sflag:s12], $0x1000  }
0x1fd: {  	v5 =	vbroadcast v3, $0x6;
	[sflag:s12] =	ssyncset.done $0x0  }
0x1fe: {  	[sflag:s12] =	ssyncadd.s32 $0xFFFFF000  }
0x1ff: {  	v4 =	vadd.s32 v0, v5;
	s3 =	simm.s32 $0x0;
	_ =	swait.ge [sflag:s12], $0x800  }
0x200: {  	v6 =	vadd.s32 s3, v4;
	[sflag:s12] =	ssyncset.done $0x0  }
0x201: {  	[sflag:s12] =	ssyncadd.s32 $0xFFFFF800  }
0x202: {  	_ =	swait.ge [sflag:s12], $0x800  }
0x203: {  	[sflag:s12] =	ssyncset.done $0x0  }
0x204: {  	[sflag:s12] =	ssyncadd.s32 $0xFFFFF800  }
0x205: {  	s3 =	simm.s32 $0x10;
	v6 =	vld.idx.msk [tilespmem:v6+s22+$0x0], $0xffff  }
0x206: {  	v7 =	vadd.s32 s3, v4;
	_ =	sdelay $0x2  }
0x207: {  	s28 =	simm.s32 $0x12010  }
0x208: {  	[tilespmem:s28+$0xFFFFFFF0] =	vst v6  }
0x209: {  	s30 =	simm.s32 $0x0;
	s31 =	simm.s32 $0x30;
	v6 =	vld.idx.msk [tilespmem:v7+s22+$0x0], $0xffff  }
.LBB2_38:
0x20a: {  	s2 =	sadd.s32 $0xFFFFFFF0, s31;
	s30 =	sadd.s32 $0x2, s30  }
0x20b: {  	v7 =	vadd.s32 s2, v4;
	p0 =	slt.u32 s30, $0xFE;
	_ =	sdelay $0x3  }
0x20c: {  	[tilespmem:s28+$0x0] =	vst v6  }
0x20d: {  	v6 =	vld.idx.msk [tilespmem:v7+s22+$0x0], $0xffff;
	_ =	sdelay $0x1  }
0x20e: {  	v7 =	vadd.s32 s31, v4  }
.Ltmp18:
0x20f: {  	(pc) =	sbr.rel @p0 .LBB2_38-.Ltmp18, $4  }
0x210: {  	_ = 	snop  }
0x211: {  	s28 =	sadd.s32 $0x20, s28  }
0x212: {  	[tilespmem:s28+$0xFFFFFFF0] =	vst v6  }
0x213: {  	s31 =	sadd.s32 $0x20, s31;
	v6 =	vld.idx.msk [tilespmem:v7+s22+$0x0], $0xffff  }
0x214: {  	_ =	sdelay $0x2  }
0x215: {  	s2 =	simm.s32 $0x0  }
0x216: {  	v5 =	vadd.s32 v1, v5;
	s3 =	sand.u32 $0x7E0, s2;
	[tilespmem:s28+$0x0] =	vst v6  }
0x217: {  	v7 =	vadd.s32 s2, v5;
	v6 =	vld [tilespmem:s3+$0xD800];
	_ =	sdelay $0x4  }
0x218: {  	s28 =	simm.s32 $0xD810;
	s3 =	simm.s32 $0x10;
	[tilespmem:v7+s22+$0x0] =	vst.idx.msk $0xffff, v6  }
0x219: {  	v7 =	vadd.s32 s3, v5;
	v6 =	vld [tilespmem:s28+$0x0];
	_ =	sdelay $0x2  }
0x21a: {  	s30 =	simm.s32 $0x0;
	s31 =	simm.s32 $0x30  }
.LBB2_40:
0x21b: {  	s2 =	sadd.s32 $0xFFFFFFF0, s31;
	s30 =	sadd.s32 $0x2, s30  }
0x21c: {  	s3 =	sand.u32 $0x7E0, s2;
	p0 =	slt.u32 s30, $0x7E;
	[tilespmem:v7+s22+$0x0] =	vst.idx.msk $0xffff, v6  }
0x21d: {  	v7 =	vadd.s32 s2, v5;
	v6 =	vld [tilespmem:s3+$0xD800];
	_ =	sdelay $0x4  }
.Ltmp19:
0x21e: {  	s28 =	sadd.s32 $0x20, s28;
	[tilespmem:v7+s22+$0x0] =	vst.idx.msk $0xffff, v6;
	(pc) =	sbr.rel @p0 .LBB2_40-.Ltmp19, $2  }
0x21f: {  	v7 =	vadd.s32 s31, v5;
	v6 =	vld [tilespmem:s28+$0x0];
	_ =	sdelay $0x2  }
0x220: {  	s31 =	sadd.s32 $0x20, s31  }
0x221: {  	v5 =	vbroadcast v2, $0x6;
	_ =	sdelay $0x1  }
0x222: {  	s2 =	simm.s32 $0x0;
	v4 =	vadd.s32 v5, v4  }
0x223: {  	v5 =	vadd.s32 s2, v4;
	_ =	sdelay $0x3  }
0x224: {  	[tilespmem:v7+s22+$0x0] =	vst.idx.msk $0xffff, v6  }
0x225: {  	s3 =	simm.s32 $0x10;
	v5 =	vld.idx.msk [tilespmem:v5+s22+$0x0], $0xffff  }
0x226: {  	v6 =	vadd.s32 s3, v4;
	_ =	sdelay $0x2  }
0x227: {  	s28 =	simm.s32 $0x16010  }
0x228: {  	[tilespmem:s28+$0xFFFFFFF0] =	vst v5  }
0x229: {  	s30 =	simm.s32 $0x0;
	s31 =	simm.s32 $0x30;
	v5 =	vld.idx.msk [tilespmem:v6+s22+$0x0], $0xffff  }
.LBB2_42:
0x22a: {  	s2 =	sadd.s32 $0xFFFFFFF0, s31;
	s30 =	sadd.s32 $0x2, s30  }
0x22b: {  	v6 =	vadd.s32 s2, v4;
	p0 =	slt.u32 s30, $0xFE;
	_ =	sdelay $0x3  }
0x22c: {  	[tilespmem:s28+$0x0] =	vst v5  }
0x22d: {  	v5 =	vld.idx.msk [tilespmem:v6+s22+$0x0], $0xffff;
	_ =	sdelay $0x1  }
0x22e: {  	v6 =	vadd.s32 s31, v4  }
.Ltmp20:
0x22f: {  	(pc) =	sbr.rel @p0 .LBB2_42-.Ltmp20, $4  }
0x230: {  	_ = 	snop  }
0x231: {  	s28 =	sadd.s32 $0x20, s28  }
0x232: {  	[tilespmem:s28+$0xFFFFFFF0] =	vst v5  }
0x233: {  	s31 =	sadd.s32 $0x20, s31;
	v5 =	vld.idx.msk [tilespmem:v6+s22+$0x0], $0xffff  }
0x234: {  	_ =	sdelay $0x1  }
0x235: {  	s2 =	sld [smem:$0x7F9];
	_ =	sdelay $0x1  }
0x236: {  	s3 =	simm.s32 $0x12000;
	[tilespmem:s28+$0x0] =	vst v5  }
0x237: {  	[hbm4b:s2+s15] =	stream.strided.scatter [tilespmem:s3], [sflag:$0xC], $0x1000, s16, s15, $0x38;
	[tilespmem:$0x18100] =	vst v63  }
0x238: {  	s2 =	sld [smem:$0x7FA];
	_ =	sdelay $0x1  }
0x239: {  	s3 =	simm.s32 $0x16000  }
0x23a: {  	[hbm4b:s2+s15] =	stream.strided.scatter [tilespmem:s3], [sflag:$0xC], $0x1000, s16, s15, $0x38;
	[tilespmem:$0x18100] =	vst v63  }
0x23b: {  	_ =	swait.ge [sflag:s13], $0x1000  }
0x23c: {  	[sflag:s13] =	ssyncset.done $0x0  }
0x23d: {  	[sflag:s13] =	ssyncadd.s32 $0xFFFFF000  }
0x23e: {  	_ =	swait.ge [sflag:s13], $0x1000  }
0x23f: {  	[sflag:s13] =	ssyncset.done $0x0  }
0x240: {  	[sflag:s13] =	ssyncadd.s32 $0xFFFFF000  }
0x241: {  	_ =	swait.ge [sflag:s14], $0x1000  }
0x242: {  	v4 =	vbroadcast v3, $0x7;
	[sflag:s14] =	ssyncset.done $0x0  }
0x243: {  	[sflag:s14] =	ssyncadd.s32 $0xFFFFF000  }
0x244: {  	v3 =	vadd.s32 v0, v4;
	s3 =	simm.s32 $0x0;
	_ =	swait.ge [sflag:s14], $0x800  }
0x245: {  	v5 =	vadd.s32 s3, v3;
	[sflag:s14] =	ssyncset.done $0x0  }
0x246: {  	[sflag:s14] =	ssyncadd.s32 $0xFFFFF800  }
0x247: {  	_ =	swait.ge [sflag:s14], $0x800  }
0x248: {  	[sflag:s14] =	ssyncset.done $0x0  }
0x249: {  	[sflag:s14] =	ssyncadd.s32 $0xFFFFF800  }
0x24a: {  	s3 =	simm.s32 $0x10;
	v5 =	vld.idx.msk [tilespmem:v5+s23+$0x0], $0xffff  }
0x24b: {  	v6 =	vadd.s32 s3, v3;
	_ =	sdelay $0x2  }
0x24c: {  	s28 =	simm.s32 $0x13010  }
0x24d: {  	[tilespmem:s28+$0xFFFFFFF0] =	vst v5  }
0x24e: {  	s30 =	simm.s32 $0x0;
	s31 =	simm.s32 $0x30;
	v5 =	vld.idx.msk [tilespmem:v6+s23+$0x0], $0xffff  }
.LBB2_44:
0x24f: {  	s2 =	sadd.s32 $0xFFFFFFF0, s31;
	s30 =	sadd.s32 $0x2, s30  }
0x250: {  	v6 =	vadd.s32 s2, v3;
	p0 =	slt.u32 s30, $0xFE;
	_ =	sdelay $0x3  }
0x251: {  	[tilespmem:s28+$0x0] =	vst v5  }
0x252: {  	v5 =	vld.idx.msk [tilespmem:v6+s23+$0x0], $0xffff;
	_ =	sdelay $0x1  }
0x253: {  	v6 =	vadd.s32 s31, v3  }
.Ltmp21:
0x254: {  	(pc) =	sbr.rel @p0 .LBB2_44-.Ltmp21, $4  }
0x255: {  	_ = 	snop  }
0x256: {  	s28 =	sadd.s32 $0x20, s28  }
0x257: {  	[tilespmem:s28+$0xFFFFFFF0] =	vst v5  }
0x258: {  	s31 =	sadd.s32 $0x20, s31;
	v5 =	vld.idx.msk [tilespmem:v6+s23+$0x0], $0xffff  }
0x259: {  	_ =	sdelay $0x2  }
0x25a: {  	s2 =	simm.s32 $0x0  }
0x25b: {  	v4 =	vadd.s32 v1, v4;
	s3 =	sand.u32 $0x7E0, s2;
	[tilespmem:s28+$0x0] =	vst v5  }
0x25c: {  	v6 =	vadd.s32 s2, v4;
	v5 =	vld [tilespmem:s3+$0xF800];
	_ =	sdelay $0x4  }
0x25d: {  	s28 =	simm.s32 $0xF810;
	s3 =	simm.s32 $0x10;
	[tilespmem:v6+s23+$0x0] =	vst.idx.msk $0xffff, v5  }
0x25e: {  	v6 =	vadd.s32 s3, v4;
	v5 =	vld [tilespmem:s28+$0x0];
	_ =	sdelay $0x2  }
0x25f: {  	s30 =	simm.s32 $0x0;
	s31 =	simm.s32 $0x30  }
.LBB2_46:
0x260: {  	s2 =	sadd.s32 $0xFFFFFFF0, s31;
	s30 =	sadd.s32 $0x2, s30  }
0x261: {  	s3 =	sand.u32 $0x7E0, s2;
	p0 =	slt.u32 s30, $0x7E;
	[tilespmem:v6+s23+$0x0] =	vst.idx.msk $0xffff, v5  }
0x262: {  	v6 =	vadd.s32 s2, v4;
	v5 =	vld [tilespmem:s3+$0xF800];
	_ =	sdelay $0x4  }
.Ltmp22:
0x263: {  	s28 =	sadd.s32 $0x20, s28;
	[tilespmem:v6+s23+$0x0] =	vst.idx.msk $0xffff, v5;
	(pc) =	sbr.rel @p0 .LBB2_46-.Ltmp22, $2  }
0x264: {  	v6 =	vadd.s32 s31, v4;
	v5 =	vld [tilespmem:s28+$0x0];
	_ =	sdelay $0x2  }
0x265: {  	s31 =	sadd.s32 $0x20, s31  }
0x266: {  	v2 =	vbroadcast v2, $0x7;
	_ =	sdelay $0x1  }
0x267: {  	s2 =	simm.s32 $0x0;
	v2 =	vadd.s32 v2, v3  }
0x268: {  	v3 =	vadd.s32 s2, v2;
	_ =	sdelay $0x3  }
0x269: {  	[tilespmem:v6+s23+$0x0] =	vst.idx.msk $0xffff, v5  }
0x26a: {  	s3 =	simm.s32 $0x10;
	v3 =	vld.idx.msk [tilespmem:v3+s23+$0x0], $0xffff  }
0x26b: {  	v4 =	vadd.s32 s3, v2;
	_ =	sdelay $0x2  }
0x26c: {  	s28 =	simm.s32 $0x17010  }
0x26d: {  	[tilespmem:s28+$0xFFFFFFF0] =	vst v3  }
0x26e: {  	s30 =	simm.s32 $0x0;
	s31 =	simm.s32 $0x30;
	v3 =	vld.idx.msk [tilespmem:v4+s23+$0x0], $0xffff  }
.LBB2_48:
0x26f: {  	s2 =	sadd.s32 $0xFFFFFFF0, s31;
	s30 =	sadd.s32 $0x2, s30  }
0x270: {  	v4 =	vadd.s32 s2, v2;
	p0 =	slt.u32 s30, $0xFE;
	_ =	sdelay $0x3  }
0x271: {  	[tilespmem:s28+$0x0] =	vst v3  }
0x272: {  	v3 =	vld.idx.msk [tilespmem:v4+s23+$0x0], $0xffff;
	_ =	sdelay $0x1  }
0x273: {  	v4 =	vadd.s32 s31, v2  }
.Ltmp23:
0x274: {  	(pc) =	sbr.rel @p0 .LBB2_48-.Ltmp23, $4  }
0x275: {  	_ = 	snop  }
0x276: {  	s28 =	sadd.s32 $0x20, s28  }
0x277: {  	[tilespmem:s28+$0xFFFFFFF0] =	vst v3  }
0x278: {  	s31 =	sadd.s32 $0x20, s31;
	v3 =	vld.idx.msk [tilespmem:v4+s23+$0x0], $0xffff  }
0x279: {  	_ =	sdelay $0x1  }
0x27a: {  	s2 =	sld [smem:$0x7FB];
	_ =	sdelay $0x1  }
0x27b: {  	s30 =	sld [smem:$0x7FC];
	[tilespmem:s28+$0x0] =	vst v3  }
0x27c: {  	[hbm4b:s2+s15] =	stream.strided.scatter [tilespmem:s5], [sflag:$0xD], $0x1000, s16, s15, $0x38;
	[tilespmem:$0x18100] =	vst v63  }
0x27d: {  	_ = 	snop  }
0x27e: {  	[hbm4b:s30+s15] =	stream.strided.scatter [tilespmem:s6], [sflag:$0xD], $0x1000, s16, s15, $0x38;
	[tilespmem:$0x18100] =	vst v63  }
0x27f: {  	_ =	swait.ge [sflag:s7], $0x1000  }
0x280: {  	[sflag:s7] =	ssyncset.done $0x0  }
0x281: {  	[sflag:s7] =	ssyncadd.s32 $0xFFFFF000  }
0x282: {  	_ =	swait.ge [sflag:s7], $0x1000  }
0x283: {  	[sflag:s7] =	ssyncset.done $0x0  }
0x284: {  	[sflag:s7] =	ssyncadd.s32 $0xFFFFF000  }
0x285: {  	_ =	swait.ge [sflag:s9], $0x1000  }
0x286: {  	[sflag:s9] =	ssyncset.done $0x0  }
0x287: {  	[sflag:s9] =	ssyncadd.s32 $0xFFFFF000  }
0x288: {  	_ =	swait.ge [sflag:s9], $0x1000  }
0x289: {  	[sflag:s9] =	ssyncset.done $0x0  }
0x28a: {  	[sflag:s9] =	ssyncadd.s32 $0xFFFFF000  }
0x28b: {  	_ =	swait.ge [sflag:s11], $0x1000  }
0x28c: {  	[sflag:s11] =	ssyncset.done $0x0  }
0x28d: {  	[sflag:s11] =	ssyncadd.s32 $0xFFFFF000  }
0x28e: {  	_ =	swait.ge [sflag:s11], $0x1000  }
0x28f: {  	[sflag:s11] =	ssyncset.done $0x0  }
0x290: {  	[sflag:s11] =	ssyncadd.s32 $0xFFFFF000  }
0x291: {  	_ =	swait.ge [sflag:s13], $0x1000  }
0x292: {  	[sflag:s13] =	ssyncset.done $0x0  }
0x293: {  	[sflag:s13] =	ssyncadd.s32 $0xFFFFF000  }
0x294: {  	_ =	swait.ge [sflag:s13], $0x1000  }
0x295: {  	s31 =	sld [smem:$0x7FD];
	_ =	sdelay $0x1  }
0x296: {  	s26 =	sadd.s32 $0x1, s26  }
0x297: {  	p0 =	sne.s32 s26, s31  }
.Ltmp24:
0x298: {  	_ = 	snop;
	(pc) =	sbr.rel @p0 .LBB2_1-.Ltmp24, $3  }
0x299: {  	_ =	sdelay $0x1  }
0x29a: {  	[sflag:s13] =	ssyncset.done $0x0  }
0x29b: {  	[sflag:s13] =	ssyncadd.s32 $0xFFFFF000  }
0x29c: {  	_ =	sfence.sel $0x180000  }
0x29d: {  	[bflag:$0x0] =	sbarrier.arrive $0xFFFF  }
0x29e: {  	_ =	strace $0x90000047  }
0x29f: {  	s0 =	stileid.u32;
	[bflag:$0x2] =	sbarrier.arrive $0xFFFF  }
0x2a0: {  	p0 =	sne.s32 s0, $0x0;
	s0 =	rddreg [dreg:$0x7]  }
0x2a1: {  	s0 =	sadd.s32 @!p0 $0x100000, s0  }
0x2a2: {  	[sflag:s0] =	ssyncadd.tile.s32 @!p0 $0x1;
	_ =	shalt  }
.Lfunc_end2:
_tile_overlayer_lowered:
.L_overlay_start_2:
0x2a3: {  	(tag) =	ssettag $0x2  }
0x2a4: {  	s0 =	rddreg [dreg:$0x0];
	s2 =	stileid.u32  }
0x2a5: {  	s1 =	rddreg [dreg:$0x1];
	p0 =	sne.s32 s2, $0x0  }
0x2a6: {  	s3 =	rddreg [dreg:$0x2];
	[bflag:$0x3] =	sbarrier.arrive $0xFFFF;
	s2 =	simm.s32 @!p0 $0x1C0E  }
0x2a7: {  	[timem:s3], [sflag:s2] =	dma.local @!p0 [hbm:s0], s1  }
0x2a8: {  	s0 =	simm.s32 @!p0 $0xE  }
0x2a9: {  	_ =	swait.ge @!p0 [sflag:s0], s1  }
0x2aa: {  	s1 =	ssub.s32 @!p0 $0x0, s1;
	[sflag:s0] =	ssyncset.done @!p0 $0x0  }
0x2ab: {  	[sflag:s0] =	ssyncadd.s32 @!p0 s1  }
0x2ac: {  	[bflag:$0x3] =	sbarrier.arrive $0xFFFF  }
0x2ad: {  	_ =	shalt  }

</sc_bundles>
